<compile_context>
chip_gen: v7x
topology: tpu7x:2x2x1
jax: 0.10.2.dev20260603
libtpu: 0.0.44.dev20260713+nightly
codegen_flags: <defaults>
</compile_context>

<pallas_src>
import functools

import jax
import jax.numpy as jnp
from jax import lax
from jax.experimental import pallas as pl
from jax.experimental.pallas import tpu as pltpu
from jax.experimental.pallas import tpu_sc as plsc

N = 10000
E = 320000
H = 64
C = 16
EPS = 1.0

ROW_BLK = 1024
CH = 3200
NW = 32
NSC = 16
PACK_SHIFT = 14



def _sc_agg_body(fdim, split_cores, packedE, aggT, xcol, aggcol, pbufs, sems):
    c = lax.axis_index("c")
    s = lax.axis_index("s")
    if split_cores:
        fpt = fdim // NSC
        f0 = s * fpt
        ebase = c * (E // 2)
        nchunk = (E // 2) // CH
        out_off = c * (fdim * N)
    else:
        fpt = fdim // NW
        f0 = (s * 2 + c) * fpt
        ebase = 0
        nchunk = E // CH
        out_off = 0

    pltpu.async_copy(packedE.at[pl.ds(ebase, CH)], pbufs[0], sems[0])

    def zero_body(i, _):
        aggcol[pl.ds(i * 16, 16)] = jnp.zeros((16,), jnp.float32)
        return 0

    lax.fori_loop(0, fpt * N // 16, zero_body, 0)

    def chunk_pair(ci2, _):
        for b in range(2):
            ci = ci2 * 2 + b
            pltpu.make_async_copy(
                packedE.at[pl.ds(ebase + ci * CH, CH)], pbufs[b], sems[b]
            ).wait()

            @pl.when(ci + 1 < nchunk)
            def _():
                pltpu.async_copy(
                    packedE.at[pl.ds(ebase + (ci + 1) * CH, CH)],
                    pbufs[1 - b], sems[1 - b])

            def grp(g, _):
                vals = []
                dsts = []
                for u in range(8):
                    p16 = pbufs[b][pl.ds(g * 128 + u * 16, 16)]
                    s16 = lax.bitwise_and(p16, (1 << PACK_SHIFT) - 1)
                    d16 = lax.shift_right_logical(p16, PACK_SHIFT)
                    dsts.append(d16)
                    for f in range(fpt):
                        vals.append(plsc.load_gather(xcol, [s16 + (f * N)]))
                for u in range(8):
                    for f in range(fpt):
                        plsc.addupdate_scatter(
                            aggcol, [dsts[u] + (f * N)], vals[u * fpt + f])
                return 0

            lax.fori_loop(0, CH // 128, grp, 0)
        return 0

    lax.fori_loop(0, nchunk // 2, chunk_pair, 0)
    pltpu.sync_copy(aggcol, aggT.at[pl.ds(out_off + f0 * N, fpt * N)])


def _sc_agg_bits_body(packedE, hbits0, hbits1, aggT, wtab, aggcol,
                      pbuf0, pbuf1, sem0, sem1):
    fdim = H
    fpt = fdim // NSC
    pbufs = (pbuf0, pbuf1)
    sems = (sem0, sem1)
    c = lax.axis_index("c")
    s = lax.axis_index("s")
    f0 = s * fpt
    ebase = c * (E // 2)
    nchunk = (E // 2) // CH
    out_off = c * (fdim * N)

    pltpu.async_copy(packedE.at[pl.ds(ebase, CH)], pbufs[0], sems[0])

    @pl.when(f0 < 32)
    def _():
        pltpu.sync_copy(hbits0, wtab)

    @pl.when(f0 >= 32)
    def _():
        pltpu.sync_copy(hbits1, wtab)

    fb0 = lax.rem(f0, 32)

    def zero_body(i, _):
        aggcol[pl.ds(i * 16, 16)] = jnp.zeros((16,), jnp.float32)
        return 0

    lax.fori_loop(0, fpt * N // 16, zero_body, 0)

    ones = jnp.ones((16,), jnp.float32)

    def chunk_pair(ci2, _):
        for b in range(2):
            ci = ci2 * 2 + b
            pltpu.make_async_copy(
                packedE.at[pl.ds(ebase + ci * CH, CH)], pbufs[b], sems[b]
            ).wait()

            @pl.when(ci + 1 < nchunk)
            def _():
                pltpu.async_copy(
                    packedE.at[pl.ds(ebase + (ci + 1) * CH, CH)],
                    pbufs[1 - b], sems[1 - b])

            def grp(g, _):
                masks = []
                dsts = []
                for u in range(4):
                    p16 = pbufs[b][pl.ds(g * 64 + u * 16, 16)]
                    s16 = lax.bitwise_and(p16, (1 << PACK_SHIFT) - 1)
                    d16 = lax.shift_right_logical(p16, PACK_SHIFT)
                    dsts.append(d16)
                    w16 = plsc.load_gather(wtab, [s16])
                    wsh = lax.shift_right_logical(
                        w16, lax.broadcast_in_dim(fb0, (16,), ()))
                    for f in range(fpt):
                        bit = lax.bitwise_and(
                            lax.shift_right_logical(wsh, f), 1)
                        masks.append(bit == 1)
                for u in range(4):
                    for f in range(fpt):
                        plsc.addupdate_scatter(
                            aggcol, [dsts[u] + (f * N)], ones,
                            mask=masks[u * fpt + f])
                return 0

            lax.fori_loop(0, CH // 64, grp, 0)
        return 0

    lax.fori_loop(0, nchunk // 2, chunk_pair, 0)
    pltpu.sync_copy(aggcol, aggT.at[pl.ds(out_off + f0 * N, fpt * N)])


def _sc_aggregate_bits(hbits0, hbits1, packed):
    fpt = H // NSC
    mesh = plsc.VectorSubcoreMesh(core_axis_name="c", subcore_axis_name="s",
                                  num_cores=2, num_subcores=16)
    run = pl.kernel(
        _sc_agg_bits_body,
        out_type=jax.ShapeDtypeStruct((2 * H * N,), jnp.float32),
        mesh=mesh,
        scratch_types=[
            pltpu.VMEM((N,), jnp.int32),
            pltpu.VMEM((fpt * N,), jnp.float32),
            pltpu.VMEM((CH,), jnp.int32),
            pltpu.VMEM((CH,), jnp.int32),
            pltpu.SemaphoreType.DMA,
            pltpu.SemaphoreType.DMA,
        ],
        compiler_params=pltpu.CompilerParams(needs_layout_passes=False),
    )
    return run(packed, hbits0, hbits1).reshape(2, H, N)


def _sc_xload_body(fdim, split_cores, xT, xcol):
    c = lax.axis_index("c")
    s = lax.axis_index("s")
    if split_cores:
        f0 = s * (fdim // NSC)
        fpt = fdim // NSC
    else:
        f0 = (s * 2 + c) * (fdim // NW)
        fpt = fdim // NW
    pltpu.sync_copy(xT.at[pl.ds(f0 * N, fpt * N)], xcol)


def _sc_aggregate(xT, packed, split_cores):
    fdim = xT.shape[0]
    fpt = fdim // (NSC if split_cores else NW)
    ncopies = 2 if split_cores else 1
    mesh = plsc.VectorSubcoreMesh(core_axis_name="c", subcore_axis_name="s",
                                  num_cores=2, num_subcores=16)

    def body(xT_hbm, packedE, aggT, xcol, aggcol, pbuf0, pbuf1, sem0, sem1):
        _sc_xload_body(fdim, split_cores, xT_hbm, xcol)
        _sc_agg_body(fdim, split_cores, packedE, aggT, xcol, aggcol,
                     (pbuf0, pbuf1), (sem0, sem1))

    run = pl.kernel(
        body,
        out_type=jax.ShapeDtypeStruct((ncopies * fdim * N,), jnp.float32),
        mesh=mesh,
        scratch_types=[
            pltpu.VMEM((fpt * N,), jnp.float32),
            pltpu.VMEM((fpt * N,), jnp.float32),
            pltpu.VMEM((CH,), jnp.int32),
            pltpu.VMEM((CH,), jnp.int32),
            pltpu.SemaphoreType.DMA,
            pltpu.SemaphoreType.DMA,
        ],
        compiler_params=pltpu.CompilerParams(needs_layout_passes=False),
    )
    out = run(xT.reshape(fdim * N), packed)
    if split_cores:
        return out.reshape(2, fdim, N)
    return out.reshape(1, fdim, N)



def _prep_body(x_ref, s_ref, d_ref, xT_ref, p_ref):
    xT_ref[...] = x_ref[...].T
    p_ref[...] = jnp.bitwise_or(s_ref[...],
                                jnp.left_shift(d_ref[...], PACK_SHIFT))


def _prep(x, src, dst):
    n, f = x.shape
    grid = (n + ROW_BLK - 1) // ROW_BLK
    s2 = src.reshape(E // 128, 128)
    d2 = dst.reshape(E // 128, 128)
    xT, p = pl.pallas_call(
        _prep_body,
        grid=(grid,),
        in_specs=[
            pl.BlockSpec((ROW_BLK, f), lambda i: (i, 0)),
            pl.BlockSpec((E // 128, 128), lambda i: (0, 0)),
            pl.BlockSpec((E // 128, 128), lambda i: (0, 0)),
        ],
        out_specs=[
            pl.BlockSpec((f, ROW_BLK), lambda i: (0, i)),
            pl.BlockSpec((E // 128, 128), lambda i: (0, 0)),
        ],
        out_shape=[
            jax.ShapeDtypeStruct((f, n), jnp.float32),
            jax.ShapeDtypeStruct((E // 128, 128), jnp.int32),
        ],
    )(x, s2, d2)
    return xT, p.reshape(E)


def _layer_body(nagg, x_ref, agg_ref, w1_ref, b1_ref, w2_ref, b2_ref,
                h_ref, hb0_ref, hb1_ref):
    agg = agg_ref[...]
    aggT = agg[0]
    for a in range(1, nagg):
        aggT = aggT + agg[a]
    u = (1.0 + EPS) * x_ref[...] + aggT.T
    t1 = jnp.dot(u, w1_ref[...], preferred_element_type=jnp.float32) + b1_ref[...]
    z = jnp.maximum(t1, 0.0)
    t2 = jnp.dot(z, w2_ref[...], preferred_element_type=jnp.float32) + b2_ref[...]
    s = jax.nn.sigmoid(t2)
    h = (s > 0.5).astype(jnp.float32)
    h_ref[...] = h
    hi = (s > 0.5).astype(jnp.int32)
    sh = lax.rem(jax.lax.broadcasted_iota(jnp.int32, hi.shape, 1), 32)
    bits = lax.shift_left(hi, sh)
    hb0_ref[...] = jnp.sum(bits[:, :32], axis=1)
    hb1_ref[...] = jnp.sum(bits[:, 32:], axis=1)


def _layer_mlp(x, aggTs, w1, b1, w2, b2):
    f = x.shape[1]
    nagg = aggTs.shape[0]
    grid = (N + ROW_BLK - 1) // ROW_BLK
    return pl.pallas_call(
        functools.partial(_layer_body, nagg),
        grid=(grid,),
        in_specs=[
            pl.BlockSpec((ROW_BLK, f), lambda i: (i, 0)),
            pl.BlockSpec((nagg, f, ROW_BLK), lambda i: (0, 0, i)),
            pl.BlockSpec((f, H), lambda i: (0, 0)),
            pl.BlockSpec((H,), lambda i: (0,)),
            pl.BlockSpec((H, H), lambda i: (0, 0)),
            pl.BlockSpec((H,), lambda i: (0,)),
        ],
        out_specs=[
            pl.BlockSpec((ROW_BLK, H), lambda i: (i, 0)),
            pl.BlockSpec((ROW_BLK,), lambda i: (i,)),
            pl.BlockSpec((ROW_BLK,), lambda i: (i,)),
        ],
        out_shape=[
            jax.ShapeDtypeStruct((N, H), jnp.float32),
            jax.ShapeDtypeStruct((N,), jnp.int32),
            jax.ShapeDtypeStruct((N,), jnp.int32),
        ],
    )(x, aggTs, w1, b1, w2, b2)


def _layer2_head_body(x_ref, agg_ref, w1_ref, b1_ref, w2_ref, b2_ref,
                      h0_ref, fc1w_ref, fc1b_ref, fc2w_ref, fc2b_ref,
                      out_ref, sum_ref, max_ref):
    i = pl.program_id(0)
    nblk = pl.num_programs(0)
    agg = agg_ref[...]
    aggT = agg[0] + agg[1]
    u = (1.0 + EPS) * x_ref[...] + aggT.T
    t1 = jnp.dot(u, w1_ref[...], preferred_element_type=jnp.float32) + b1_ref[...]
    z = jnp.maximum(t1, 0.0)
    t2 = jnp.dot(z, w2_ref[...], preferred_element_type=jnp.float32) + b2_ref[...]
    h2 = (jax.nn.sigmoid(t2) > 0.5).astype(jnp.float32)

    xh = jnp.concatenate([h0_ref[...], x_ref[...], h2], axis=1)
    row = i * ROW_BLK + jax.lax.broadcasted_iota(jnp.int32, xh.shape, 0)
    valid = row < N
    xs = jnp.where(valid, xh, 0.0)
    xm = jnp.where(valid, xh, -jnp.inf)
    psum = jnp.sum(xs, axis=0, keepdims=True)
    pmax = jnp.max(xm, axis=0, keepdims=True)

    @pl.when(i == 0)
    def _():
        sum_ref[...] = psum
        max_ref[...] = pmax

    @pl.when(i > 0)
    def _():
        sum_ref[...] += psum
        max_ref[...] = jnp.maximum(max_ref[...], pmax)

    @pl.when(i == nblk - 1)
    def _():
        tsum = sum_ref[...]
        feat = jnp.concatenate([tsum / N, max_ref[...], tsum], axis=1)
        o1 = jnp.maximum(
            jnp.dot(feat, fc1w_ref[...], preferred_element_type=jnp.float32)
            + fc1b_ref[...], 0.0)
        o2 = (jnp.dot(o1, fc2w_ref[...], preferred_element_type=jnp.float32)
              + fc2b_ref[...])
        out_ref[...] = jax.nn.sigmoid(o2)


def _layer2_head(h1, aggTs, w1, b1, w2, b2, h0, fc1_W, fc1_b, fc2_W, fc2_b):
    grid = (N + ROW_BLK - 1) // ROW_BLK
    out, _, _ = pl.pallas_call(
        _layer2_head_body,
        grid=(grid,),
        in_specs=[
            pl.BlockSpec((ROW_BLK, H), lambda i: (i, 0)),
            pl.BlockSpec((2, H, ROW_BLK), lambda i: (0, 0, i)),
            pl.BlockSpec((H, H), lambda i: (0, 0)),
            pl.BlockSpec((H,), lambda i: (0,)),
            pl.BlockSpec((H, H), lambda i: (0, 0)),
            pl.BlockSpec((H,), lambda i: (0,)),
            pl.BlockSpec((ROW_BLK, H), lambda i: (i, 0)),
            pl.BlockSpec((3 * 3 * H, H), lambda i: (0, 0)),
            pl.BlockSpec((H,), lambda i: (0,)),
            pl.BlockSpec((H, C), lambda i: (0, 0)),
            pl.BlockSpec((C,), lambda i: (0,)),
        ],
        out_specs=[
            pl.BlockSpec((1, C), lambda i: (0, 0)),
            pl.BlockSpec((1, 3 * H), lambda i: (0, 0)),
            pl.BlockSpec((1, 3 * H), lambda i: (0, 0)),
        ],
        out_shape=[
            jax.ShapeDtypeStruct((1, C), jnp.float32),
            jax.ShapeDtypeStruct((1, 3 * H), jnp.float32),
            jax.ShapeDtypeStruct((1, 3 * H), jnp.float32),
        ],
    )(h1, aggTs, w1, b1, w2, b2, h0, fc1_W, fc1_b, fc2_W, fc2_b)
    return out


def kernel(x, edge_index, W1_0, b1_0, W2_0, b2_0, W1_1, b1_1, W2_1, b2_1,
           W1_2, b1_2, W2_2, b2_2, fc1_W, fc1_b, fc2_W, fc2_b):
    src = edge_index[0]
    dst = edge_index[1]
    xT, packed = _prep(x, src, dst)
    aggT0 = _sc_aggregate(xT, packed, split_cores=False)
    h0, h0b0, h0b1 = _layer_mlp(x, aggT0, W1_0, b1_0, W2_0, b2_0)
    aggT1 = _sc_aggregate_bits(h0b0, h0b1, packed)
    h1, h1b0, h1b1 = _layer_mlp(h0, aggT1, W1_1, b1_1, W2_1, b2_1)
    aggT2 = _sc_aggregate_bits(h1b0, h1b1, packed)
    return _layer2_head(h1, aggT2, W1_2, b1_2, W2_2, b2_2, h0,
                        fc1_W, fc1_b, fc2_W, fc2_b)

# --- scband reference (transcript-rebuilt; emitter-appended) ---
"""Pipeline reference for scband-gin-80453327388881 (READ-ONLY COPY).

The authoritative reference and input builder live on the scoring server;
editing this copy changes nothing except your own understanding.
"""

import jax, jax.numpy as jnp
import numpy as np

N = 10000
E = 320000
F = 128
H = 64
C = 16
EPS = 1.0
TAU = 1.0


def _gumbel_hard_det(logits):
    # gumbel_sigmoid with deterministic=True, hard=True: gumbel noise = 0
    y_soft = jax.nn.sigmoid(logits / TAU)
    y_hard = (y_soft > 0.5).astype(logits.dtype)
    # straight-through estimator
    return y_hard - jax.lax.stop_gradient(y_soft) + y_soft


def _gin_conv(x, src, dst, W1, b1, W2, b2):
    # GINConv: nn((1 + eps) * x + sum_{j in N(i)} x_j), eps = init_eps = 1
    agg = jnp.zeros_like(x).at[dst].add(x[src])
    h = (1.0 + EPS) * x + agg
    h = jax.nn.relu(h @ W1 + b1)
    h = h @ W2 + b2  # second activation is Identity (nogumbel=False)
    return h


def setup_inputs(seed: int = 0):
    key = jax.random.key(seed)
    ks = jax.random.split(key, 24)
    inp = {}
    inp["x"] = jax.random.normal(ks[0], (N, F), dtype=jnp.float32)
    inp["edge_index"] = jax.random.randint(ks[1], (2, E), 0, N, dtype=jnp.int32)
    dims = [F, H, H]
    for i in range(3):
        inp[f"W1_{i}"] = jax.random.normal(ks[2 + 4 * i], (dims[i], H), dtype=jnp.float32) * 0.05
        inp[f"b1_{i}"] = jnp.zeros((H,), dtype=jnp.float32)
        inp[f"W2_{i}"] = jax.random.normal(ks[3 + 4 * i], (H, H), dtype=jnp.float32) * 0.05
        inp[f"b2_{i}"] = jnp.zeros((H,), dtype=jnp.float32)
    inp["fc1_W"] = jax.random.normal(ks[20], (3 * 3 * H, H), dtype=jnp.float32) * 0.05
    inp["fc1_b"] = jnp.zeros((H,), dtype=jnp.float32)
    inp["fc2_W"] = jax.random.normal(ks[21], (H, C), dtype=jnp.float32) * 0.05
    inp["fc2_b"] = jnp.zeros((C,), dtype=jnp.float32)
    return inp


def reference(x, edge_index, W1_0, b1_0, W2_0, b2_0, W1_1, b1_1, W2_1, b2_1, W1_2, b1_2, W2_2, b2_2, fc1_W, fc1_b, fc2_W, fc2_b):
    src = edge_index[0]
    dst = edge_index[1]
    params = [(W1_0, b1_0, W2_0, b2_0), (W1_1, b1_1, W2_1, b2_1), (W1_2, b1_2, W2_2, b2_2)]
    h = x
    xs = []
    for (W1, b1, W2, b2) in params:
        h = _gin_conv(h, src, dst, W1, b1, W2, b2)
        h = _gumbel_hard_det(h)
        xs.append(h)
        # dropout is identity in eval mode
    xh = jnp.concatenate(xs, axis=1)  # [N, 3*H]
    # batch is all-zeros -> single graph: global pools reduce over all nodes
    x_mean = jnp.mean(xh, axis=0, keepdims=True)
    x_max = jnp.max(xh, axis=0, keepdims=True)
    x_sum = jnp.sum(xh, axis=0, keepdims=True)
    feat = jnp.concatenate([x_mean, x_max, x_sum], axis=1)  # [1, 9*H]
    out = jax.nn.relu(feat @ fc1_W + fc1_b)
    out = jax.nn.sigmoid(out @ fc2_W + fc2_b)
    return out

if __name__ == "__main__":
    import jax
    _d = setup_inputs()
    print(jax.jit(kernel)(*tuple(_d.values())))

</pallas_src>

<mosaic_0001>
#map = affine_map<(d0, d1) -> (0)>
module attributes {stable_mosaic.version = 14 : i64} {
  func.func @_sc_agg_bits_body(%arg0: i32, %arg1: i32, %arg2: memref<320000xi32, #tpu.memory_space<hbm>>, %arg3: memref<10000xi32, #tpu.memory_space<hbm>>, %arg4: memref<10000xi32, #tpu.memory_space<hbm>>, %arg5: memref<1280000xf32, #tpu.memory_space<hbm>>, %arg6: memref<10000xi32, #tpu.memory_space<vmem>>, %arg7: memref<40000xf32, #tpu.memory_space<vmem>>, %arg8: memref<3200xi32, #tpu.memory_space<vmem>>, %arg9: memref<3200xi32, #tpu.memory_space<vmem>>, %arg10: memref<!tpu.dma_semaphore, #tpu.memory_space<semaphore_mem>>, %arg11: memref<!tpu.dma_semaphore, #tpu.memory_space<semaphore_mem>>) attributes {dimension_semantics = [#tpu.dimension_semantics<core_parallel>, #tpu.dimension_semantics<subcore_parallel>], iteration_bounds = array<i64: 2, 16>, scalar_prefetch = 0 : i64, scratch_operands = 6 : i64, tpu.core_type = #tpu.core_type<sc_vector_subcore>, window_params = [{transform_indices = #map}, {transform_indices = #map}, {transform_indices = #map}, {transform_indices = #map}]} {
    %mul3A = arith.constant 4 : i32
    %mul3A_0 = arith.muli %arg1, %mul3A : i32
    %mul3A_1 = arith.constant 160000 : i32
    %mul3A_2 = arith.muli %arg0, %mul3A_1 : i32
    %mul3A_3 = arith.constant 640000 : i32
    %mul3A_4 = arith.muli %arg0, %mul3A_3 : i32
    %dma_start3A = tpu.memref_slice %arg2[%mul3A_2] : memref<320000xi32, #tpu.memory_space<hbm>> -> memref<3200xi32, #tpu.memory_space<hbm>>
    %dma_start3A_5 = tpu.memref_slice %arg2[%mul3A_2] : memref<320000xi32, #tpu.memory_space<hbm>> -> memref<3200xi32, #tpu.memory_space<hbm>>
    tpu.enqueue_dma source(%dma_start3A_5 : memref<3200xi32, #tpu.memory_space<hbm>>) target(%arg8 : memref<3200xi32, #tpu.memory_space<vmem>>) target_semaphore(%arg10 : memref<!tpu.dma_semaphore, #tpu.memory_space<semaphore_mem>>)
    %lt3A = arith.constant 32 : i32
    %lt3A_6 = arith.cmpi slt, %mul3A_0, %lt3A : i32
    %convert_element_type3A = arith.extui %lt3A_6 : i1 to i32
    %cond3A = arith.constant 0 : i32
    %cond3A_7 = arith.cmpi ne, %convert_element_type3A, %cond3A : i32
    scf.if %cond3A_7 {
      "tpu.region"() ({
        %run_scoped3A = tpu.sem_alloc : memref<!tpu.dma_semaphore, #tpu.memory_space<semaphore_mem>>
        tpu.enqueue_dma source(%arg3 : memref<10000xi32, #tpu.memory_space<hbm>>) target(%arg6 : memref<10000xi32, #tpu.memory_space<vmem>>) target_semaphore(%run_scoped3A : memref<!tpu.dma_semaphore, #tpu.memory_space<semaphore_mem>>)
        tpu.wait_dma2 semaphore(%run_scoped3A : memref<!tpu.dma_semaphore, #tpu.memory_space<semaphore_mem>>) src(%arg3 : memref<10000xi32, #tpu.memory_space<hbm>>) dst(%arg6 : memref<10000xi32, #tpu.memory_space<vmem>>)
        tpu.yield
      }) : () -> ()
    } else {
    }
    %ge3A = arith.constant 32 : i32
    %ge3A_8 = arith.cmpi sge, %mul3A_0, %ge3A : i32
    %convert_element_type3A_9 = arith.extui %ge3A_8 : i1 to i32
    %cond3A_10 = arith.constant 0 : i32
    %cond3A_11 = arith.cmpi ne, %convert_element_type3A_9, %cond3A_10 : i32
    scf.if %cond3A_11 {
      "tpu.region"() ({
        %run_scoped3A = tpu.sem_alloc : memref<!tpu.dma_semaphore, #tpu.memory_space<semaphore_mem>>
        tpu.enqueue_dma source(%arg4 : memref<10000xi32, #tpu.memory_space<hbm>>) target(%arg6 : memref<10000xi32, #tpu.memory_space<vmem>>) target_semaphore(%run_scoped3A : memref<!tpu.dma_semaphore, #tpu.memory_space<semaphore_mem>>)
        tpu.wait_dma2 semaphore(%run_scoped3A : memref<!tpu.dma_semaphore, #tpu.memory_space<semaphore_mem>>) src(%arg4 : memref<10000xi32, #tpu.memory_space<hbm>>) dst(%arg6 : memref<10000xi32, #tpu.memory_space<vmem>>)
        tpu.yield
      }) : () -> ()
    } else {
    }
    %rem3A = arith.constant 32 : i32
    %rem3A_12 = arith.remsi %mul3A_0, %rem3A : i32
    %scan3A = arith.constant 0 : i32
    %scan3A_13 = arith.constant 0 : i32
    %scan3A_14 = arith.constant 2500 : i32
    %scan3A_15 = arith.addi %scan3A_13, %scan3A_14 : i32
    %scan3A_16 = arith.constant 1 : i32
    %scan3A_17 = scf.for %scan3A_29 = %scan3A_13 to %scan3A_15 step %scan3A_16 iter_args(%scan3A_30 = %scan3A) -> (i32)  : i32 {
      %broadcast_in_dim3A_31 = arith.constant 0.000000e+00 : f32
      %broadcast_in_dim3A_32 = vector.broadcast %broadcast_in_dim3A_31 : f32 to vector<16xf32>
      %mul3A_33 = arith.constant 16 : i32
      %mul3A_34 = arith.muli %scan3A_29, %mul3A_33 : i32
      %swap3A = arith.index_cast %mul3A_34 : i32 to index
      %swap3A_35 = tpu.vector_load %arg7[%swap3A] {strides = array<i32>} : memref<40000xf32, #tpu.memory_space<vmem>>, vector<16xf32>,
      tpu.vector_store %arg7[%swap3A], %broadcast_in_dim3A_32 {strides = array<i32>} : memref<40000xf32, #tpu.memory_space<vmem>>, vector<16xf32>,
      %scan3A_36 = arith.constant 0 : i32
      scf.yield %scan3A_36 : i32
    }
    %scan3A_18 = arith.constant 2500 : i32
    %broadcast_in_dim3A = arith.constant 1.000000e+00 : f32
    %broadcast_in_dim3A_19 = vector.broadcast %broadcast_in_dim3A : f32 to vector<16xf32>
    %scan3A_20 = arith.constant 0 : i32
    %scan3A_21 = arith.constant 0 : i32
    %scan3A_22 = arith.constant 25 : i32
    %scan3A_23 = arith.addi %scan3A_21, %scan3A_22 : i32
    %scan3A_24 = arith.constant 1 : i32
    %scan3A_25 = scf.for %scan3A_29 = %scan3A_21 to %scan3A_23 step %scan3A_24 iter_args(%scan3A_30 = %scan3A_20) -> (i32)  : i32 {
      %mul3A_31 = arith.constant 2 : i32
      %mul3A_32 = arith.muli %scan3A_29, %mul3A_31 : i32
      %add3A_33 = arith.constant 0 : i32
      %add3A_34 = arith.addi %mul3A_32, %add3A_33 : i32
      %mul3A_35 = arith.constant 3200 : i32
      %mul3A_36 = arith.muli %add3A_34, %mul3A_35 : i32
      %add3A_37 = arith.addi %mul3A_2, %mul3A_36 : i32
      %dma_wait3A = tpu.memref_slice %arg2[%add3A_37] : memref<320000xi32, #tpu.memory_space<hbm>> -> memref<3200xi32, #tpu.memory_space<hbm>>
      %dma_wait3A_38 = tpu.memref_slice %arg2[%add3A_37] : memref<320000xi32, #tpu.memory_space<hbm>> -> memref<3200xi32, #tpu.memory_space<hbm>>
      tpu.wait_dma2 semaphore(%arg10 : memref<!tpu.dma_semaphore, #tpu.memory_space<semaphore_mem>>) src(%dma_wait3A_38 : memref<3200xi32, #tpu.memory_space<hbm>>) dst(%arg8 : memref<3200xi32, #tpu.memory_space<vmem>>)
      %add3A_39 = arith.constant 1 : i32
      %add3A_40 = arith.addi %add3A_34, %add3A_39 : i32
      %lt3A_41 = arith.constant 50 : i32
      %lt3A_42 = arith.cmpi slt, %add3A_40, %lt3A_41 : i32
      %convert_element_type3A_43 = arith.extui %lt3A_42 : i1 to i32
      %cond3A_44 = arith.constant 0 : i32
      %cond3A_45 = arith.cmpi ne, %convert_element_type3A_43, %cond3A_44 : i32
      scf.if %cond3A_45 {
        %add3A_77 = arith.constant 1 : i32
        %add3A_78 = arith.addi %add3A_34, %add3A_77 : i32
        %mul3A_79 = arith.constant 3200 : i32
        %mul3A_80 = arith.muli %add3A_78, %mul3A_79 : i32
        %add3A_81 = arith.addi %mul3A_2, %mul3A_80 : i32
        %dma_start3A_82 = tpu.memref_slice %arg2[%add3A_81] : memref<320000xi32, #tpu.memory_space<hbm>> -> memref<3200xi32, #tpu.memory_space<hbm>>
        %dma_start3A_83 = tpu.memref_slice %arg2[%add3A_81] : memref<320000xi32, #tpu.memory_space<hbm>> -> memref<3200xi32, #tpu.memory_space<hbm>>
        tpu.enqueue_dma source(%dma_start3A_83 : memref<3200xi32, #tpu.memory_space<hbm>>) target(%arg9 : memref<3200xi32, #tpu.memory_space<vmem>>) target_semaphore(%arg11 : memref<!tpu.dma_semaphore, #tpu.memory_space<semaphore_mem>>)
      } else {
      }
      %scan3A_46 = arith.constant 0 : i32
      %scan3A_47 = arith.constant 0 : i32
      %scan3A_48 = arith.constant 50 : i32
      %scan3A_49 = arith.addi %scan3A_47, %scan3A_48 : i32
      %scan3A_50 = arith.constant 1 : i32
      %scan3A_51 = scf.for %scan3A_77 = %scan3A_47 to %scan3A_49 step %scan3A_50 iter_args(%scan3A_78 = %scan3A_46) -> (i32)  : i32 {
        %mul3A_79 = arith.constant 64 : i32
        %mul3A_80 = arith.muli %scan3A_77, %mul3A_79 : i32
        %add3A_81 = arith.constant 0 : i32
        %add3A_82 = arith.addi %mul3A_80, %add3A_81 : i32
        %get3A = arith.index_cast %add3A_82 : i32 to index
        %get3A_83 = tpu.vector_load %arg8[%get3A] {strides = array<i32>} : memref<3200xi32, #tpu.memory_space<vmem>>, vector<16xi32>,
        %and3A = arith.constant 16383 : i32
        %and3A_84 = vector.broadcast %and3A : i32 to vector<16xi32>
        %and3A_85 = arith.andi %get3A_83, %and3A_84 : vector<16xi32>
        %shift_right_logical3A = arith.constant 14 : i32
        %shift_right_logical3A_86 = vector.broadcast %shift_right_logical3A : i32 to vector<16xi32>
        %shift_right_logical3A_87 = arith.shrui %get3A_83, %shift_right_logical3A_86 : vector<16xi32>
        %gather3A = tpu.vector_load_idx %arg6[%and3A_85] : memref<10000xi32, #tpu.memory_space<vmem>>[vector<16xi32>], vector<16xi32>,
        %broadcast_in_dim3A_88 = vector.broadcast %rem3A_12 : i32 to vector<16xi32>
        %shift_right_logical3A_89 = arith.shrui %gather3A, %broadcast_in_dim3A_88 : vector<16xi32>
        %shift_right_logical3A_90 = arith.constant 0 : i32
        %shift_right_logical3A_91 = vector.broadcast %shift_right_logical3A_90 : i32 to vector<16xi32>
        %shift_right_logical3A_92 = arith.shrui %shift_right_logical3A_89, %shift_right_logical3A_91 : vector<16xi32>
        %and3A_93 = arith.constant 1 : i32
        %and3A_94 = vector.broadcast %and3A_93 : i32 to vector<16xi32>
        %and3A_95 = arith.andi %shift_right_logical3A_92, %and3A_94 : vector<16xi32>
        %eq3A = arith.constant 1 : i32
        %eq3A_96 = vector.broadcast %eq3A : i32 to vector<16xi32>
        %eq3A_97 = arith.cmpi eq, %and3A_95, %eq3A_96 : vector<16xi32>
        %shift_right_logical3A_98 = arith.constant 1 : i32
        %shift_right_logical3A_99 = vector.broadcast %shift_right_logical3A_98 : i32 to vector<16xi32>
        %shift_right_logical3A_100 = arith.shrui %shift_right_logical3A_89, %shift_right_logical3A_99 : vector<16xi32>
        %and3A_101 = arith.constant 1 : i32
        %and3A_102 = vector.broadcast %and3A_101 : i32 to vector<16xi32>
        %and3A_103 = arith.andi %shift_right_logical3A_100, %and3A_102 : vector<16xi32>
        %eq3A_104 = arith.constant 1 : i32
        %eq3A_105 = vector.broadcast %eq3A_104 : i32 to vector<16xi32>
        %eq3A_106 = arith.cmpi eq, %and3A_103, %eq3A_105 : vector<16xi32>
        %shift_right_logical3A_107 = arith.constant 2 : i32
        %shift_right_logical3A_108 = vector.broadcast %shift_right_logical3A_107 : i32 to vector<16xi32>
        %shift_right_logical3A_109 = arith.shrui %shift_right_logical3A_89, %shift_right_logical3A_108 : vector<16xi32>
        %and3A_110 = arith.constant 1 : i32
        %and3A_111 = vector.broadcast %and3A_110 : i32 to vector<16xi32>
        %and3A_112 = arith.andi %shift_right_logical3A_109, %and3A_111 : vector<16xi32>
        %eq3A_113 = arith.constant 1 : i32
        %eq3A_114 = vector.broadcast %eq3A_113 : i32 to vector<16xi32>
        %eq3A_115 = arith.cmpi eq, %and3A_112, %eq3A_114 : vector<16xi32>
        %shift_right_logical3A_116 = arith.constant 3 : i32
        %shift_right_logical3A_117 = vector.broadcast %shift_right_logical3A_116 : i32 to vector<16xi32>
        %shift_right_logical3A_118 = arith.shrui %shift_right_logical3A_89, %shift_right_logical3A_117 : vector<16xi32>
        %and3A_119 = arith.constant 1 : i32
        %and3A_120 = vector.broadcast %and3A_119 : i32 to vector<16xi32>
        %and3A_121 = arith.andi %shift_right_logical3A_118, %and3A_120 : vector<16xi32>
        %eq3A_122 = arith.constant 1 : i32
        %eq3A_123 = vector.broadcast %eq3A_122 : i32 to vector<16xi32>
        %eq3A_124 = arith.cmpi eq, %and3A_121, %eq3A_123 : vector<16xi32>
        %mul3A_125 = arith.constant 64 : i32
        %mul3A_126 = arith.muli %scan3A_77, %mul3A_125 : i32
        %add3A_127 = arith.constant 16 : i32
        %add3A_128 = arith.addi %mul3A_126, %add3A_127 : i32
        %get3A_129 = arith.index_cast %add3A_128 : i32 to index
        %get3A_130 = tpu.vector_load %arg8[%get3A_129] {strides = array<i32>} : memref<3200xi32, #tpu.memory_space<vmem>>, vector<16xi32>,
        %and3A_131 = arith.constant 16383 : i32
        %and3A_132 = vector.broadcast %and3A_131 : i32 to vector<16xi32>
        %and3A_133 = arith.andi %get3A_130, %and3A_132 : vector<16xi32>
        %shift_right_logical3A_134 = arith.constant 14 : i32
        %shift_right_logical3A_135 = vector.broadcast %shift_right_logical3A_134 : i32 to vector<16xi32>
        %shift_right_logical3A_136 = arith.shrui %get3A_130, %shift_right_logical3A_135 : vector<16xi32>
        %gather3A_137 = tpu.vector_load_idx %arg6[%and3A_133] : memref<10000xi32, #tpu.memory_space<vmem>>[vector<16xi32>], vector<16xi32>,
        %broadcast_in_dim3A_138 = vector.broadcast %rem3A_12 : i32 to vector<16xi32>
        %shift_right_logical3A_139 = arith.shrui %gather3A_137, %broadcast_in_dim3A_138 : vector<16xi32>
        %shift_right_logical3A_140 = arith.constant 0 : i32
        %shift_right_logical3A_141 = vector.broadcast %shift_right_logical3A_140 : i32 to vector<16xi32>
        %shift_right_logical3A_142 = arith.shrui %shift_right_logical3A_139, %shift_right_logical3A_141 : vector<16xi32>
        %and3A_143 = arith.constant 1 : i32
        %and3A_144 = vector.broadcast %and3A_143 : i32 to vector<16xi32>
        %and3A_145 = arith.andi %shift_right_logical3A_142, %and3A_144 : vector<16xi32>
        %eq3A_146 = arith.constant 1 : i32
        %eq3A_147 = vector.broadcast %eq3A_146 : i32 to vector<16xi32>
        %eq3A_148 = arith.cmpi eq, %and3A_145, %eq3A_147 : vector<16xi32>
        %shift_right_logical3A_149 = arith.constant 1 : i32
        %shift_right_logical3A_150 = vector.broadcast %shift_right_logical3A_149 : i32 to vector<16xi32>
        %shift_right_logical3A_151 = arith.shrui %shift_right_logical3A_139, %shift_right_logical3A_150 : vector<16xi32>
        %and3A_152 = arith.constant 1 : i32
        %and3A_153 = vector.broadcast %and3A_152 : i32 to vector<16xi32>
        %and3A_154 = arith.andi %shift_right_logical3A_151, %and3A_153 : vector<16xi32>
        %eq3A_155 = arith.constant 1 : i32
        %eq3A_156 = vector.broadcast %eq3A_155 : i32 to vector<16xi32>
        %eq3A_157 = arith.cmpi eq, %and3A_154, %eq3A_156 : vector<16xi32>
        %shift_right_logical3A_158 = arith.constant 2 : i32
        %shift_right_logical3A_159 = vector.broadcast %shift_right_logical3A_158 : i32 to vector<16xi32>
        %shift_right_logical3A_160 = arith.shrui %shift_right_logical3A_139, %shift_right_logical3A_159 : vector<16xi32>
        %and3A_161 = arith.constant 1 : i32
        %and3A_162 = vector.broadcast %and3A_161 : i32 to vector<16xi32>
        %and3A_163 = arith.andi %shift_right_logical3A_160, %and3A_162 : vector<16xi32>
        %eq3A_164 = arith.constant 1 : i32
        %eq3A_165 = vector.broadcast %eq3A_164 : i32 to vector<16xi32>
        %eq3A_166 = arith.cmpi eq, %and3A_163, %eq3A_165 : vector<16xi32>
        %shift_right_logical3A_167 = arith.constant 3 : i32
        %shift_right_logical3A_168 = vector.broadcast %shift_right_logical3A_167 : i32 to vector<16xi32>
        %shift_right_logical3A_169 = arith.shrui %shift_right_logical3A_139, %shift_right_logical3A_168 : vector<16xi32>
        %and3A_170 = arith.constant 1 : i32
        %and3A_171 = vector.broadcast %and3A_170 : i32 to vector<16xi32>
        %and3A_172 = arith.andi %shift_right_logical3A_169, %and3A_171 : vector<16xi32>
        %eq3A_173 = arith.constant 1 : i32
        %eq3A_174 = vector.broadcast %eq3A_173 : i32 to vector<16xi32>
        %eq3A_175 = arith.cmpi eq, %and3A_172, %eq3A_174 : vector<16xi32>
        %mul3A_176 = arith.constant 64 : i32
        %mul3A_177 = arith.muli %scan3A_77, %mul3A_176 : i32
        %add3A_178 = arith.constant 32 : i32
        %add3A_179 = arith.addi %mul3A_177, %add3A_178 : i32
        %get3A_180 = arith.index_cast %add3A_179 : i32 to index
        %get3A_181 = tpu.vector_load %arg8[%get3A_180] {strides = array<i32>} : memref<3200xi32, #tpu.memory_space<vmem>>, vector<16xi32>,
        %and3A_182 = arith.constant 16383 : i32
        %and3A_183 = vector.broadcast %and3A_182 : i32 to vector<16xi32>
        %and3A_184 = arith.andi %get3A_181, %and3A_183 : vector<16xi32>
        %shift_right_logical3A_185 = arith.constant 14 : i32
        %shift_right_logical3A_186 = vector.broadcast %shift_right_logical3A_185 : i32 to vector<16xi32>
        %shift_right_logical3A_187 = arith.shrui %get3A_181, %shift_right_logical3A_186 : vector<16xi32>
        %gather3A_188 = tpu.vector_load_idx %arg6[%and3A_184] : memref<10000xi32, #tpu.memory_space<vmem>>[vector<16xi32>], vector<16xi32>,
        %broadcast_in_dim3A_189 = vector.broadcast %rem3A_12 : i32 to vector<16xi32>
        %shift_right_logical3A_190 = arith.shrui %gather3A_188, %broadcast_in_dim3A_189 : vector<16xi32>
        %shift_right_logical3A_191 = arith.constant 0 : i32
        %shift_right_logical3A_192 = vector.broadcast %shift_right_logical3A_191 : i32 to vector<16xi32>
        %shift_right_logical3A_193 = arith.shrui %shift_right_logical3A_190, %shift_right_logical3A_192 : vector<16xi32>
        %and3A_194 = arith.constant 1 : i32
        %and3A_195 = vector.broadcast %and3A_194 : i32 to vector<16xi32>
        %and3A_196 = arith.andi %shift_right_logical3A_193, %and3A_195 : vector<16xi32>
        %eq3A_197 = arith.constant 1 : i32
        %eq3A_198 = vector.broadcast %eq3A_197 : i32 to vector<16xi32>
        %eq3A_199 = arith.cmpi eq, %and3A_196, %eq3A_198 : vector<16xi32>
        %shift_right_logical3A_200 = arith.constant 1 : i32
        %shift_right_logical3A_201 = vector.broadcast %shift_right_logical3A_200 : i32 to vector<16xi32>
        %shift_right_logical3A_202 = arith.shrui %shift_right_logical3A_190, %shift_right_logical3A_201 : vector<16xi32>
        %and3A_203 = arith.constant 1 : i32
        %and3A_204 = vector.broadcast %and3A_203 : i32 to vector<16xi32>
        %and3A_205 = arith.andi %shift_right_logical3A_202, %and3A_204 : vector<16xi32>
        %eq3A_206 = arith.constant 1 : i32
        %eq3A_207 = vector.broadcast %eq3A_206 : i32 to vector<16xi32>
        %eq3A_208 = arith.cmpi eq, %and3A_205, %eq3A_207 : vector<16xi32>
        %shift_right_logical3A_209 = arith.constant 2 : i32
        %shift_right_logical3A_210 = vector.broadcast %shift_right_logical3A_209 : i32 to vector<16xi32>
        %shift_right_logical3A_211 = arith.shrui %shift_right_logical3A_190, %shift_right_logical3A_210 : vector<16xi32>
        %and3A_212 = arith.constant 1 : i32
        %and3A_213 = vector.broadcast %and3A_212 : i32 to vector<16xi32>
        %and3A_214 = arith.andi %shift_right_logical3A_211, %and3A_213 : vector<16xi32>
        %eq3A_215 = arith.constant 1 : i32
        %eq3A_216 = vector.broadcast %eq3A_215 : i32 to vector<16xi32>
        %eq3A_217 = arith.cmpi eq, %and3A_214, %eq3A_216 : vector<16xi32>
        %shift_right_logical3A_218 = arith.constant 3 : i32
        %shift_right_logical3A_219 = vector.broadcast %shift_right_logical3A_218 : i32 to vector<16xi32>
        %shift_right_logical3A_220 = arith.shrui %shift_right_logical3A_190, %shift_right_logical3A_219 : vector<16xi32>
        %and3A_221 = arith.constant 1 : i32
        %and3A_222 = vector.broadcast %and3A_221 : i32 to vector<16xi32>
        %and3A_223 = arith.andi %shift_right_logical3A_220, %and3A_222 : vector<16xi32>
        %eq3A_224 = arith.constant 1 : i32
        %eq3A_225 = vector.broadcast %eq3A_224 : i32 to vector<16xi32>
        %eq3A_226 = arith.cmpi eq, %and3A_223, %eq3A_225 : vector<16xi32>
        %mul3A_227 = arith.constant 64 : i32
        %mul3A_228 = arith.muli %scan3A_77, %mul3A_227 : i32
        %add3A_229 = arith.constant 48 : i32
        %add3A_230 = arith.addi %mul3A_228, %add3A_229 : i32
        %get3A_231 = arith.index_cast %add3A_230 : i32 to index
        %get3A_232 = tpu.vector_load %arg8[%get3A_231] {strides = array<i32>} : memref<3200xi32, #tpu.memory_space<vmem>>, vector<16xi32>,
        %and3A_233 = arith.constant 16383 : i32
        %and3A_234 = vector.broadcast %and3A_233 : i32 to vector<16xi32>
        %and3A_235 = arith.andi %get3A_232, %and3A_234 : vector<16xi32>
        %shift_right_logical3A_236 = arith.constant 14 : i32
        %shift_right_logical3A_237 = vector.broadcast %shift_right_logical3A_236 : i32 to vector<16xi32>
        %shift_right_logical3A_238 = arith.shrui %get3A_232, %shift_right_logical3A_237 : vector<16xi32>
        %gather3A_239 = tpu.vector_load_idx %arg6[%and3A_235] : memref<10000xi32, #tpu.memory_space<vmem>>[vector<16xi32>], vector<16xi32>,
        %broadcast_in_dim3A_240 = vector.broadcast %rem3A_12 : i32 to vector<16xi32>
        %shift_right_logical3A_241 = arith.shrui %gather3A_239, %broadcast_in_dim3A_240 : vector<16xi32>
        %shift_right_logical3A_242 = arith.constant 0 : i32
        %shift_right_logical3A_243 = vector.broadcast %shift_right_logical3A_242 : i32 to vector<16xi32>
        %shift_right_logical3A_244 = arith.shrui %shift_right_logical3A_241, %shift_right_logical3A_243 : vector<16xi32>
        %and3A_245 = arith.constant 1 : i32
        %and3A_246 = vector.broadcast %and3A_245 : i32 to vector<16xi32>
        %and3A_247 = arith.andi %shift_right_logical3A_244, %and3A_246 : vector<16xi32>
        %eq3A_248 = arith.constant 1 : i32
        %eq3A_249 = vector.broadcast %eq3A_248 : i32 to vector<16xi32>
        %eq3A_250 = arith.cmpi eq, %and3A_247, %eq3A_249 : vector<16xi32>
        %shift_right_logical3A_251 = arith.constant 1 : i32
        %shift_right_logical3A_252 = vector.broadcast %shift_right_logical3A_251 : i32 to vector<16xi32>
        %shift_right_logical3A_253 = arith.shrui %shift_right_logical3A_241, %shift_right_logical3A_252 : vector<16xi32>
        %and3A_254 = arith.constant 1 : i32
        %and3A_255 = vector.broadcast %and3A_254 : i32 to vector<16xi32>
        %and3A_256 = arith.andi %shift_right_logical3A_253, %and3A_255 : vector<16xi32>
        %eq3A_257 = arith.constant 1 : i32
        %eq3A_258 = vector.broadcast %eq3A_257 : i32 to vector<16xi32>
        %eq3A_259 = arith.cmpi eq, %and3A_256, %eq3A_258 : vector<16xi32>
        %shift_right_logical3A_260 = arith.constant 2 : i32
        %shift_right_logical3A_261 = vector.broadcast %shift_right_logical3A_260 : i32 to vector<16xi32>
        %shift_right_logical3A_262 = arith.shrui %shift_right_logical3A_241, %shift_right_logical3A_261 : vector<16xi32>
        %and3A_263 = arith.constant 1 : i32
        %and3A_264 = vector.broadcast %and3A_263 : i32 to vector<16xi32>
        %and3A_265 = arith.andi %shift_right_logical3A_262, %and3A_264 : vector<16xi32>
        %eq3A_266 = arith.constant 1 : i32
        %eq3A_267 = vector.broadcast %eq3A_266 : i32 to vector<16xi32>
        %eq3A_268 = arith.cmpi eq, %and3A_265, %eq3A_267 : vector<16xi32>
        %shift_right_logical3A_269 = arith.constant 3 : i32
        %shift_right_logical3A_270 = vector.broadcast %shift_right_logical3A_269 : i32 to vector<16xi32>
        %shift_right_logical3A_271 = arith.shrui %shift_right_logical3A_241, %shift_right_logical3A_270 : vector<16xi32>
        %and3A_272 = arith.constant 1 : i32
        %and3A_273 = vector.broadcast %and3A_272 : i32 to vector<16xi32>
        %and3A_274 = arith.andi %shift_right_logical3A_271, %and3A_273 : vector<16xi32>
        %eq3A_275 = arith.constant 1 : i32
        %eq3A_276 = vector.broadcast %eq3A_275 : i32 to vector<16xi32>
        %eq3A_277 = arith.cmpi eq, %and3A_274, %eq3A_276 : vector<16xi32>
        %add3A_278 = arith.constant 0 : i32
        %add3A_279 = vector.broadcast %add3A_278 : i32 to vector<16xi32>
        %add3A_280 = arith.addi %shift_right_logical3A_87, %add3A_279 : vector<16xi32>
        tpu.vector_store_idx %arg7[%add3A_280], %broadcast_in_dim3A_19 masked %eq3A_97 {add = true} : memref<40000xf32, #tpu.memory_space<vmem>>[vector<16xi32>], vector<16xf32>, vector<16xi1>
        %add3A_281 = arith.constant 10000 : i32
        %add3A_282 = vector.broadcast %add3A_281 : i32 to vector<16xi32>
        %add3A_283 = arith.addi %shift_right_logical3A_87, %add3A_282 : vector<16xi32>
        tpu.vector_store_idx %arg7[%add3A_283], %broadcast_in_dim3A_19 masked %eq3A_106 {add = true} : memref<40000xf32, #tpu.memory_space<vmem>>[vector<16xi32>], vector<16xf32>, vector<16xi1>
        %add3A_284 = arith.constant 20000 : i32
        %add3A_285 = vector.broadcast %add3A_284 : i32 to vector<16xi32>
        %add3A_286 = arith.addi %shift_right_logical3A_87, %add3A_285 : vector<16xi32>
        tpu.vector_store_idx %arg7[%add3A_286], %broadcast_in_dim3A_19 masked %eq3A_115 {add = true} : memref<40000xf32, #tpu.memory_space<vmem>>[vector<16xi32>], vector<16xf32>, vector<16xi1>
        %add3A_287 = arith.constant 30000 : i32
        %add3A_288 = vector.broadcast %add3A_287 : i32 to vector<16xi32>
        %add3A_289 = arith.addi %shift_right_logical3A_87, %add3A_288 : vector<16xi32>
        tpu.vector_store_idx %arg7[%add3A_289], %broadcast_in_dim3A_19 masked %eq3A_124 {add = true} : memref<40000xf32, #tpu.memory_space<vmem>>[vector<16xi32>], vector<16xf32>, vector<16xi1>
        %add3A_290 = arith.constant 0 : i32
        %add3A_291 = vector.broadcast %add3A_290 : i32 to vector<16xi32>
        %add3A_292 = arith.addi %shift_right_logical3A_136, %add3A_291 : vector<16xi32>
        tpu.vector_store_idx %arg7[%add3A_292], %broadcast_in_dim3A_19 masked %eq3A_148 {add = true} : memref<40000xf32, #tpu.memory_space<vmem>>[vector<16xi32>], vector<16xf32>, vector<16xi1>
        %add3A_293 = arith.constant 10000 : i32
        %add3A_294 = vector.broadcast %add3A_293 : i32 to vector<16xi32>
        %add3A_295 = arith.addi %shift_right_logical3A_136, %add3A_294 : vector<16xi32>
        tpu.vector_store_idx %arg7[%add3A_295], %broadcast_in_dim3A_19 masked %eq3A_157 {add = true} : memref<40000xf32, #tpu.memory_space<vmem>>[vector<16xi32>], vector<16xf32>, vector<16xi1>
        %add3A_296 = arith.constant 20000 : i32
        %add3A_297 = vector.broadcast %add3A_296 : i32 to vector<16xi32>
        %add3A_298 = arith.addi %shift_right_logical3A_136, %add3A_297 : vector<16xi32>
        tpu.vector_store_idx %arg7[%add3A_298], %broadcast_in_dim3A_19 masked %eq3A_166 {add = true} : memref<40000xf32, #tpu.memory_space<vmem>>[vector<16xi32>], vector<16xf32>, vector<16xi1>
        %add3A_299 = arith.constant 30000 : i32
        %add3A_300 = vector.broadcast %add3A_299 : i32 to vector<16xi32>
        %add3A_301 = arith.addi %shift_right_logical3A_136, %add3A_300 : vector<16xi32>
        tpu.vector_store_idx %arg7[%add3A_301], %broadcast_in_dim3A_19 masked %eq3A_175 {add = true} : memref<40000xf32, #tpu.memory_space<vmem>>[vector<16xi32>], vector<16xf32>, vector<16xi1>
        %add3A_302 = arith.constant 0 : i32
        %add3A_303 = vector.broadcast %add3A_302 : i32 to vector<16xi32>
        %add3A_304 = arith.addi %shift_right_logical3A_187, %add3A_303 : vector<16xi32>
        tpu.vector_store_idx %arg7[%add3A_304], %broadcast_in_dim3A_19 masked %eq3A_199 {add = true} : memref<40000xf32, #tpu.memory_space<vmem>>[vector<16xi32>], vector<16xf32>, vector<16xi1>
        %add3A_305 = arith.constant 10000 : i32
        %add3A_306 = vector.broadcast %add3A_305 : i32 to vector<16xi32>
        %add3A_307 = arith.addi %shift_right_logical3A_187, %add3A_306 : vector<16xi32>
        tpu.vector_store_idx %arg7[%add3A_307], %broadcast_in_dim3A_19 masked %eq3A_208 {add = true} : memref<40000xf32, #tpu.memory_space<vmem>>[vector<16xi32>], vector<16xf32>, vector<16xi1>
        %add3A_308 = arith.constant 20000 : i32
        %add3A_309 = vector.broadcast %add3A_308 : i32 to vector<16xi32>
        %add3A_310 = arith.addi %shift_right_logical3A_187, %add3A_309 : vector<16xi32>
        tpu.vector_store_idx %arg7[%add3A_310], %broadcast_in_dim3A_19 masked %eq3A_217 {add = true} : memref<40000xf32, #tpu.memory_space<vmem>>[vector<16xi32>], vector<16xf32>, vector<16xi1>
        %add3A_311 = arith.constant 30000 : i32
        %add3A_312 = vector.broadcast %add3A_311 : i32 to vector<16xi32>
        %add3A_313 = arith.addi %shift_right_logical3A_187, %add3A_312 : vector<16xi32>
        tpu.vector_store_idx %arg7[%add3A_313], %broadcast_in_dim3A_19 masked %eq3A_226 {add = true} : memref<40000xf32, #tpu.memory_space<vmem>>[vector<16xi32>], vector<16xf32>, vector<16xi1>
        %add3A_314 = arith.constant 0 : i32
        %add3A_315 = vector.broadcast %add3A_314 : i32 to vector<16xi32>
        %add3A_316 = arith.addi %shift_right_logical3A_238, %add3A_315 : vector<16xi32>
        tpu.vector_store_idx %arg7[%add3A_316], %broadcast_in_dim3A_19 masked %eq3A_250 {add = true} : memref<40000xf32, #tpu.memory_space<vmem>>[vector<16xi32>], vector<16xf32>, vector<16xi1>
        %add3A_317 = arith.constant 10000 : i32
        %add3A_318 = vector.broadcast %add3A_317 : i32 to vector<16xi32>
        %add3A_319 = arith.addi %shift_right_logical3A_238, %add3A_318 : vector<16xi32>
        tpu.vector_store_idx %arg7[%add3A_319], %broadcast_in_dim3A_19 masked %eq3A_259 {add = true} : memref<40000xf32, #tpu.memory_space<vmem>>[vector<16xi32>], vector<16xf32>, vector<16xi1>
        %add3A_320 = arith.constant 20000 : i32
        %add3A_321 = vector.broadcast %add3A_320 : i32 to vector<16xi32>
        %add3A_322 = arith.addi %shift_right_logical3A_238, %add3A_321 : vector<16xi32>
        tpu.vector_store_idx %arg7[%add3A_322], %broadcast_in_dim3A_19 masked %eq3A_268 {add = true} : memref<40000xf32, #tpu.memory_space<vmem>>[vector<16xi32>], vector<16xf32>, vector<16xi1>
        %add3A_323 = arith.constant 30000 : i32
        %add3A_324 = vector.broadcast %add3A_323 : i32 to vector<16xi32>
        %add3A_325 = arith.addi %shift_right_logical3A_238, %add3A_324 : vector<16xi32>
        tpu.vector_store_idx %arg7[%add3A_325], %broadcast_in_dim3A_19 masked %eq3A_277 {add = true} : memref<40000xf32, #tpu.memory_space<vmem>>[vector<16xi32>], vector<16xf32>, vector<16xi1>
        %scan3A_326 = arith.constant 0 : i32
        scf.yield %scan3A_326 : i32
      }
      %scan3A_52 = arith.constant 50 : i32
      %mul3A_53 = arith.constant 2 : i32
      %mul3A_54 = arith.muli %scan3A_29, %mul3A_53 : i32
      %add3A_55 = arith.constant 1 : i32
      %add3A_56 = arith.addi %mul3A_54, %add3A_55 : i32
      %mul3A_57 = arith.constant 3200 : i32
      %mul3A_58 = arith.muli %add3A_56, %mul3A_57 : i32
      %add3A_59 = arith.addi %mul3A_2, %mul3A_58 : i32
      %dma_wait3A_60 = tpu.memref_slice %arg2[%add3A_59] : memref<320000xi32, #tpu.memory_space<hbm>> -> memref<3200xi32, #tpu.memory_space<hbm>>
      %dma_wait3A_61 = tpu.memref_slice %arg2[%add3A_59] : memref<320000xi32, #tpu.memory_space<hbm>> -> memref<3200xi32, #tpu.memory_space<hbm>>
      tpu.wait_dma2 semaphore(%arg11 : memref<!tpu.dma_semaphore, #tpu.memory_space<semaphore_mem>>) src(%dma_wait3A_61 : memref<3200xi32, #tpu.memory_space<hbm>>) dst(%arg9 : memref<3200xi32, #tpu.memory_space<vmem>>)
      %add3A_62 = arith.constant 1 : i32
      %add3A_63 = arith.addi %add3A_56, %add3A_62 : i32
      %lt3A_64 = arith.constant 50 : i32
      %lt3A_65 = arith.cmpi slt, %add3A_63, %lt3A_64 : i32
      %convert_element_type3A_66 = arith.extui %lt3A_65 : i1 to i32
      %cond3A_67 = arith.constant 0 : i32
      %cond3A_68 = arith.cmpi ne, %convert_element_type3A_66, %cond3A_67 : i32
      scf.if %cond3A_68 {
        %add3A_77 = arith.constant 1 : i32
        %add3A_78 = arith.addi %add3A_56, %add3A_77 : i32
        %mul3A_79 = arith.constant 3200 : i32
        %mul3A_80 = arith.muli %add3A_78, %mul3A_79 : i32
        %add3A_81 = arith.addi %mul3A_2, %mul3A_80 : i32
        %dma_start3A_82 = tpu.memref_slice %arg2[%add3A_81] : memref<320000xi32, #tpu.memory_space<hbm>> -> memref<3200xi32, #tpu.memory_space<hbm>>
        %dma_start3A_83 = tpu.memref_slice %arg2[%add3A_81] : memref<320000xi32, #tpu.memory_space<hbm>> -> memref<3200xi32, #tpu.memory_space<hbm>>
        tpu.enqueue_dma source(%dma_start3A_83 : memref<3200xi32, #tpu.memory_space<hbm>>) target(%arg8 : memref<3200xi32, #tpu.memory_space<vmem>>) target_semaphore(%arg10 : memref<!tpu.dma_semaphore, #tpu.memory_space<semaphore_mem>>)
      } else {
      }
      %scan3A_69 = arith.constant 0 : i32
      %scan3A_70 = arith.constant 0 : i32
      %scan3A_71 = arith.constant 50 : i32
      %scan3A_72 = arith.addi %scan3A_70, %scan3A_71 : i32
      %scan3A_73 = arith.constant 1 : i32
      %scan3A_74 = scf.for %scan3A_77 = %scan3A_70 to %scan3A_72 step %scan3A_73 iter_args(%scan3A_78 = %scan3A_69) -> (i32)  : i32 {
        %mul3A_79 = arith.constant 64 : i32
        %mul3A_80 = arith.muli %scan3A_77, %mul3A_79 : i32
        %add3A_81 = arith.constant 0 : i32
        %add3A_82 = arith.addi %mul3A_80, %add3A_81 : i32
        %get3A = arith.index_cast %add3A_82 : i32 to index
        %get3A_83 = tpu.vector_load %arg9[%get3A] {strides = array<i32>} : memref<3200xi32, #tpu.memory_space<vmem>>, vector<16xi32>,
        %and3A = arith.constant 16383 : i32
        %and3A_84 = vector.broadcast %and3A : i32 to vector<16xi32>
        %and3A_85 = arith.andi %get3A_83, %and3A_84 : vector<16xi32>
        %shift_right_logical3A = arith.constant 14 : i32
        %shift_right_logical3A_86 = vector.broadcast %shift_right_logical3A : i32 to vector<16xi32>
        %shift_right_logical3A_87 = arith.shrui %get3A_83, %shift_right_logical3A_86 : vector<16xi32>
        %gather3A = tpu.vector_load_idx %arg6[%and3A_85] : memref<10000xi32, #tpu.memory_space<vmem>>[vector<16xi32>], vector<16xi32>,
        %broadcast_in_dim3A_88 = vector.broadcast %rem3A_12 : i32 to vector<16xi32>
        %shift_right_logical3A_89 = arith.shrui %gather3A, %broadcast_in_dim3A_88 : vector<16xi32>
        %shift_right_logical3A_90 = arith.constant 0 : i32
        %shift_right_logical3A_91 = vector.broadcast %shift_right_logical3A_90 : i32 to vector<16xi32>
        %shift_right_logical3A_92 = arith.shrui %shift_right_logical3A_89, %shift_right_logical3A_91 : vector<16xi32>
        %and3A_93 = arith.constant 1 : i32
        %and3A_94 = vector.broadcast %and3A_93 : i32 to vector<16xi32>
        %and3A_95 = arith.andi %shift_right_logical3A_92, %and3A_94 : vector<16xi32>
        %eq3A = arith.constant 1 : i32
        %eq3A_96 = vector.broadcast %eq3A : i32 to vector<16xi32>
        %eq3A_97 = arith.cmpi eq, %and3A_95, %eq3A_96 : vector<16xi32>
        %shift_right_logical3A_98 = arith.constant 1 : i32
        %shift_right_logical3A_99 = vector.broadcast %shift_right_logical3A_98 : i32 to vector<16xi32>
        %shift_right_logical3A_100 = arith.shrui %shift_right_logical3A_89, %shift_right_logical3A_99 : vector<16xi32>
        %and3A_101 = arith.constant 1 : i32
        %and3A_102 = vector.broadcast %and3A_101 : i32 to vector<16xi32>
        %and3A_103 = arith.andi %shift_right_logical3A_100, %and3A_102 : vector<16xi32>
        %eq3A_104 = arith.constant 1 : i32
        %eq3A_105 = vector.broadcast %eq3A_104 : i32 to vector<16xi32>
        %eq3A_106 = arith.cmpi eq, %and3A_103, %eq3A_105 : vector<16xi32>
        %shift_right_logical3A_107 = arith.constant 2 : i32
        %shift_right_logical3A_108 = vector.broadcast %shift_right_logical3A_107 : i32 to vector<16xi32>
        %shift_right_logical3A_109 = arith.shrui %shift_right_logical3A_89, %shift_right_logical3A_108 : vector<16xi32>
        %and3A_110 = arith.constant 1 : i32
        %and3A_111 = vector.broadcast %and3A_110 : i32 to vector<16xi32>
        %and3A_112 = arith.andi %shift_right_logical3A_109, %and3A_111 : vector<16xi32>
        %eq3A_113 = arith.constant 1 : i32
        %eq3A_114 = vector.broadcast %eq3A_113 : i32 to vector<16xi32>
        %eq3A_115 = arith.cmpi eq, %and3A_112, %eq3A_114 : vector<16xi32>
        %shift_right_logical3A_116 = arith.constant 3 : i32
        %shift_right_logical3A_117 = vector.broadcast %shift_right_logical3A_116 : i32 to vector<16xi32>
        %shift_right_logical3A_118 = arith.shrui %shift_right_logical3A_89, %shift_right_logical3A_117 : vector<16xi32>
        %and3A_119 = arith.constant 1 : i32
        %and3A_120 = vector.broadcast %and3A_119 : i32 to vector<16xi32>
        %and3A_121 = arith.andi %shift_right_logical3A_118, %and3A_120 : vector<16xi32>
        %eq3A_122 = arith.constant 1 : i32
        %eq3A_123 = vector.broadcast %eq3A_122 : i32 to vector<16xi32>
        %eq3A_124 = arith.cmpi eq, %and3A_121, %eq3A_123 : vector<16xi32>
        %mul3A_125 = arith.constant 64 : i32
        %mul3A_126 = arith.muli %scan3A_77, %mul3A_125 : i32
        %add3A_127 = arith.constant 16 : i32
        %add3A_128 = arith.addi %mul3A_126, %add3A_127 : i32
        %get3A_129 = arith.index_cast %add3A_128 : i32 to index
        %get3A_130 = tpu.vector_load %arg9[%get3A_129] {strides = array<i32>} : memref<3200xi32, #tpu.memory_space<vmem>>, vector<16xi32>,
        %and3A_131 = arith.constant 16383 : i32
        %and3A_132 = vector.broadcast %and3A_131 : i32 to vector<16xi32>
        %and3A_133 = arith.andi %get3A_130, %and3A_132 : vector<16xi32>
        %shift_right_logical3A_134 = arith.constant 14 : i32
        %shift_right_logical3A_135 = vector.broadcast %shift_right_logical3A_134 : i32 to vector<16xi32>
        %shift_right_logical3A_136 = arith.shrui %get3A_130, %shift_right_logical3A_135 : vector<16xi32>
        %gather3A_137 = tpu.vector_load_idx %arg6[%and3A_133] : memref<10000xi32, #tpu.memory_space<vmem>>[vector<16xi32>], vector<16xi32>,
        %broadcast_in_dim3A_138 = vector.broadcast %rem3A_12 : i32 to vector<16xi32>
        %shift_right_logical3A_139 = arith.shrui %gather3A_137, %broadcast_in_dim3A_138 : vector<16xi32>
        %shift_right_logical3A_140 = arith.constant 0 : i32
        %shift_right_logical3A_141 = vector.broadcast %shift_right_logical3A_140 : i32 to vector<16xi32>
        %shift_right_logical3A_142 = arith.shrui %shift_right_logical3A_139, %shift_right_logical3A_141 : vector<16xi32>
        %and3A_143 = arith.constant 1 : i32
        %and3A_144 = vector.broadcast %and3A_143 : i32 to vector<16xi32>
        %and3A_145 = arith.andi %shift_right_logical3A_142, %and3A_144 : vector<16xi32>
        %eq3A_146 = arith.constant 1 : i32
        %eq3A_147 = vector.broadcast %eq3A_146 : i32 to vector<16xi32>
        %eq3A_148 = arith.cmpi eq, %and3A_145, %eq3A_147 : vector<16xi32>
        %shift_right_logical3A_149 = arith.constant 1 : i32
        %shift_right_logical3A_150 = vector.broadcast %shift_right_logical3A_149 : i32 to vector<16xi32>
        %shift_right_logical3A_151 = arith.shrui %shift_right_logical3A_139, %shift_right_logical3A_150 : vector<16xi32>
        %and3A_152 = arith.constant 1 : i32
        %and3A_153 = vector.broadcast %and3A_152 : i32 to vector<16xi32>
        %and3A_154 = arith.andi %shift_right_logical3A_151, %and3A_153 : vector<16xi32>
        %eq3A_155 = arith.constant 1 : i32
        %eq3A_156 = vector.broadcast %eq3A_155 : i32 to vector<16xi32>
        %eq3A_157 = arith.cmpi eq, %and3A_154, %eq3A_156 : vector<16xi32>
        %shift_right_logical3A_158 = arith.constant 2 : i32
        %shift_right_logical3A_159 = vector.broadcast %shift_right_logical3A_158 : i32 to vector<16xi32>
        %shift_right_logical3A_160 = arith.shrui %shift_right_logical3A_139, %shift_right_logical3A_159 : vector<16xi32>
        %and3A_161 = arith.constant 1 : i32
        %and3A_162 = vector.broadcast %and3A_161 : i32 to vector<16xi32>
        %and3A_163 = arith.andi %shift_right_logical3A_160, %and3A_162 : vector<16xi32>
        %eq3A_164 = arith.constant 1 : i32
        %eq3A_165 = vector.broadcast %eq3A_164 : i32 to vector<16xi32>
        %eq3A_166 = arith.cmpi eq, %and3A_163, %eq3A_165 : vector<16xi32>
        %shift_right_logical3A_167 = arith.constant 3 : i32
        %shift_right_logical3A_168 = vector.broadcast %shift_right_logical3A_167 : i32 to vector<16xi32>
        %shift_right_logical3A_169 = arith.shrui %shift_right_logical3A_139, %shift_right_logical3A_168 : vector<16xi32>
        %and3A_170 = arith.constant 1 : i32
        %and3A_171 = vector.broadcast %and3A_170 : i32 to vector<16xi32>
        %and3A_172 = arith.andi %shift_right_logical3A_169, %and3A_171 : vector<16xi32>
        %eq3A_173 = arith.constant 1 : i32
        %eq3A_174 = vector.broadcast %eq3A_173 : i32 to vector<16xi32>
        %eq3A_175 = arith.cmpi eq, %and3A_172, %eq3A_174 : vector<16xi32>
        %mul3A_176 = arith.constant 64 : i32
        %mul3A_177 = arith.muli %scan3A_77, %mul3A_176 : i32
        %add3A_178 = arith.constant 32 : i32
        %add3A_179 = arith.addi %mul3A_177, %add3A_178 : i32
        %get3A_180 = arith.index_cast %add3A_179 : i32 to index
        %get3A_181 = tpu.vector_load %arg9[%get3A_180] {strides = array<i32>} : memref<3200xi32, #tpu.memory_space<vmem>>, vector<16xi32>,
        %and3A_182 = arith.constant 16383 : i32
        %and3A_183 = vector.broadcast %and3A_182 : i32 to vector<16xi32>
        %and3A_184 = arith.andi %get3A_181, %and3A_183 : vector<16xi32>
        %shift_right_logical3A_185 = arith.constant 14 : i32
        %shift_right_logical3A_186 = vector.broadcast %shift_right_logical3A_185 : i32 to vector<16xi32>
        %shift_right_logical3A_187 = arith.shrui %get3A_181, %shift_right_logical3A_186 : vector<16xi32>
        %gather3A_188 = tpu.vector_load_idx %arg6[%and3A_184] : memref<10000xi32, #tpu.memory_space<vmem>>[vector<16xi32>], vector<16xi32>,
        %broadcast_in_dim3A_189 = vector.broadcast %rem3A_12 : i32 to vector<16xi32>
        %shift_right_logical3A_190 = arith.shrui %gather3A_188, %broadcast_in_dim3A_189 : vector<16xi32>
        %shift_right_logical3A_191 = arith.constant 0 : i32
        %shift_right_logical3A_192 = vector.broadcast %shift_right_logical3A_191 : i32 to vector<16xi32>
        %shift_right_logical3A_193 = arith.shrui %shift_right_logical3A_190, %shift_right_logical3A_192 : vector<16xi32>
        %and3A_194 = arith.constant 1 : i32
        %and3A_195 = vector.broadcast %and3A_194 : i32 to vector<16xi32>
        %and3A_196 = arith.andi %shift_right_logical3A_193, %and3A_195 : vector<16xi32>
        %eq3A_197 = arith.constant 1 : i32
        %eq3A_198 = vector.broadcast %eq3A_197 : i32 to vector<16xi32>
        %eq3A_199 = arith.cmpi eq, %and3A_196, %eq3A_198 : vector<16xi32>
        %shift_right_logical3A_200 = arith.constant 1 : i32
        %shift_right_logical3A_201 = vector.broadcast %shift_right_logical3A_200 : i32 to vector<16xi32>
        %shift_right_logical3A_202 = arith.shrui %shift_right_logical3A_190, %shift_right_logical3A_201 : vector<16xi32>
        %and3A_203 = arith.constant 1 : i32
        %and3A_204 = vector.broadcast %and3A_203 : i32 to vector<16xi32>
        %and3A_205 = arith.andi %shift_right_logical3A_202, %and3A_204 : vector<16xi32>
        %eq3A_206 = arith.constant 1 : i32
        %eq3A_207 = vector.broadcast %eq3A_206 : i32 to vector<16xi32>
        %eq3A_208 = arith.cmpi eq, %and3A_205, %eq3A_207 : vector<16xi32>
        %shift_right_logical3A_209 = arith.constant 2 : i32
        %shift_right_logical3A_210 = vector.broadcast %shift_right_logical3A_209 : i32 to vector<16xi32>
        %shift_right_logical3A_211 = arith.shrui %shift_right_logical3A_190, %shift_right_logical3A_210 : vector<16xi32>
        %and3A_212 = arith.constant 1 : i32
        %and3A_213 = vector.broadcast %and3A_212 : i32 to vector<16xi32>
        %and3A_214 = arith.andi %shift_right_logical3A_211, %and3A_213 : vector<16xi32>
        %eq3A_215 = arith.constant 1 : i32
        %eq3A_216 = vector.broadcast %eq3A_215 : i32 to vector<16xi32>
        %eq3A_217 = arith.cmpi eq, %and3A_214, %eq3A_216 : vector<16xi32>
        %shift_right_logical3A_218 = arith.constant 3 : i32
        %shift_right_logical3A_219 = vector.broadcast %shift_right_logical3A_218 : i32 to vector<16xi32>
        %shift_right_logical3A_220 = arith.shrui %shift_right_logical3A_190, %shift_right_logical3A_219 : vector<16xi32>
        %and3A_221 = arith.constant 1 : i32
        %and3A_222 = vector.broadcast %and3A_221 : i32 to vector<16xi32>
        %and3A_223 = arith.andi %shift_right_logical3A_220, %and3A_222 : vector<16xi32>
        %eq3A_224 = arith.constant 1 : i32
        %eq3A_225 = vector.broadcast %eq3A_224 : i32 to vector<16xi32>
        %eq3A_226 = arith.cmpi eq, %and3A_223, %eq3A_225 : vector<16xi32>
        %mul3A_227 = arith.constant 64 : i32
        %mul3A_228 = arith.muli %scan3A_77, %mul3A_227 : i32
        %add3A_229 = arith.constant 48 : i32
        %add3A_230 = arith.addi %mul3A_228, %add3A_229 : i32
        %get3A_231 = arith.index_cast %add3A_230 : i32 to index
        %get3A_232 = tpu.vector_load %arg9[%get3A_231] {strides = array<i32>} : memref<3200xi32, #tpu.memory_space<vmem>>, vector<16xi32>,
        %and3A_233 = arith.constant 16383 : i32
        %and3A_234 = vector.broadcast %and3A_233 : i32 to vector<16xi32>
        %and3A_235 = arith.andi %get3A_232, %and3A_234 : vector<16xi32>
        %shift_right_logical3A_236 = arith.constant 14 : i32
        %shift_right_logical3A_237 = vector.broadcast %shift_right_logical3A_236 : i32 to vector<16xi32>
        %shift_right_logical3A_238 = arith.shrui %get3A_232, %shift_right_logical3A_237 : vector<16xi32>
        %gather3A_239 = tpu.vector_load_idx %arg6[%and3A_235] : memref<10000xi32, #tpu.memory_space<vmem>>[vector<16xi32>], vector<16xi32>,
        %broadcast_in_dim3A_240 = vector.broadcast %rem3A_12 : i32 to vector<16xi32>
        %shift_right_logical3A_241 = arith.shrui %gather3A_239, %broadcast_in_dim3A_240 : vector<16xi32>
        %shift_right_logical3A_242 = arith.constant 0 : i32
        %shift_right_logical3A_243 = vector.broadcast %shift_right_logical3A_242 : i32 to vector<16xi32>
        %shift_right_logical3A_244 = arith.shrui %shift_right_logical3A_241, %shift_right_logical3A_243 : vector<16xi32>
        %and3A_245 = arith.constant 1 : i32
        %and3A_246 = vector.broadcast %and3A_245 : i32 to vector<16xi32>
        %and3A_247 = arith.andi %shift_right_logical3A_244, %and3A_246 : vector<16xi32>
        %eq3A_248 = arith.constant 1 : i32
        %eq3A_249 = vector.broadcast %eq3A_248 : i32 to vector<16xi32>
        %eq3A_250 = arith.cmpi eq, %and3A_247, %eq3A_249 : vector<16xi32>
        %shift_right_logical3A_251 = arith.constant 1 : i32
        %shift_right_logical3A_252 = vector.broadcast %shift_right_logical3A_251 : i32 to vector<16xi32>
        %shift_right_logical3A_253 = arith.shrui %shift_right_logical3A_241, %shift_right_logical3A_252 : vector<16xi32>
        %and3A_254 = arith.constant 1 : i32
        %and3A_255 = vector.broadcast %and3A_254 : i32 to vector<16xi32>
        %and3A_256 = arith.andi %shift_right_logical3A_253, %and3A_255 : vector<16xi32>
        %eq3A_257 = arith.constant 1 : i32
        %eq3A_258 = vector.broadcast %eq3A_257 : i32 to vector<16xi32>
        %eq3A_259 = arith.cmpi eq, %and3A_256, %eq3A_258 : vector<16xi32>
        %shift_right_logical3A_260 = arith.constant 2 : i32
        %shift_right_logical3A_261 = vector.broadcast %shift_right_logical3A_260 : i32 to vector<16xi32>
        %shift_right_logical3A_262 = arith.shrui %shift_right_logical3A_241, %shift_right_logical3A_261 : vector<16xi32>
        %and3A_263 = arith.constant 1 : i32
        %and3A_264 = vector.broadcast %and3A_263 : i32 to vector<16xi32>
        %and3A_265 = arith.andi %shift_right_logical3A_262, %and3A_264 : vector<16xi32>
        %eq3A_266 = arith.constant 1 : i32
        %eq3A_267 = vector.broadcast %eq3A_266 : i32 to vector<16xi32>
        %eq3A_268 = arith.cmpi eq, %and3A_265, %eq3A_267 : vector<16xi32>
        %shift_right_logical3A_269 = arith.constant 3 : i32
        %shift_right_logical3A_270 = vector.broadcast %shift_right_logical3A_269 : i32 to vector<16xi32>
        %shift_right_logical3A_271 = arith.shrui %shift_right_logical3A_241, %shift_right_logical3A_270 : vector<16xi32>
        %and3A_272 = arith.constant 1 : i32
        %and3A_273 = vector.broadcast %and3A_272 : i32 to vector<16xi32>
        %and3A_274 = arith.andi %shift_right_logical3A_271, %and3A_273 : vector<16xi32>
        %eq3A_275 = arith.constant 1 : i32
        %eq3A_276 = vector.broadcast %eq3A_275 : i32 to vector<16xi32>
        %eq3A_277 = arith.cmpi eq, %and3A_274, %eq3A_276 : vector<16xi32>
        %add3A_278 = arith.constant 0 : i32
        %add3A_279 = vector.broadcast %add3A_278 : i32 to vector<16xi32>
        %add3A_280 = arith.addi %shift_right_logical3A_87, %add3A_279 : vector<16xi32>
        tpu.vector_store_idx %arg7[%add3A_280], %broadcast_in_dim3A_19 masked %eq3A_97 {add = true} : memref<40000xf32, #tpu.memory_space<vmem>>[vector<16xi32>], vector<16xf32>, vector<16xi1>
        %add3A_281 = arith.constant 10000 : i32
        %add3A_282 = vector.broadcast %add3A_281 : i32 to vector<16xi32>
        %add3A_283 = arith.addi %shift_right_logical3A_87, %add3A_282 : vector<16xi32>
        tpu.vector_store_idx %arg7[%add3A_283], %broadcast_in_dim3A_19 masked %eq3A_106 {add = true} : memref<40000xf32, #tpu.memory_space<vmem>>[vector<16xi32>], vector<16xf32>, vector<16xi1>
        %add3A_284 = arith.constant 20000 : i32
        %add3A_285 = vector.broadcast %add3A_284 : i32 to vector<16xi32>
        %add3A_286 = arith.addi %shift_right_logical3A_87, %add3A_285 : vector<16xi32>
        tpu.vector_store_idx %arg7[%add3A_286], %broadcast_in_dim3A_19 masked %eq3A_115 {add = true} : memref<40000xf32, #tpu.memory_space<vmem>>[vector<16xi32>], vector<16xf32>, vector<16xi1>
        %add3A_287 = arith.constant 30000 : i32
        %add3A_288 = vector.broadcast %add3A_287 : i32 to vector<16xi32>
        %add3A_289 = arith.addi %shift_right_logical3A_87, %add3A_288 : vector<16xi32>
        tpu.vector_store_idx %arg7[%add3A_289], %broadcast_in_dim3A_19 masked %eq3A_124 {add = true} : memref<40000xf32, #tpu.memory_space<vmem>>[vector<16xi32>], vector<16xf32>, vector<16xi1>
        %add3A_290 = arith.constant 0 : i32
        %add3A_291 = vector.broadcast %add3A_290 : i32 to vector<16xi32>
        %add3A_292 = arith.addi %shift_right_logical3A_136, %add3A_291 : vector<16xi32>
        tpu.vector_store_idx %arg7[%add3A_292], %broadcast_in_dim3A_19 masked %eq3A_148 {add = true} : memref<40000xf32, #tpu.memory_space<vmem>>[vector<16xi32>], vector<16xf32>, vector<16xi1>
        %add3A_293 = arith.constant 10000 : i32
        %add3A_294 = vector.broadcast %add3A_293 : i32 to vector<16xi32>
        %add3A_295 = arith.addi %shift_right_logical3A_136, %add3A_294 : vector<16xi32>
        tpu.vector_store_idx %arg7[%add3A_295], %broadcast_in_dim3A_19 masked %eq3A_157 {add = true} : memref<40000xf32, #tpu.memory_space<vmem>>[vector<16xi32>], vector<16xf32>, vector<16xi1>
        %add3A_296 = arith.constant 20000 : i32
        %add3A_297 = vector.broadcast %add3A_296 : i32 to vector<16xi32>
        %add3A_298 = arith.addi %shift_right_logical3A_136, %add3A_297 : vector<16xi32>
        tpu.vector_store_idx %arg7[%add3A_298], %broadcast_in_dim3A_19 masked %eq3A_166 {add = true} : memref<40000xf32, #tpu.memory_space<vmem>>[vector<16xi32>], vector<16xf32>, vector<16xi1>
        %add3A_299 = arith.constant 30000 : i32
        %add3A_300 = vector.broadcast %add3A_299 : i32 to vector<16xi32>
        %add3A_301 = arith.addi %shift_right_logical3A_136, %add3A_300 : vector<16xi32>
        tpu.vector_store_idx %arg7[%add3A_301], %broadcast_in_dim3A_19 masked %eq3A_175 {add = true} : memref<40000xf32, #tpu.memory_space<vmem>>[vector<16xi32>], vector<16xf32>, vector<16xi1>
        %add3A_302 = arith.constant 0 : i32
        %add3A_303 = vector.broadcast %add3A_302 : i32 to vector<16xi32>
        %add3A_304 = arith.addi %shift_right_logical3A_187, %add3A_303 : vector<16xi32>
        tpu.vector_store_idx %arg7[%add3A_304], %broadcast_in_dim3A_19 masked %eq3A_199 {add = true} : memref<40000xf32, #tpu.memory_space<vmem>>[vector<16xi32>], vector<16xf32>, vector<16xi1>
        %add3A_305 = arith.constant 10000 : i32
        %add3A_306 = vector.broadcast %add3A_305 : i32 to vector<16xi32>
        %add3A_307 = arith.addi %shift_right_logical3A_187, %add3A_306 : vector<16xi32>
        tpu.vector_store_idx %arg7[%add3A_307], %broadcast_in_dim3A_19 masked %eq3A_208 {add = true} : memref<40000xf32, #tpu.memory_space<vmem>>[vector<16xi32>], vector<16xf32>, vector<16xi1>
        %add3A_308 = arith.constant 20000 : i32
        %add3A_309 = vector.broadcast %add3A_308 : i32 to vector<16xi32>
        %add3A_310 = arith.addi %shift_right_logical3A_187, %add3A_309 : vector<16xi32>
        tpu.vector_store_idx %arg7[%add3A_310], %broadcast_in_dim3A_19 masked %eq3A_217 {add = true} : memref<40000xf32, #tpu.memory_space<vmem>>[vector<16xi32>], vector<16xf32>, vector<16xi1>
        %add3A_311 = arith.constant 30000 : i32
        %add3A_312 = vector.broadcast %add3A_311 : i32 to vector<16xi32>
        %add3A_313 = arith.addi %shift_right_logical3A_187, %add3A_312 : vector<16xi32>
        tpu.vector_store_idx %arg7[%add3A_313], %broadcast_in_dim3A_19 masked %eq3A_226 {add = true} : memref<40000xf32, #tpu.memory_space<vmem>>[vector<16xi32>], vector<16xf32>, vector<16xi1>
        %add3A_314 = arith.constant 0 : i32
        %add3A_315 = vector.broadcast %add3A_314 : i32 to vector<16xi32>
        %add3A_316 = arith.addi %shift_right_logical3A_238, %add3A_315 : vector<16xi32>
        tpu.vector_store_idx %arg7[%add3A_316], %broadcast_in_dim3A_19 masked %eq3A_250 {add = true} : memref<40000xf32, #tpu.memory_space<vmem>>[vector<16xi32>], vector<16xf32>, vector<16xi1>
        %add3A_317 = arith.constant 10000 : i32
        %add3A_318 = vector.broadcast %add3A_317 : i32 to vector<16xi32>
        %add3A_319 = arith.addi %shift_right_logical3A_238, %add3A_318 : vector<16xi32>
        tpu.vector_store_idx %arg7[%add3A_319], %broadcast_in_dim3A_19 masked %eq3A_259 {add = true} : memref<40000xf32, #tpu.memory_space<vmem>>[vector<16xi32>], vector<16xf32>, vector<16xi1>
        %add3A_320 = arith.constant 20000 : i32
        %add3A_321 = vector.broadcast %add3A_320 : i32 to vector<16xi32>
        %add3A_322 = arith.addi %shift_right_logical3A_238, %add3A_321 : vector<16xi32>
        tpu.vector_store_idx %arg7[%add3A_322], %broadcast_in_dim3A_19 masked %eq3A_268 {add = true} : memref<40000xf32, #tpu.memory_space<vmem>>[vector<16xi32>], vector<16xf32>, vector<16xi1>
        %add3A_323 = arith.constant 30000 : i32
        %add3A_324 = vector.broadcast %add3A_323 : i32 to vector<16xi32>
        %add3A_325 = arith.addi %shift_right_logical3A_238, %add3A_324 : vector<16xi32>
        tpu.vector_store_idx %arg7[%add3A_325], %broadcast_in_dim3A_19 masked %eq3A_277 {add = true} : memref<40000xf32, #tpu.memory_space<vmem>>[vector<16xi32>], vector<16xf32>, vector<16xi1>
        %scan3A_326 = arith.constant 0 : i32
        scf.yield %scan3A_326 : i32
      }
      %scan3A_75 = arith.constant 50 : i32
      %scan3A_76 = arith.constant 0 : i32
      scf.yield %scan3A_76 : i32
    }
    %scan3A_26 = arith.constant 25 : i32
    %mul3A_27 = arith.constant 10000 : i32
    %mul3A_28 = arith.muli %mul3A_0, %mul3A_27 : i32
    %add3A = arith.addi %mul3A_4, %mul3A_28 : i32
    "tpu.region"() ({
      %run_scoped3A = tpu.sem_alloc : memref<!tpu.dma_semaphore, #tpu.memory_space<semaphore_mem>>
      %dma_start3A_29 = tpu.memref_slice %arg5[%add3A] : memref<1280000xf32, #tpu.memory_space<hbm>> -> memref<40000xf32, #tpu.memory_space<hbm>>
      %dma_start3A_30 = tpu.memref_slice %arg5[%add3A] : memref<1280000xf32, #tpu.memory_space<hbm>> -> memref<40000xf32, #tpu.memory_space<hbm>>
      tpu.enqueue_dma source(%arg7 : memref<40000xf32, #tpu.memory_space<vmem>>) target(%dma_start3A_30 : memref<40000xf32, #tpu.memory_space<hbm>>) target_semaphore(%run_scoped3A : memref<!tpu.dma_semaphore, #tpu.memory_space<semaphore_mem>>)
      %dma_wait3A = tpu.memref_slice %arg5[%add3A] : memref<1280000xf32, #tpu.memory_space<hbm>> -> memref<40000xf32, #tpu.memory_space<hbm>>
      %dma_wait3A_31 = tpu.memref_slice %arg5[%add3A] : memref<1280000xf32, #tpu.memory_space<hbm>> -> memref<40000xf32, #tpu.memory_space<hbm>>
      tpu.wait_dma2 semaphore(%run_scoped3A : memref<!tpu.dma_semaphore, #tpu.memory_space<semaphore_mem>>) src(%arg7 : memref<40000xf32, #tpu.memory_space<vmem>>) dst(%dma_wait3A_31 : memref<40000xf32, #tpu.memory_space<hbm>>)
      tpu.yield
    }) : () -> ()
    return
  }
}

#map = affine_map<(d0, d1) -> (0)>
module attributes {stable_mosaic.version = 14 : i64} {
  func.func @body(%arg0: i32, %arg1: i32, %arg2: memref<1280000xf32, #tpu.memory_space<hbm>>, %arg3: memref<320000xi32, #tpu.memory_space<hbm>>, %arg4: memref<1280000xf32, #tpu.memory_space<hbm>>, %arg5: memref<40000xf32, #tpu.memory_space<vmem>>, %arg6: memref<40000xf32, #tpu.memory_space<vmem>>, %arg7: memref<3200xi32, #tpu.memory_space<vmem>>, %arg8: memref<3200xi32, #tpu.memory_space<vmem>>, %arg9: memref<!tpu.dma_semaphore, #tpu.memory_space<semaphore_mem>>, %arg10: memref<!tpu.dma_semaphore, #tpu.memory_space<semaphore_mem>>) attributes {dimension_semantics = [#tpu.dimension_semantics<core_parallel>, #tpu.dimension_semantics<subcore_parallel>], iteration_bounds = array<i64: 2, 16>, scalar_prefetch = 0 : i64, scratch_operands = 6 : i64, tpu.core_type = #tpu.core_type<sc_vector_subcore>, window_params = [{transform_indices = #map}, {transform_indices = #map}, {transform_indices = #map}]} {
    %mul3A = arith.constant 2 : i32
    %mul3A_0 = arith.muli %arg1, %mul3A : i32
    %add3A = arith.addi %mul3A_0, %arg0 : i32
    %mul3A_1 = arith.constant 4 : i32
    %mul3A_2 = arith.muli %add3A, %mul3A_1 : i32
    %mul3A_3 = arith.constant 10000 : i32
    %mul3A_4 = arith.muli %mul3A_2, %mul3A_3 : i32
    "tpu.region"() ({
      %run_scoped3A = tpu.sem_alloc : memref<!tpu.dma_semaphore, #tpu.memory_space<semaphore_mem>>
      %dma_start3A_30 = tpu.memref_slice %arg2[%mul3A_4] : memref<1280000xf32, #tpu.memory_space<hbm>> -> memref<40000xf32, #tpu.memory_space<hbm>>
      %dma_start3A_31 = tpu.memref_slice %arg2[%mul3A_4] : memref<1280000xf32, #tpu.memory_space<hbm>> -> memref<40000xf32, #tpu.memory_space<hbm>>
      tpu.enqueue_dma source(%dma_start3A_31 : memref<40000xf32, #tpu.memory_space<hbm>>) target(%arg5 : memref<40000xf32, #tpu.memory_space<vmem>>) target_semaphore(%run_scoped3A : memref<!tpu.dma_semaphore, #tpu.memory_space<semaphore_mem>>)
      %dma_wait3A = tpu.memref_slice %arg2[%mul3A_4] : memref<1280000xf32, #tpu.memory_space<hbm>> -> memref<40000xf32, #tpu.memory_space<hbm>>
      %dma_wait3A_32 = tpu.memref_slice %arg2[%mul3A_4] : memref<1280000xf32, #tpu.memory_space<hbm>> -> memref<40000xf32, #tpu.memory_space<hbm>>
      tpu.wait_dma2 semaphore(%run_scoped3A : memref<!tpu.dma_semaphore, #tpu.memory_space<semaphore_mem>>) src(%dma_wait3A_32 : memref<40000xf32, #tpu.memory_space<hbm>>) dst(%arg5 : memref<40000xf32, #tpu.memory_space<vmem>>)
      tpu.yield
    }) : () -> ()
    %mul3A_5 = arith.constant 2 : i32
    %mul3A_6 = arith.muli %arg1, %mul3A_5 : i32
    %add3A_7 = arith.addi %mul3A_6, %arg0 : i32
    %mul3A_8 = arith.constant 4 : i32
    %mul3A_9 = arith.muli %add3A_7, %mul3A_8 : i32
    %dma_start3A = arith.constant 0 : i32
    %dma_start3A_10 = tpu.memref_slice %arg3[%dma_start3A] : memref<320000xi32, #tpu.memory_space<hbm>> -> memref<3200xi32, #tpu.memory_space<hbm>>
    %dma_start3A_11 = arith.constant 0 : i32
    %dma_start3A_12 = tpu.memref_slice %arg3[%dma_start3A_11] : memref<320000xi32, #tpu.memory_space<hbm>> -> memref<3200xi32, #tpu.memory_space<hbm>>
    tpu.enqueue_dma source(%dma_start3A_12 : memref<3200xi32, #tpu.memory_space<hbm>>) target(%arg7 : memref<3200xi32, #tpu.memory_space<vmem>>) target_semaphore(%arg9 : memref<!tpu.dma_semaphore, #tpu.memory_space<semaphore_mem>>)
    %scan3A = arith.constant 0 : i32
    %scan3A_13 = arith.constant 0 : i32
    %scan3A_14 = arith.constant 2500 : i32
    %scan3A_15 = arith.addi %scan3A_13, %scan3A_14 : i32
    %scan3A_16 = arith.constant 1 : i32
    %scan3A_17 = scf.for %scan3A_30 = %scan3A_13 to %scan3A_15 step %scan3A_16 iter_args(%scan3A_31 = %scan3A) -> (i32)  : i32 {
      %broadcast_in_dim3A = arith.constant 0.000000e+00 : f32
      %broadcast_in_dim3A_32 = vector.broadcast %broadcast_in_dim3A : f32 to vector<16xf32>
      %mul3A_33 = arith.constant 16 : i32
      %mul3A_34 = arith.muli %scan3A_30, %mul3A_33 : i32
      %swap3A = arith.index_cast %mul3A_34 : i32 to index
      %swap3A_35 = tpu.vector_load %arg6[%swap3A] {strides = array<i32>} : memref<40000xf32, #tpu.memory_space<vmem>>, vector<16xf32>,
      tpu.vector_store %arg6[%swap3A], %broadcast_in_dim3A_32 {strides = array<i32>} : memref<40000xf32, #tpu.memory_space<vmem>>, vector<16xf32>,
      %scan3A_36 = arith.constant 0 : i32
      scf.yield %scan3A_36 : i32
    }
    %scan3A_18 = arith.constant 2500 : i32
    %scan3A_19 = arith.constant 0 : i32
    %scan3A_20 = arith.constant 0 : i32
    %scan3A_21 = arith.constant 50 : i32
    %scan3A_22 = arith.addi %scan3A_20, %scan3A_21 : i32
    %scan3A_23 = arith.constant 1 : i32
    %scan3A_24 = scf.for %scan3A_30 = %scan3A_20 to %scan3A_22 step %scan3A_23 iter_args(%scan3A_31 = %scan3A_19) -> (i32)  : i32 {
      %mul3A_32 = arith.constant 2 : i32
      %mul3A_33 = arith.muli %scan3A_30, %mul3A_32 : i32
      %add3A_34 = arith.constant 0 : i32
      %add3A_35 = arith.addi %mul3A_33, %add3A_34 : i32
      %mul3A_36 = arith.constant 3200 : i32
      %mul3A_37 = arith.muli %add3A_35, %mul3A_36 : i32
      %add3A_38 = arith.constant 0 : i32
      %add3A_39 = arith.addi %add3A_38, %mul3A_37 : i32
      %dma_wait3A = tpu.memref_slice %arg3[%add3A_39] : memref<320000xi32, #tpu.memory_space<hbm>> -> memref<3200xi32, #tpu.memory_space<hbm>>
      %dma_wait3A_40 = tpu.memref_slice %arg3[%add3A_39] : memref<320000xi32, #tpu.memory_space<hbm>> -> memref<3200xi32, #tpu.memory_space<hbm>>
      tpu.wait_dma2 semaphore(%arg9 : memref<!tpu.dma_semaphore, #tpu.memory_space<semaphore_mem>>) src(%dma_wait3A_40 : memref<3200xi32, #tpu.memory_space<hbm>>) dst(%arg7 : memref<3200xi32, #tpu.memory_space<vmem>>)
      %add3A_41 = arith.constant 1 : i32
      %add3A_42 = arith.addi %add3A_35, %add3A_41 : i32
      %lt3A = arith.constant 100 : i32
      %lt3A_43 = arith.cmpi slt, %add3A_42, %lt3A : i32
      %convert_element_type3A = arith.extui %lt3A_43 : i1 to i32
      %cond3A = arith.constant 0 : i32
      %cond3A_44 = arith.cmpi ne, %convert_element_type3A, %cond3A : i32
      scf.if %cond3A_44 {
        %add3A_77 = arith.constant 1 : i32
        %add3A_78 = arith.addi %add3A_35, %add3A_77 : i32
        %mul3A_79 = arith.constant 3200 : i32
        %mul3A_80 = arith.muli %add3A_78, %mul3A_79 : i32
        %add3A_81 = arith.constant 0 : i32
        %add3A_82 = arith.addi %add3A_81, %mul3A_80 : i32
        %dma_start3A_83 = tpu.memref_slice %arg3[%add3A_82] : memref<320000xi32, #tpu.memory_space<hbm>> -> memref<3200xi32, #tpu.memory_space<hbm>>
        %dma_start3A_84 = tpu.memref_slice %arg3[%add3A_82] : memref<320000xi32, #tpu.memory_space<hbm>> -> memref<3200xi32, #tpu.memory_space<hbm>>
        tpu.enqueue_dma source(%dma_start3A_84 : memref<3200xi32, #tpu.memory_space<hbm>>) target(%arg8 : memref<3200xi32, #tpu.memory_space<vmem>>) target_semaphore(%arg10 : memref<!tpu.dma_semaphore, #tpu.memory_space<semaphore_mem>>)
      } else {
      }
      %scan3A_45 = arith.constant 0 : i32
      %scan3A_46 = arith.constant 0 : i32
      %scan3A_47 = arith.constant 25 : i32
      %scan3A_48 = arith.addi %scan3A_46, %scan3A_47 : i32
      %scan3A_49 = arith.constant 1 : i32
      %scan3A_50 = scf.for %scan3A_77 = %scan3A_46 to %scan3A_48 step %scan3A_49 iter_args(%scan3A_78 = %scan3A_45) -> (i32)  : i32 {
        %mul3A_79 = arith.constant 128 : i32
        %mul3A_80 = arith.muli %scan3A_77, %mul3A_79 : i32
        %add3A_81 = arith.constant 0 : i32
        %add3A_82 = arith.addi %mul3A_80, %add3A_81 : i32
        %get3A = arith.index_cast %add3A_82 : i32 to index
        %get3A_83 = tpu.vector_load %arg7[%get3A] {strides = array<i32>} : memref<3200xi32, #tpu.memory_space<vmem>>, vector<16xi32>,
        %and3A = arith.constant 16383 : i32
        %and3A_84 = vector.broadcast %and3A : i32 to vector<16xi32>
        %and3A_85 = arith.andi %get3A_83, %and3A_84 : vector<16xi32>
        %shift_right_logical3A = arith.constant 14 : i32
        %shift_right_logical3A_86 = vector.broadcast %shift_right_logical3A : i32 to vector<16xi32>
        %shift_right_logical3A_87 = arith.shrui %get3A_83, %shift_right_logical3A_86 : vector<16xi32>
        %add3A_88 = arith.constant 0 : i32
        %add3A_89 = vector.broadcast %add3A_88 : i32 to vector<16xi32>
        %add3A_90 = arith.addi %and3A_85, %add3A_89 : vector<16xi32>
        %gather3A = tpu.vector_load_idx %arg5[%add3A_90] : memref<40000xf32, #tpu.memory_space<vmem>>[vector<16xi32>], vector<16xf32>,
        %add3A_91 = arith.constant 10000 : i32
        %add3A_92 = vector.broadcast %add3A_91 : i32 to vector<16xi32>
        %add3A_93 = arith.addi %and3A_85, %add3A_92 : vector<16xi32>
        %gather3A_94 = tpu.vector_load_idx %arg5[%add3A_93] : memref<40000xf32, #tpu.memory_space<vmem>>[vector<16xi32>], vector<16xf32>,
        %add3A_95 = arith.constant 20000 : i32
        %add3A_96 = vector.broadcast %add3A_95 : i32 to vector<16xi32>
        %add3A_97 = arith.addi %and3A_85, %add3A_96 : vector<16xi32>
        %gather3A_98 = tpu.vector_load_idx %arg5[%add3A_97] : memref<40000xf32, #tpu.memory_space<vmem>>[vector<16xi32>], vector<16xf32>,
        %add3A_99 = arith.constant 30000 : i32
        %add3A_100 = vector.broadcast %add3A_99 : i32 to vector<16xi32>
        %add3A_101 = arith.addi %and3A_85, %add3A_100 : vector<16xi32>
        %gather3A_102 = tpu.vector_load_idx %arg5[%add3A_101] : memref<40000xf32, #tpu.memory_space<vmem>>[vector<16xi32>], vector<16xf32>,
        %mul3A_103 = arith.constant 128 : i32
        %mul3A_104 = arith.muli %scan3A_77, %mul3A_103 : i32
        %add3A_105 = arith.constant 16 : i32
        %add3A_106 = arith.addi %mul3A_104, %add3A_105 : i32
        %get3A_107 = arith.index_cast %add3A_106 : i32 to index
        %get3A_108 = tpu.vector_load %arg7[%get3A_107] {strides = array<i32>} : memref<3200xi32, #tpu.memory_space<vmem>>, vector<16xi32>,
        %and3A_109 = arith.constant 16383 : i32
        %and3A_110 = vector.broadcast %and3A_109 : i32 to vector<16xi32>
        %and3A_111 = arith.andi %get3A_108, %and3A_110 : vector<16xi32>
        %shift_right_logical3A_112 = arith.constant 14 : i32
        %shift_right_logical3A_113 = vector.broadcast %shift_right_logical3A_112 : i32 to vector<16xi32>
        %shift_right_logical3A_114 = arith.shrui %get3A_108, %shift_right_logical3A_113 : vector<16xi32>
        %add3A_115 = arith.constant 0 : i32
        %add3A_116 = vector.broadcast %add3A_115 : i32 to vector<16xi32>
        %add3A_117 = arith.addi %and3A_111, %add3A_116 : vector<16xi32>
        %gather3A_118 = tpu.vector_load_idx %arg5[%add3A_117] : memref<40000xf32, #tpu.memory_space<vmem>>[vector<16xi32>], vector<16xf32>,
        %add3A_119 = arith.constant 10000 : i32
        %add3A_120 = vector.broadcast %add3A_119 : i32 to vector<16xi32>
        %add3A_121 = arith.addi %and3A_111, %add3A_120 : vector<16xi32>
        %gather3A_122 = tpu.vector_load_idx %arg5[%add3A_121] : memref<40000xf32, #tpu.memory_space<vmem>>[vector<16xi32>], vector<16xf32>,
        %add3A_123 = arith.constant 20000 : i32
        %add3A_124 = vector.broadcast %add3A_123 : i32 to vector<16xi32>
        %add3A_125 = arith.addi %and3A_111, %add3A_124 : vector<16xi32>
        %gather3A_126 = tpu.vector_load_idx %arg5[%add3A_125] : memref<40000xf32, #tpu.memory_space<vmem>>[vector<16xi32>], vector<16xf32>,
        %add3A_127 = arith.constant 30000 : i32
        %add3A_128 = vector.broadcast %add3A_127 : i32 to vector<16xi32>
        %add3A_129 = arith.addi %and3A_111, %add3A_128 : vector<16xi32>
        %gather3A_130 = tpu.vector_load_idx %arg5[%add3A_129] : memref<40000xf32, #tpu.memory_space<vmem>>[vector<16xi32>], vector<16xf32>,
        %mul3A_131 = arith.constant 128 : i32
        %mul3A_132 = arith.muli %scan3A_77, %mul3A_131 : i32
        %add3A_133 = arith.constant 32 : i32
        %add3A_134 = arith.addi %mul3A_132, %add3A_133 : i32
        %get3A_135 = arith.index_cast %add3A_134 : i32 to index
        %get3A_136 = tpu.vector_load %arg7[%get3A_135] {strides = array<i32>} : memref<3200xi32, #tpu.memory_space<vmem>>, vector<16xi32>,
        %and3A_137 = arith.constant 16383 : i32
        %and3A_138 = vector.broadcast %and3A_137 : i32 to vector<16xi32>
        %and3A_139 = arith.andi %get3A_136, %and3A_138 : vector<16xi32>
        %shift_right_logical3A_140 = arith.constant 14 : i32
        %shift_right_logical3A_141 = vector.broadcast %shift_right_logical3A_140 : i32 to vector<16xi32>
        %shift_right_logical3A_142 = arith.shrui %get3A_136, %shift_right_logical3A_141 : vector<16xi32>
        %add3A_143 = arith.constant 0 : i32
        %add3A_144 = vector.broadcast %add3A_143 : i32 to vector<16xi32>
        %add3A_145 = arith.addi %and3A_139, %add3A_144 : vector<16xi32>
        %gather3A_146 = tpu.vector_load_idx %arg5[%add3A_145] : memref<40000xf32, #tpu.memory_space<vmem>>[vector<16xi32>], vector<16xf32>,
        %add3A_147 = arith.constant 10000 : i32
        %add3A_148 = vector.broadcast %add3A_147 : i32 to vector<16xi32>
        %add3A_149 = arith.addi %and3A_139, %add3A_148 : vector<16xi32>
        %gather3A_150 = tpu.vector_load_idx %arg5[%add3A_149] : memref<40000xf32, #tpu.memory_space<vmem>>[vector<16xi32>], vector<16xf32>,
        %add3A_151 = arith.constant 20000 : i32
        %add3A_152 = vector.broadcast %add3A_151 : i32 to vector<16xi32>
        %add3A_153 = arith.addi %and3A_139, %add3A_152 : vector<16xi32>
        %gather3A_154 = tpu.vector_load_idx %arg5[%add3A_153] : memref<40000xf32, #tpu.memory_space<vmem>>[vector<16xi32>], vector<16xf32>,
        %add3A_155 = arith.constant 30000 : i32
        %add3A_156 = vector.broadcast %add3A_155 : i32 to vector<16xi32>
        %add3A_157 = arith.addi %and3A_139, %add3A_156 : vector<16xi32>
        %gather3A_158 = tpu.vector_load_idx %arg5[%add3A_157] : memref<40000xf32, #tpu.memory_space<vmem>>[vector<16xi32>], vector<16xf32>,
        %mul3A_159 = arith.constant 128 : i32
        %mul3A_160 = arith.muli %scan3A_77, %mul3A_159 : i32
        %add3A_161 = arith.constant 48 : i32
        %add3A_162 = arith.addi %mul3A_160, %add3A_161 : i32
        %get3A_163 = arith.index_cast %add3A_162 : i32 to index
        %get3A_164 = tpu.vector_load %arg7[%get3A_163] {strides = array<i32>} : memref<3200xi32, #tpu.memory_space<vmem>>, vector<16xi32>,
        %and3A_165 = arith.constant 16383 : i32
        %and3A_166 = vector.broadcast %and3A_165 : i32 to vector<16xi32>
        %and3A_167 = arith.andi %get3A_164, %and3A_166 : vector<16xi32>
        %shift_right_logical3A_168 = arith.constant 14 : i32
        %shift_right_logical3A_169 = vector.broadcast %shift_right_logical3A_168 : i32 to vector<16xi32>
        %shift_right_logical3A_170 = arith.shrui %get3A_164, %shift_right_logical3A_169 : vector<16xi32>
        %add3A_171 = arith.constant 0 : i32
        %add3A_172 = vector.broadcast %add3A_171 : i32 to vector<16xi32>
        %add3A_173 = arith.addi %and3A_167, %add3A_172 : vector<16xi32>
        %gather3A_174 = tpu.vector_load_idx %arg5[%add3A_173] : memref<40000xf32, #tpu.memory_space<vmem>>[vector<16xi32>], vector<16xf32>,
        %add3A_175 = arith.constant 10000 : i32
        %add3A_176 = vector.broadcast %add3A_175 : i32 to vector<16xi32>
        %add3A_177 = arith.addi %and3A_167, %add3A_176 : vector<16xi32>
        %gather3A_178 = tpu.vector_load_idx %arg5[%add3A_177] : memref<40000xf32, #tpu.memory_space<vmem>>[vector<16xi32>], vector<16xf32>,
        %add3A_179 = arith.constant 20000 : i32
        %add3A_180 = vector.broadcast %add3A_179 : i32 to vector<16xi32>
        %add3A_181 = arith.addi %and3A_167, %add3A_180 : vector<16xi32>
        %gather3A_182 = tpu.vector_load_idx %arg5[%add3A_181] : memref<40000xf32, #tpu.memory_space<vmem>>[vector<16xi32>], vector<16xf32>,
        %add3A_183 = arith.constant 30000 : i32
        %add3A_184 = vector.broadcast %add3A_183 : i32 to vector<16xi32>
        %add3A_185 = arith.addi %and3A_167, %add3A_184 : vector<16xi32>
        %gather3A_186 = tpu.vector_load_idx %arg5[%add3A_185] : memref<40000xf32, #tpu.memory_space<vmem>>[vector<16xi32>], vector<16xf32>,
        %mul3A_187 = arith.constant 128 : i32
        %mul3A_188 = arith.muli %scan3A_77, %mul3A_187 : i32
        %add3A_189 = arith.constant 64 : i32
        %add3A_190 = arith.addi %mul3A_188, %add3A_189 : i32
        %get3A_191 = arith.index_cast %add3A_190 : i32 to index
        %get3A_192 = tpu.vector_load %arg7[%get3A_191] {strides = array<i32>} : memref<3200xi32, #tpu.memory_space<vmem>>, vector<16xi32>,
        %and3A_193 = arith.constant 16383 : i32
        %and3A_194 = vector.broadcast %and3A_193 : i32 to vector<16xi32>
        %and3A_195 = arith.andi %get3A_192, %and3A_194 : vector<16xi32>
        %shift_right_logical3A_196 = arith.constant 14 : i32
        %shift_right_logical3A_197 = vector.broadcast %shift_right_logical3A_196 : i32 to vector<16xi32>
        %shift_right_logical3A_198 = arith.shrui %get3A_192, %shift_right_logical3A_197 : vector<16xi32>
        %add3A_199 = arith.constant 0 : i32
        %add3A_200 = vector.broadcast %add3A_199 : i32 to vector<16xi32>
        %add3A_201 = arith.addi %and3A_195, %add3A_200 : vector<16xi32>
        %gather3A_202 = tpu.vector_load_idx %arg5[%add3A_201] : memref<40000xf32, #tpu.memory_space<vmem>>[vector<16xi32>], vector<16xf32>,
        %add3A_203 = arith.constant 10000 : i32
        %add3A_204 = vector.broadcast %add3A_203 : i32 to vector<16xi32>
        %add3A_205 = arith.addi %and3A_195, %add3A_204 : vector<16xi32>
        %gather3A_206 = tpu.vector_load_idx %arg5[%add3A_205] : memref<40000xf32, #tpu.memory_space<vmem>>[vector<16xi32>], vector<16xf32>,
        %add3A_207 = arith.constant 20000 : i32
        %add3A_208 = vector.broadcast %add3A_207 : i32 to vector<16xi32>
        %add3A_209 = arith.addi %and3A_195, %add3A_208 : vector<16xi32>
        %gather3A_210 = tpu.vector_load_idx %arg5[%add3A_209] : memref<40000xf32, #tpu.memory_space<vmem>>[vector<16xi32>], vector<16xf32>,
        %add3A_211 = arith.constant 30000 : i32
        %add3A_212 = vector.broadcast %add3A_211 : i32 to vector<16xi32>
        %add3A_213 = arith.addi %and3A_195, %add3A_212 : vector<16xi32>
        %gather3A_214 = tpu.vector_load_idx %arg5[%add3A_213] : memref<40000xf32, #tpu.memory_space<vmem>>[vector<16xi32>], vector<16xf32>,
        %mul3A_215 = arith.constant 128 : i32
        %mul3A_216 = arith.muli %scan3A_77, %mul3A_215 : i32
        %add3A_217 = arith.constant 80 : i32
        %add3A_218 = arith.addi %mul3A_216, %add3A_217 : i32
        %get3A_219 = arith.index_cast %add3A_218 : i32 to index
        %get3A_220 = tpu.vector_load %arg7[%get3A_219] {strides = array<i32>} : memref<3200xi32, #tpu.memory_space<vmem>>, vector<16xi32>,
        %and3A_221 = arith.constant 16383 : i32
        %and3A_222 = vector.broadcast %and3A_221 : i32 to vector<16xi32>
        %and3A_223 = arith.andi %get3A_220, %and3A_222 : vector<16xi32>
        %shift_right_logical3A_224 = arith.constant 14 : i32
        %shift_right_logical3A_225 = vector.broadcast %shift_right_logical3A_224 : i32 to vector<16xi32>
        %shift_right_logical3A_226 = arith.shrui %get3A_220, %shift_right_logical3A_225 : vector<16xi32>
        %add3A_227 = arith.constant 0 : i32
        %add3A_228 = vector.broadcast %add3A_227 : i32 to vector<16xi32>
        %add3A_229 = arith.addi %and3A_223, %add3A_228 : vector<16xi32>
        %gather3A_230 = tpu.vector_load_idx %arg5[%add3A_229] : memref<40000xf32, #tpu.memory_space<vmem>>[vector<16xi32>], vector<16xf32>,
        %add3A_231 = arith.constant 10000 : i32
        %add3A_232 = vector.broadcast %add3A_231 : i32 to vector<16xi32>
        %add3A_233 = arith.addi %and3A_223, %add3A_232 : vector<16xi32>
        %gather3A_234 = tpu.vector_load_idx %arg5[%add3A_233] : memref<40000xf32, #tpu.memory_space<vmem>>[vector<16xi32>], vector<16xf32>,
        %add3A_235 = arith.constant 20000 : i32
        %add3A_236 = vector.broadcast %add3A_235 : i32 to vector<16xi32>
        %add3A_237 = arith.addi %and3A_223, %add3A_236 : vector<16xi32>
        %gather3A_238 = tpu.vector_load_idx %arg5[%add3A_237] : memref<40000xf32, #tpu.memory_space<vmem>>[vector<16xi32>], vector<16xf32>,
        %add3A_239 = arith.constant 30000 : i32
        %add3A_240 = vector.broadcast %add3A_239 : i32 to vector<16xi32>
        %add3A_241 = arith.addi %and3A_223, %add3A_240 : vector<16xi32>
        %gather3A_242 = tpu.vector_load_idx %arg5[%add3A_241] : memref<40000xf32, #tpu.memory_space<vmem>>[vector<16xi32>], vector<16xf32>,
        %mul3A_243 = arith.constant 128 : i32
        %mul3A_244 = arith.muli %scan3A_77, %mul3A_243 : i32
        %add3A_245 = arith.constant 96 : i32
        %add3A_246 = arith.addi %mul3A_244, %add3A_245 : i32
        %get3A_247 = arith.index_cast %add3A_246 : i32 to index
        %get3A_248 = tpu.vector_load %arg7[%get3A_247] {strides = array<i32>} : memref<3200xi32, #tpu.memory_space<vmem>>, vector<16xi32>,
        %and3A_249 = arith.constant 16383 : i32
        %and3A_250 = vector.broadcast %and3A_249 : i32 to vector<16xi32>
        %and3A_251 = arith.andi %get3A_248, %and3A_250 : vector<16xi32>
        %shift_right_logical3A_252 = arith.constant 14 : i32
        %shift_right_logical3A_253 = vector.broadcast %shift_right_logical3A_252 : i32 to vector<16xi32>
        %shift_right_logical3A_254 = arith.shrui %get3A_248, %shift_right_logical3A_253 : vector<16xi32>
        %add3A_255 = arith.constant 0 : i32
        %add3A_256 = vector.broadcast %add3A_255 : i32 to vector<16xi32>
        %add3A_257 = arith.addi %and3A_251, %add3A_256 : vector<16xi32>
        %gather3A_258 = tpu.vector_load_idx %arg5[%add3A_257] : memref<40000xf32, #tpu.memory_space<vmem>>[vector<16xi32>], vector<16xf32>,
        %add3A_259 = arith.constant 10000 : i32
        %add3A_260 = vector.broadcast %add3A_259 : i32 to vector<16xi32>
        %add3A_261 = arith.addi %and3A_251, %add3A_260 : vector<16xi32>
        %gather3A_262 = tpu.vector_load_idx %arg5[%add3A_261] : memref<40000xf32, #tpu.memory_space<vmem>>[vector<16xi32>], vector<16xf32>,
        %add3A_263 = arith.constant 20000 : i32
        %add3A_264 = vector.broadcast %add3A_263 : i32 to vector<16xi32>
        %add3A_265 = arith.addi %and3A_251, %add3A_264 : vector<16xi32>
        %gather3A_266 = tpu.vector_load_idx %arg5[%add3A_265] : memref<40000xf32, #tpu.memory_space<vmem>>[vector<16xi32>], vector<16xf32>,
        %add3A_267 = arith.constant 30000 : i32
        %add3A_268 = vector.broadcast %add3A_267 : i32 to vector<16xi32>
        %add3A_269 = arith.addi %and3A_251, %add3A_268 : vector<16xi32>
        %gather3A_270 = tpu.vector_load_idx %arg5[%add3A_269] : memref<40000xf32, #tpu.memory_space<vmem>>[vector<16xi32>], vector<16xf32>,
        %mul3A_271 = arith.constant 128 : i32
        %mul3A_272 = arith.muli %scan3A_77, %mul3A_271 : i32
        %add3A_273 = arith.constant 112 : i32
        %add3A_274 = arith.addi %mul3A_272, %add3A_273 : i32
        %get3A_275 = arith.index_cast %add3A_274 : i32 to index
        %get3A_276 = tpu.vector_load %arg7[%get3A_275] {strides = array<i32>} : memref<3200xi32, #tpu.memory_space<vmem>>, vector<16xi32>,
        %and3A_277 = arith.constant 16383 : i32
        %and3A_278 = vector.broadcast %and3A_277 : i32 to vector<16xi32>
        %and3A_279 = arith.andi %get3A_276, %and3A_278 : vector<16xi32>
        %shift_right_logical3A_280 = arith.constant 14 : i32
        %shift_right_logical3A_281 = vector.broadcast %shift_right_logical3A_280 : i32 to vector<16xi32>
        %shift_right_logical3A_282 = arith.shrui %get3A_276, %shift_right_logical3A_281 : vector<16xi32>
        %add3A_283 = arith.constant 0 : i32
        %add3A_284 = vector.broadcast %add3A_283 : i32 to vector<16xi32>
        %add3A_285 = arith.addi %and3A_279, %add3A_284 : vector<16xi32>
        %gather3A_286 = tpu.vector_load_idx %arg5[%add3A_285] : memref<40000xf32, #tpu.memory_space<vmem>>[vector<16xi32>], vector<16xf32>,
        %add3A_287 = arith.constant 10000 : i32
        %add3A_288 = vector.broadcast %add3A_287 : i32 to vector<16xi32>
        %add3A_289 = arith.addi %and3A_279, %add3A_288 : vector<16xi32>
        %gather3A_290 = tpu.vector_load_idx %arg5[%add3A_289] : memref<40000xf32, #tpu.memory_space<vmem>>[vector<16xi32>], vector<16xf32>,
        %add3A_291 = arith.constant 20000 : i32
        %add3A_292 = vector.broadcast %add3A_291 : i32 to vector<16xi32>
        %add3A_293 = arith.addi %and3A_279, %add3A_292 : vector<16xi32>
        %gather3A_294 = tpu.vector_load_idx %arg5[%add3A_293] : memref<40000xf32, #tpu.memory_space<vmem>>[vector<16xi32>], vector<16xf32>,
        %add3A_295 = arith.constant 30000 : i32
        %add3A_296 = vector.broadcast %add3A_295 : i32 to vector<16xi32>
        %add3A_297 = arith.addi %and3A_279, %add3A_296 : vector<16xi32>
        %gather3A_298 = tpu.vector_load_idx %arg5[%add3A_297] : memref<40000xf32, #tpu.memory_space<vmem>>[vector<16xi32>], vector<16xf32>,
        %add3A_299 = arith.constant 0 : i32
        %add3A_300 = vector.broadcast %add3A_299 : i32 to vector<16xi32>
        %add3A_301 = arith.addi %shift_right_logical3A_87, %add3A_300 : vector<16xi32>
        tpu.vector_store_idx %arg6[%add3A_301], %gather3A {add = true} : memref<40000xf32, #tpu.memory_space<vmem>>[vector<16xi32>], vector<16xf32>,
        %add3A_302 = arith.constant 10000 : i32
        %add3A_303 = vector.broadcast %add3A_302 : i32 to vector<16xi32>
        %add3A_304 = arith.addi %shift_right_logical3A_87, %add3A_303 : vector<16xi32>
        tpu.vector_store_idx %arg6[%add3A_304], %gather3A_94 {add = true} : memref<40000xf32, #tpu.memory_space<vmem>>[vector<16xi32>], vector<16xf32>,
        %add3A_305 = arith.constant 20000 : i32
        %add3A_306 = vector.broadcast %add3A_305 : i32 to vector<16xi32>
        %add3A_307 = arith.addi %shift_right_logical3A_87, %add3A_306 : vector<16xi32>
        tpu.vector_store_idx %arg6[%add3A_307], %gather3A_98 {add = true} : memref<40000xf32, #tpu.memory_space<vmem>>[vector<16xi32>], vector<16xf32>,
        %add3A_308 = arith.constant 30000 : i32
        %add3A_309 = vector.broadcast %add3A_308 : i32 to vector<16xi32>
        %add3A_310 = arith.addi %shift_right_logical3A_87, %add3A_309 : vector<16xi32>
        tpu.vector_store_idx %arg6[%add3A_310], %gather3A_102 {add = true} : memref<40000xf32, #tpu.memory_space<vmem>>[vector<16xi32>], vector<16xf32>,
        %add3A_311 = arith.constant 0 : i32
        %add3A_312 = vector.broadcast %add3A_311 : i32 to vector<16xi32>
        %add3A_313 = arith.addi %shift_right_logical3A_114, %add3A_312 : vector<16xi32>
        tpu.vector_store_idx %arg6[%add3A_313], %gather3A_118 {add = true} : memref<40000xf32, #tpu.memory_space<vmem>>[vector<16xi32>], vector<16xf32>,
        %add3A_314 = arith.constant 10000 : i32
        %add3A_315 = vector.broadcast %add3A_314 : i32 to vector<16xi32>
        %add3A_316 = arith.addi %shift_right_logical3A_114, %add3A_315 : vector<16xi32>
        tpu.vector_store_idx %arg6[%add3A_316], %gather3A_122 {add = true} : memref<40000xf32, #tpu.memory_space<vmem>>[vector<16xi32>], vector<16xf32>,
        %add3A_317 = arith.constant 20000 : i32
        %add3A_318 = vector.broadcast %add3A_317 : i32 to vector<16xi32>
        %add3A_319 = arith.addi %shift_right_logical3A_114, %add3A_318 : vector<16xi32>
        tpu.vector_store_idx %arg6[%add3A_319], %gather3A_126 {add = true} : memref<40000xf32, #tpu.memory_space<vmem>>[vector<16xi32>], vector<16xf32>,
        %add3A_320 = arith.constant 30000 : i32
        %add3A_321 = vector.broadcast %add3A_320 : i32 to vector<16xi32>
        %add3A_322 = arith.addi %shift_right_logical3A_114, %add3A_321 : vector<16xi32>
        tpu.vector_store_idx %arg6[%add3A_322], %gather3A_130 {add = true} : memref<40000xf32, #tpu.memory_space<vmem>>[vector<16xi32>], vector<16xf32>,
        %add3A_323 = arith.constant 0 : i32
        %add3A_324 = vector.broadcast %add3A_323 : i32 to vector<16xi32>
        %add3A_325 = arith.addi %shift_right_logical3A_142, %add3A_324 : vector<16xi32>
        tpu.vector_store_idx %arg6[%add3A_325], %gather3A_146 {add = true} : memref<40000xf32, #tpu.memory_space<vmem>>[vector<16xi32>], vector<16xf32>,
        %add3A_326 = arith.constant 10000 : i32
        %add3A_327 = vector.broadcast %add3A_326 : i32 to vector<16xi32>
        %add3A_328 = arith.addi %shift_right_logical3A_142, %add3A_327 : vector<16xi32>
        tpu.vector_store_idx %arg6[%add3A_328], %gather3A_150 {add = true} : memref<40000xf32, #tpu.memory_space<vmem>>[vector<16xi32>], vector<16xf32>,
        %add3A_329 = arith.constant 20000 : i32
        %add3A_330 = vector.broadcast %add3A_329 : i32 to vector<16xi32>
        %add3A_331 = arith.addi %shift_right_logical3A_142, %add3A_330 : vector<16xi32>
        tpu.vector_store_idx %arg6[%add3A_331], %gather3A_154 {add = true} : memref<40000xf32, #tpu.memory_space<vmem>>[vector<16xi32>], vector<16xf32>,
        %add3A_332 = arith.constant 30000 : i32
        %add3A_333 = vector.broadcast %add3A_332 : i32 to vector<16xi32>
        %add3A_334 = arith.addi %shift_right_logical3A_142, %add3A_333 : vector<16xi32>
        tpu.vector_store_idx %arg6[%add3A_334], %gather3A_158 {add = true} : memref<40000xf32, #tpu.memory_space<vmem>>[vector<16xi32>], vector<16xf32>,
        %add3A_335 = arith.constant 0 : i32
        %add3A_336 = vector.broadcast %add3A_335 : i32 to vector<16xi32>
        %add3A_337 = arith.addi %shift_right_logical3A_170, %add3A_336 : vector<16xi32>
        tpu.vector_store_idx %arg6[%add3A_337], %gather3A_174 {add = true} : memref<40000xf32, #tpu.memory_space<vmem>>[vector<16xi32>], vector<16xf32>,
        %add3A_338 = arith.constant 10000 : i32
        %add3A_339 = vector.broadcast %add3A_338 : i32 to vector<16xi32>
        %add3A_340 = arith.addi %shift_right_logical3A_170, %add3A_339 : vector<16xi32>
        tpu.vector_store_idx %arg6[%add3A_340], %gather3A_178 {add = true} : memref<40000xf32, #tpu.memory_space<vmem>>[vector<16xi32>], vector<16xf32>,
        %add3A_341 = arith.constant 20000 : i32
        %add3A_342 = vector.broadcast %add3A_341 : i32 to vector<16xi32>
        %add3A_343 = arith.addi %shift_right_logical3A_170, %add3A_342 : vector<16xi32>
        tpu.vector_store_idx %arg6[%add3A_343], %gather3A_182 {add = true} : memref<40000xf32, #tpu.memory_space<vmem>>[vector<16xi32>], vector<16xf32>,
        %add3A_344 = arith.constant 30000 : i32
        %add3A_345 = vector.broadcast %add3A_344 : i32 to vector<16xi32>
        %add3A_346 = arith.addi %shift_right_logical3A_170, %add3A_345 : vector<16xi32>
        tpu.vector_store_idx %arg6[%add3A_346], %gather3A_186 {add = true} : memref<40000xf32, #tpu.memory_space<vmem>>[vector<16xi32>], vector<16xf32>,
        %add3A_347 = arith.constant 0 : i32
        %add3A_348 = vector.broadcast %add3A_347 : i32 to vector<16xi32>
        %add3A_349 = arith.addi %shift_right_logical3A_198, %add3A_348 : vector<16xi32>
        tpu.vector_store_idx %arg6[%add3A_349], %gather3A_202 {add = true} : memref<40000xf32, #tpu.memory_space<vmem>>[vector<16xi32>], vector<16xf32>,
        %add3A_350 = arith.constant 10000 : i32
        %add3A_351 = vector.broadcast %add3A_350 : i32 to vector<16xi32>
        %add3A_352 = arith.addi %shift_right_logical3A_198, %add3A_351 : vector<16xi32>
        tpu.vector_store_idx %arg6[%add3A_352], %gather3A_206 {add = true} : memref<40000xf32, #tpu.memory_space<vmem>>[vector<16xi32>], vector<16xf32>,
        %add3A_353 = arith.constant 20000 : i32
        %add3A_354 = vector.broadcast %add3A_353 : i32 to vector<16xi32>
        %add3A_355 = arith.addi %shift_right_logical3A_198, %add3A_354 : vector<16xi32>
        tpu.vector_store_idx %arg6[%add3A_355], %gather3A_210 {add = true} : memref<40000xf32, #tpu.memory_space<vmem>>[vector<16xi32>], vector<16xf32>,
        %add3A_356 = arith.constant 30000 : i32
        %add3A_357 = vector.broadcast %add3A_356 : i32 to vector<16xi32>
        %add3A_358 = arith.addi %shift_right_logical3A_198, %add3A_357 : vector<16xi32>
        tpu.vector_store_idx %arg6[%add3A_358], %gather3A_214 {add = true} : memref<40000xf32, #tpu.memory_space<vmem>>[vector<16xi32>], vector<16xf32>,
        %add3A_359 = arith.constant 0 : i32
        %add3A_360 = vector.broadcast %add3A_359 : i32 to vector<16xi32>
        %add3A_361 = arith.addi %shift_right_logical3A_226, %add3A_360 : vector<16xi32>
        tpu.vector_store_idx %arg6[%add3A_361], %gather3A_230 {add = true} : memref<40000xf32, #tpu.memory_space<vmem>>[vector<16xi32>], vector<16xf32>,
        %add3A_362 = arith.constant 10000 : i32
        %add3A_363 = vector.broadcast %add3A_362 : i32 to vector<16xi32>
        %add3A_364 = arith.addi %shift_right_logical3A_226, %add3A_363 : vector<16xi32>
        tpu.vector_store_idx %arg6[%add3A_364], %gather3A_234 {add = true} : memref<40000xf32, #tpu.memory_space<vmem>>[vector<16xi32>], vector<16xf32>,
        %add3A_365 = arith.constant 20000 : i32
        %add3A_366 = vector.broadcast %add3A_365 : i32 to vector<16xi32>
        %add3A_367 = arith.addi %shift_right_logical3A_226, %add3A_366 : vector<16xi32>
        tpu.vector_store_idx %arg6[%add3A_367], %gather3A_238 {add = true} : memref<40000xf32, #tpu.memory_space<vmem>>[vector<16xi32>], vector<16xf32>,
        %add3A_368 = arith.constant 30000 : i32
        %add3A_369 = vector.broadcast %add3A_368 : i32 to vector<16xi32>
        %add3A_370 = arith.addi %shift_right_logical3A_226, %add3A_369 : vector<16xi32>
        tpu.vector_store_idx %arg6[%add3A_370], %gather3A_242 {add = true} : memref<40000xf32, #tpu.memory_space<vmem>>[vector<16xi32>], vector<16xf32>,
        %add3A_371 = arith.constant 0 : i32
        %add3A_372 = vector.broadcast %add3A_371 : i32 to vector<16xi32>
        %add3A_373 = arith.addi %shift_right_logical3A_254, %add3A_372 : vector<16xi32>
        tpu.vector_store_idx %arg6[%add3A_373], %gather3A_258 {add = true} : memref<40000xf32, #tpu.memory_space<vmem>>[vector<16xi32>], vector<16xf32>,
        %add3A_374 = arith.constant 10000 : i32
        %add3A_375 = vector.broadcast %add3A_374 : i32 to vector<16xi32>
        %add3A_376 = arith.addi %shift_right_logical3A_254, %add3A_375 : vector<16xi32>
        tpu.vector_store_idx %arg6[%add3A_376], %gather3A_262 {add = true} : memref<40000xf32, #tpu.memory_space<vmem>>[vector<16xi32>], vector<16xf32>,
        %add3A_377 = arith.constant 20000 : i32
        %add3A_378 = vector.broadcast %add3A_377 : i32 to vector<16xi32>
        %add3A_379 = arith.addi %shift_right_logical3A_254, %add3A_378 : vector<16xi32>
        tpu.vector_store_idx %arg6[%add3A_379], %gather3A_266 {add = true} : memref<40000xf32, #tpu.memory_space<vmem>>[vector<16xi32>], vector<16xf32>,
        %add3A_380 = arith.constant 30000 : i32
        %add3A_381 = vector.broadcast %add3A_380 : i32 to vector<16xi32>
        %add3A_382 = arith.addi %shift_right_logical3A_254, %add3A_381 : vector<16xi32>
        tpu.vector_store_idx %arg6[%add3A_382], %gather3A_270 {add = true} : memref<40000xf32, #tpu.memory_space<vmem>>[vector<16xi32>], vector<16xf32>,
        %add3A_383 = arith.constant 0 : i32
        %add3A_384 = vector.broadcast %add3A_383 : i32 to vector<16xi32>
        %add3A_385 = arith.addi %shift_right_logical3A_282, %add3A_384 : vector<16xi32>
        tpu.vector_store_idx %arg6[%add3A_385], %gather3A_286 {add = true} : memref<40000xf32, #tpu.memory_space<vmem>>[vector<16xi32>], vector<16xf32>,
        %add3A_386 = arith.constant 10000 : i32
        %add3A_387 = vector.broadcast %add3A_386 : i32 to vector<16xi32>
        %add3A_388 = arith.addi %shift_right_logical3A_282, %add3A_387 : vector<16xi32>
        tpu.vector_store_idx %arg6[%add3A_388], %gather3A_290 {add = true} : memref<40000xf32, #tpu.memory_space<vmem>>[vector<16xi32>], vector<16xf32>,
        %add3A_389 = arith.constant 20000 : i32
        %add3A_390 = vector.broadcast %add3A_389 : i32 to vector<16xi32>
        %add3A_391 = arith.addi %shift_right_logical3A_282, %add3A_390 : vector<16xi32>
        tpu.vector_store_idx %arg6[%add3A_391], %gather3A_294 {add = true} : memref<40000xf32, #tpu.memory_space<vmem>>[vector<16xi32>], vector<16xf32>,
        %add3A_392 = arith.constant 30000 : i32
        %add3A_393 = vector.broadcast %add3A_392 : i32 to vector<16xi32>
        %add3A_394 = arith.addi %shift_right_logical3A_282, %add3A_393 : vector<16xi32>
        tpu.vector_store_idx %arg6[%add3A_394], %gather3A_298 {add = true} : memref<40000xf32, #tpu.memory_space<vmem>>[vector<16xi32>], vector<16xf32>,
        %scan3A_395 = arith.constant 0 : i32
        scf.yield %scan3A_395 : i32
      }
      %scan3A_51 = arith.constant 25 : i32
      %mul3A_52 = arith.constant 2 : i32
      %mul3A_53 = arith.muli %scan3A_30, %mul3A_52 : i32
      %add3A_54 = arith.constant 1 : i32
      %add3A_55 = arith.addi %mul3A_53, %add3A_54 : i32
      %mul3A_56 = arith.constant 3200 : i32
      %mul3A_57 = arith.muli %add3A_55, %mul3A_56 : i32
      %add3A_58 = arith.constant 0 : i32
      %add3A_59 = arith.addi %add3A_58, %mul3A_57 : i32
      %dma_wait3A_60 = tpu.memref_slice %arg3[%add3A_59] : memref<320000xi32, #tpu.memory_space<hbm>> -> memref<3200xi32, #tpu.memory_space<hbm>>
      %dma_wait3A_61 = tpu.memref_slice %arg3[%add3A_59] : memref<320000xi32, #tpu.memory_space<hbm>> -> memref<3200xi32, #tpu.memory_space<hbm>>
      tpu.wait_dma2 semaphore(%arg10 : memref<!tpu.dma_semaphore, #tpu.memory_space<semaphore_mem>>) src(%dma_wait3A_61 : memref<3200xi32, #tpu.memory_space<hbm>>) dst(%arg8 : memref<3200xi32, #tpu.memory_space<vmem>>)
      %add3A_62 = arith.constant 1 : i32
      %add3A_63 = arith.addi %add3A_55, %add3A_62 : i32
      %lt3A_64 = arith.constant 100 : i32
      %lt3A_65 = arith.cmpi slt, %add3A_63, %lt3A_64 : i32
      %convert_element_type3A_66 = arith.extui %lt3A_65 : i1 to i32
      %cond3A_67 = arith.constant 0 : i32
      %cond3A_68 = arith.cmpi ne, %convert_element_type3A_66, %cond3A_67 : i32
      scf.if %cond3A_68 {
        %add3A_77 = arith.constant 1 : i32
        %add3A_78 = arith.addi %add3A_55, %add3A_77 : i32
        %mul3A_79 = arith.constant 3200 : i32
        %mul3A_80 = arith.muli %add3A_78, %mul3A_79 : i32
        %add3A_81 = arith.constant 0 : i32
        %add3A_82 = arith.addi %add3A_81, %mul3A_80 : i32
        %dma_start3A_83 = tpu.memref_slice %arg3[%add3A_82] : memref<320000xi32, #tpu.memory_space<hbm>> -> memref<3200xi32, #tpu.memory_space<hbm>>
        %dma_start3A_84 = tpu.memref_slice %arg3[%add3A_82] : memref<320000xi32, #tpu.memory_space<hbm>> -> memref<3200xi32, #tpu.memory_space<hbm>>
        tpu.enqueue_dma source(%dma_start3A_84 : memref<3200xi32, #tpu.memory_space<hbm>>) target(%arg7 : memref<3200xi32, #tpu.memory_space<vmem>>) target_semaphore(%arg9 : memref<!tpu.dma_semaphore, #tpu.memory_space<semaphore_mem>>)
      } else {
      }
      %scan3A_69 = arith.constant 0 : i32
      %scan3A_70 = arith.constant 0 : i32
      %scan3A_71 = arith.constant 25 : i32
      %scan3A_72 = arith.addi %scan3A_70, %scan3A_71 : i32
      %scan3A_73 = arith.constant 1 : i32
      %scan3A_74 = scf.for %scan3A_77 = %scan3A_70 to %scan3A_72 step %scan3A_73 iter_args(%scan3A_78 = %scan3A_69) -> (i32)  : i32 {
        %mul3A_79 = arith.constant 128 : i32
        %mul3A_80 = arith.muli %scan3A_77, %mul3A_79 : i32
        %add3A_81 = arith.constant 0 : i32
        %add3A_82 = arith.addi %mul3A_80, %add3A_81 : i32
        %get3A = arith.index_cast %add3A_82 : i32 to index
        %get3A_83 = tpu.vector_load %arg8[%get3A] {strides = array<i32>} : memref<3200xi32, #tpu.memory_space<vmem>>, vector<16xi32>,
        %and3A = arith.constant 16383 : i32
        %and3A_84 = vector.broadcast %and3A : i32 to vector<16xi32>
        %and3A_85 = arith.andi %get3A_83, %and3A_84 : vector<16xi32>
        %shift_right_logical3A = arith.constant 14 : i32
        %shift_right_logical3A_86 = vector.broadcast %shift_right_logical3A : i32 to vector<16xi32>
        %shift_right_logical3A_87 = arith.shrui %get3A_83, %shift_right_logical3A_86 : vector<16xi32>
        %add3A_88 = arith.constant 0 : i32
        %add3A_89 = vector.broadcast %add3A_88 : i32 to vector<16xi32>
        %add3A_90 = arith.addi %and3A_85, %add3A_89 : vector<16xi32>
        %gather3A = tpu.vector_load_idx %arg5[%add3A_90] : memref<40000xf32, #tpu.memory_space<vmem>>[vector<16xi32>], vector<16xf32>,
        %add3A_91 = arith.constant 10000 : i32
        %add3A_92 = vector.broadcast %add3A_91 : i32 to vector<16xi32>
        %add3A_93 = arith.addi %and3A_85, %add3A_92 : vector<16xi32>
        %gather3A_94 = tpu.vector_load_idx %arg5[%add3A_93] : memref<40000xf32, #tpu.memory_space<vmem>>[vector<16xi32>], vector<16xf32>,
        %add3A_95 = arith.constant 20000 : i32
        %add3A_96 = vector.broadcast %add3A_95 : i32 to vector<16xi32>
        %add3A_97 = arith.addi %and3A_85, %add3A_96 : vector<16xi32>
        %gather3A_98 = tpu.vector_load_idx %arg5[%add3A_97] : memref<40000xf32, #tpu.memory_space<vmem>>[vector<16xi32>], vector<16xf32>,
        %add3A_99 = arith.constant 30000 : i32
        %add3A_100 = vector.broadcast %add3A_99 : i32 to vector<16xi32>
        %add3A_101 = arith.addi %and3A_85, %add3A_100 : vector<16xi32>
        %gather3A_102 = tpu.vector_load_idx %arg5[%add3A_101] : memref<40000xf32, #tpu.memory_space<vmem>>[vector<16xi32>], vector<16xf32>,
        %mul3A_103 = arith.constant 128 : i32
        %mul3A_104 = arith.muli %scan3A_77, %mul3A_103 : i32
        %add3A_105 = arith.constant 16 : i32
        %add3A_106 = arith.addi %mul3A_104, %add3A_105 : i32
        %get3A_107 = arith.index_cast %add3A_106 : i32 to index
        %get3A_108 = tpu.vector_load %arg8[%get3A_107] {strides = array<i32>} : memref<3200xi32, #tpu.memory_space<vmem>>, vector<16xi32>,
        %and3A_109 = arith.constant 16383 : i32
        %and3A_110 = vector.broadcast %and3A_109 : i32 to vector<16xi32>
        %and3A_111 = arith.andi %get3A_108, %and3A_110 : vector<16xi32>
        %shift_right_logical3A_112 = arith.constant 14 : i32
        %shift_right_logical3A_113 = vector.broadcast %shift_right_logical3A_112 : i32 to vector<16xi32>
        %shift_right_logical3A_114 = arith.shrui %get3A_108, %shift_right_logical3A_113 : vector<16xi32>
        %add3A_115 = arith.constant 0 : i32
        %add3A_116 = vector.broadcast %add3A_115 : i32 to vector<16xi32>
        %add3A_117 = arith.addi %and3A_111, %add3A_116 : vector<16xi32>
        %gather3A_118 = tpu.vector_load_idx %arg5[%add3A_117] : memref<40000xf32, #tpu.memory_space<vmem>>[vector<16xi32>], vector<16xf32>,
        %add3A_119 = arith.constant 10000 : i32
        %add3A_120 = vector.broadcast %add3A_119 : i32 to vector<16xi32>
        %add3A_121 = arith.addi %and3A_111, %add3A_120 : vector<16xi32>
        %gather3A_122 = tpu.vector_load_idx %arg5[%add3A_121] : memref<40000xf32, #tpu.memory_space<vmem>>[vector<16xi32>], vector<16xf32>,
        %add3A_123 = arith.constant 20000 : i32
        %add3A_124 = vector.broadcast %add3A_123 : i32 to vector<16xi32>
        %add3A_125 = arith.addi %and3A_111, %add3A_124 : vector<16xi32>
        %gather3A_126 = tpu.vector_load_idx %arg5[%add3A_125] : memref<40000xf32, #tpu.memory_space<vmem>>[vector<16xi32>], vector<16xf32>,
        %add3A_127 = arith.constant 30000 : i32
        %add3A_128 = vector.broadcast %add3A_127 : i32 to vector<16xi32>
        %add3A_129 = arith.addi %and3A_111, %add3A_128 : vector<16xi32>
        %gather3A_130 = tpu.vector_load_idx %arg5[%add3A_129] : memref<40000xf32, #tpu.memory_space<vmem>>[vector<16xi32>], vector<16xf32>,
        %mul3A_131 = arith.constant 128 : i32
        %mul3A_132 = arith.muli %scan3A_77, %mul3A_131 : i32
        %add3A_133 = arith.constant 32 : i32
        %add3A_134 = arith.addi %mul3A_132, %add3A_133 : i32
        %get3A_135 = arith.index_cast %add3A_134 : i32 to index
        %get3A_136 = tpu.vector_load %arg8[%get3A_135] {strides = array<i32>} : memref<3200xi32, #tpu.memory_space<vmem>>, vector<16xi32>,
        %and3A_137 = arith.constant 16383 : i32
        %and3A_138 = vector.broadcast %and3A_137 : i32 to vector<16xi32>
        %and3A_139 = arith.andi %get3A_136, %and3A_138 : vector<16xi32>
        %shift_right_logical3A_140 = arith.constant 14 : i32
        %shift_right_logical3A_141 = vector.broadcast %shift_right_logical3A_140 : i32 to vector<16xi32>
        %shift_right_logical3A_142 = arith.shrui %get3A_136, %shift_right_logical3A_141 : vector<16xi32>
        %add3A_143 = arith.constant 0 : i32
        %add3A_144 = vector.broadcast %add3A_143 : i32 to vector<16xi32>
        %add3A_145 = arith.addi %and3A_139, %add3A_144 : vector<16xi32>
        %gather3A_146 = tpu.vector_load_idx %arg5[%add3A_145] : memref<40000xf32, #tpu.memory_space<vmem>>[vector<16xi32>], vector<16xf32>,
        %add3A_147 = arith.constant 10000 : i32
        %add3A_148 = vector.broadcast %add3A_147 : i32 to vector<16xi32>
        %add3A_149 = arith.addi %and3A_139, %add3A_148 : vector<16xi32>
        %gather3A_150 = tpu.vector_load_idx %arg5[%add3A_149] : memref<40000xf32, #tpu.memory_space<vmem>>[vector<16xi32>], vector<16xf32>,
        %add3A_151 = arith.constant 20000 : i32
        %add3A_152 = vector.broadcast %add3A_151 : i32 to vector<16xi32>
        %add3A_153 = arith.addi %and3A_139, %add3A_152 : vector<16xi32>
        %gather3A_154 = tpu.vector_load_idx %arg5[%add3A_153] : memref<40000xf32, #tpu.memory_space<vmem>>[vector<16xi32>], vector<16xf32>,
        %add3A_155 = arith.constant 30000 : i32
        %add3A_156 = vector.broadcast %add3A_155 : i32 to vector<16xi32>
        %add3A_157 = arith.addi %and3A_139, %add3A_156 : vector<16xi32>
        %gather3A_158 = tpu.vector_load_idx %arg5[%add3A_157] : memref<40000xf32, #tpu.memory_space<vmem>>[vector<16xi32>], vector<16xf32>,
        %mul3A_159 = arith.constant 128 : i32
        %mul3A_160 = arith.muli %scan3A_77, %mul3A_159 : i32
        %add3A_161 = arith.constant 48 : i32
        %add3A_162 = arith.addi %mul3A_160, %add3A_161 : i32
        %get3A_163 = arith.index_cast %add3A_162 : i32 to index
        %get3A_164 = tpu.vector_load %arg8[%get3A_163] {strides = array<i32>} : memref<3200xi32, #tpu.memory_space<vmem>>, vector<16xi32>,
        %and3A_165 = arith.constant 16383 : i32
        %and3A_166 = vector.broadcast %and3A_165 : i32 to vector<16xi32>
        %and3A_167 = arith.andi %get3A_164, %and3A_166 : vector<16xi32>
        %shift_right_logical3A_168 = arith.constant 14 : i32
        %shift_right_logical3A_169 = vector.broadcast %shift_right_logical3A_168 : i32 to vector<16xi32>
        %shift_right_logical3A_170 = arith.shrui %get3A_164, %shift_right_logical3A_169 : vector<16xi32>
        %add3A_171 = arith.constant 0 : i32
        %add3A_172 = vector.broadcast %add3A_171 : i32 to vector<16xi32>
        %add3A_173 = arith.addi %and3A_167, %add3A_172 : vector<16xi32>
        %gather3A_174 = tpu.vector_load_idx %arg5[%add3A_173] : memref<40000xf32, #tpu.memory_space<vmem>>[vector<16xi32>], vector<16xf32>,
        %add3A_175 = arith.constant 10000 : i32
        %add3A_176 = vector.broadcast %add3A_175 : i32 to vector<16xi32>
        %add3A_177 = arith.addi %and3A_167, %add3A_176 : vector<16xi32>
        %gather3A_178 = tpu.vector_load_idx %arg5[%add3A_177] : memref<40000xf32, #tpu.memory_space<vmem>>[vector<16xi32>], vector<16xf32>,
        %add3A_179 = arith.constant 20000 : i32
        %add3A_180 = vector.broadcast %add3A_179 : i32 to vector<16xi32>
        %add3A_181 = arith.addi %and3A_167, %add3A_180 : vector<16xi32>
        %gather3A_182 = tpu.vector_load_idx %arg5[%add3A_181] : memref<40000xf32, #tpu.memory_space<vmem>>[vector<16xi32>], vector<16xf32>,
        %add3A_183 = arith.constant 30000 : i32
        %add3A_184 = vector.broadcast %add3A_183 : i32 to vector<16xi32>
        %add3A_185 = arith.addi %and3A_167, %add3A_184 : vector<16xi32>
        %gather3A_186 = tpu.vector_load_idx %arg5[%add3A_185] : memref<40000xf32, #tpu.memory_space<vmem>>[vector<16xi32>], vector<16xf32>,
        %mul3A_187 = arith.constant 128 : i32
        %mul3A_188 = arith.muli %scan3A_77, %mul3A_187 : i32
        %add3A_189 = arith.constant 64 : i32
        %add3A_190 = arith.addi %mul3A_188, %add3A_189 : i32
        %get3A_191 = arith.index_cast %add3A_190 : i32 to index
        %get3A_192 = tpu.vector_load %arg8[%get3A_191] {strides = array<i32>} : memref<3200xi32, #tpu.memory_space<vmem>>, vector<16xi32>,
        %and3A_193 = arith.constant 16383 : i32
        %and3A_194 = vector.broadcast %and3A_193 : i32 to vector<16xi32>
        %and3A_195 = arith.andi %get3A_192, %and3A_194 : vector<16xi32>
        %shift_right_logical3A_196 = arith.constant 14 : i32
        %shift_right_logical3A_197 = vector.broadcast %shift_right_logical3A_196 : i32 to vector<16xi32>
        %shift_right_logical3A_198 = arith.shrui %get3A_192, %shift_right_logical3A_197 : vector<16xi32>
        %add3A_199 = arith.constant 0 : i32
        %add3A_200 = vector.broadcast %add3A_199 : i32 to vector<16xi32>
        %add3A_201 = arith.addi %and3A_195, %add3A_200 : vector<16xi32>
        %gather3A_202 = tpu.vector_load_idx %arg5[%add3A_201] : memref<40000xf32, #tpu.memory_space<vmem>>[vector<16xi32>], vector<16xf32>,
        %add3A_203 = arith.constant 10000 : i32
        %add3A_204 = vector.broadcast %add3A_203 : i32 to vector<16xi32>
        %add3A_205 = arith.addi %and3A_195, %add3A_204 : vector<16xi32>
        %gather3A_206 = tpu.vector_load_idx %arg5[%add3A_205] : memref<40000xf32, #tpu.memory_space<vmem>>[vector<16xi32>], vector<16xf32>,
        %add3A_207 = arith.constant 20000 : i32
        %add3A_208 = vector.broadcast %add3A_207 : i32 to vector<16xi32>
        %add3A_209 = arith.addi %and3A_195, %add3A_208 : vector<16xi32>
        %gather3A_210 = tpu.vector_load_idx %arg5[%add3A_209] : memref<40000xf32, #tpu.memory_space<vmem>>[vector<16xi32>], vector<16xf32>,
        %add3A_211 = arith.constant 30000 : i32
        %add3A_212 = vector.broadcast %add3A_211 : i32 to vector<16xi32>
        %add3A_213 = arith.addi %and3A_195, %add3A_212 : vector<16xi32>
        %gather3A_214 = tpu.vector_load_idx %arg5[%add3A_213] : memref<40000xf32, #tpu.memory_space<vmem>>[vector<16xi32>], vector<16xf32>,
        %mul3A_215 = arith.constant 128 : i32
        %mul3A_216 = arith.muli %scan3A_77, %mul3A_215 : i32
        %add3A_217 = arith.constant 80 : i32
        %add3A_218 = arith.addi %mul3A_216, %add3A_217 : i32
        %get3A_219 = arith.index_cast %add3A_218 : i32 to index
        %get3A_220 = tpu.vector_load %arg8[%get3A_219] {strides = array<i32>} : memref<3200xi32, #tpu.memory_space<vmem>>, vector<16xi32>,
        %and3A_221 = arith.constant 16383 : i32
        %and3A_222 = vector.broadcast %and3A_221 : i32 to vector<16xi32>
        %and3A_223 = arith.andi %get3A_220, %and3A_222 : vector<16xi32>
        %shift_right_logical3A_224 = arith.constant 14 : i32
        %shift_right_logical3A_225 = vector.broadcast %shift_right_logical3A_224 : i32 to vector<16xi32>
        %shift_right_logical3A_226 = arith.shrui %get3A_220, %shift_right_logical3A_225 : vector<16xi32>
        %add3A_227 = arith.constant 0 : i32
        %add3A_228 = vector.broadcast %add3A_227 : i32 to vector<16xi32>
        %add3A_229 = arith.addi %and3A_223, %add3A_228 : vector<16xi32>
        %gather3A_230 = tpu.vector_load_idx %arg5[%add3A_229] : memref<40000xf32, #tpu.memory_space<vmem>>[vector<16xi32>], vector<16xf32>,
        %add3A_231 = arith.constant 10000 : i32
        %add3A_232 = vector.broadcast %add3A_231 : i32 to vector<16xi32>
        %add3A_233 = arith.addi %and3A_223, %add3A_232 : vector<16xi32>
        %gather3A_234 = tpu.vector_load_idx %arg5[%add3A_233] : memref<40000xf32, #tpu.memory_space<vmem>>[vector<16xi32>], vector<16xf32>,
        %add3A_235 = arith.constant 20000 : i32
        %add3A_236 = vector.broadcast %add3A_235 : i32 to vector<16xi32>
        %add3A_237 = arith.addi %and3A_223, %add3A_236 : vector<16xi32>
        %gather3A_238 = tpu.vector_load_idx %arg5[%add3A_237] : memref<40000xf32, #tpu.memory_space<vmem>>[vector<16xi32>], vector<16xf32>,
        %add3A_239 = arith.constant 30000 : i32
        %add3A_240 = vector.broadcast %add3A_239 : i32 to vector<16xi32>
        %add3A_241 = arith.addi %and3A_223, %add3A_240 : vector<16xi32>
        %gather3A_242 = tpu.vector_load_idx %arg5[%add3A_241] : memref<40000xf32, #tpu.memory_space<vmem>>[vector<16xi32>], vector<16xf32>,
        %mul3A_243 = arith.constant 128 : i32
        %mul3A_244 = arith.muli %scan3A_77, %mul3A_243 : i32
        %add3A_245 = arith.constant 96 : i32
        %add3A_246 = arith.addi %mul3A_244, %add3A_245 : i32
        %get3A_247 = arith.index_cast %add3A_246 : i32 to index
        %get3A_248 = tpu.vector_load %arg8[%get3A_247] {strides = array<i32>} : memref<3200xi32, #tpu.memory_space<vmem>>, vector<16xi32>,
        %and3A_249 = arith.constant 16383 : i32
        %and3A_250 = vector.broadcast %and3A_249 : i32 to vector<16xi32>
        %and3A_251 = arith.andi %get3A_248, %and3A_250 : vector<16xi32>
        %shift_right_logical3A_252 = arith.constant 14 : i32
        %shift_right_logical3A_253 = vector.broadcast %shift_right_logical3A_252 : i32 to vector<16xi32>
        %shift_right_logical3A_254 = arith.shrui %get3A_248, %shift_right_logical3A_253 : vector<16xi32>
        %add3A_255 = arith.constant 0 : i32
        %add3A_256 = vector.broadcast %add3A_255 : i32 to vector<16xi32>
        %add3A_257 = arith.addi %and3A_251, %add3A_256 : vector<16xi32>
        %gather3A_258 = tpu.vector_load_idx %arg5[%add3A_257] : memref<40000xf32, #tpu.memory_space<vmem>>[vector<16xi32>], vector<16xf32>,
        %add3A_259 = arith.constant 10000 : i32
        %add3A_260 = vector.broadcast %add3A_259 : i32 to vector<16xi32>
        %add3A_261 = arith.addi %and3A_251, %add3A_260 : vector<16xi32>
        %gather3A_262 = tpu.vector_load_idx %arg5[%add3A_261] : memref<40000xf32, #tpu.memory_space<vmem>>[vector<16xi32>], vector<16xf32>,
        %add3A_263 = arith.constant 20000 : i32
        %add3A_264 = vector.broadcast %add3A_263 : i32 to vector<16xi32>
        %add3A_265 = arith.addi %and3A_251, %add3A_264 : vector<16xi32>
        %gather3A_266 = tpu.vector_load_idx %arg5[%add3A_265] : memref<40000xf32, #tpu.memory_space<vmem>>[vector<16xi32>], vector<16xf32>,
        %add3A_267 = arith.constant 30000 : i32
        %add3A_268 = vector.broadcast %add3A_267 : i32 to vector<16xi32>
        %add3A_269 = arith.addi %and3A_251, %add3A_268 : vector<16xi32>
        %gather3A_270 = tpu.vector_load_idx %arg5[%add3A_269] : memref<40000xf32, #tpu.memory_space<vmem>>[vector<16xi32>], vector<16xf32>,
        %mul3A_271 = arith.constant 128 : i32
        %mul3A_272 = arith.muli %scan3A_77, %mul3A_271 : i32
        %add3A_273 = arith.constant 112 : i32
        %add3A_274 = arith.addi %mul3A_272, %add3A_273 : i32
        %get3A_275 = arith.index_cast %add3A_274 : i32 to index
        %get3A_276 = tpu.vector_load %arg8[%get3A_275] {strides = array<i32>} : memref<3200xi32, #tpu.memory_space<vmem>>, vector<16xi32>,
        %and3A_277 = arith.constant 16383 : i32
        %and3A_278 = vector.broadcast %and3A_277 : i32 to vector<16xi32>
        %and3A_279 = arith.andi %get3A_276, %and3A_278 : vector<16xi32>
        %shift_right_logical3A_280 = arith.constant 14 : i32
        %shift_right_logical3A_281 = vector.broadcast %shift_right_logical3A_280 : i32 to vector<16xi32>
        %shift_right_logical3A_282 = arith.shrui %get3A_276, %shift_right_logical3A_281 : vector<16xi32>
        %add3A_283 = arith.constant 0 : i32
        %add3A_284 = vector.broadcast %add3A_283 : i32 to vector<16xi32>
        %add3A_285 = arith.addi %and3A_279, %add3A_284 : vector<16xi32>
        %gather3A_286 = tpu.vector_load_idx %arg5[%add3A_285] : memref<40000xf32, #tpu.memory_space<vmem>>[vector<16xi32>], vector<16xf32>,
        %add3A_287 = arith.constant 10000 : i32
        %add3A_288 = vector.broadcast %add3A_287 : i32 to vector<16xi32>
        %add3A_289 = arith.addi %and3A_279, %add3A_288 : vector<16xi32>
        %gather3A_290 = tpu.vector_load_idx %arg5[%add3A_289] : memref<40000xf32, #tpu.memory_space<vmem>>[vector<16xi32>], vector<16xf32>,
        %add3A_291 = arith.constant 20000 : i32
        %add3A_292 = vector.broadcast %add3A_291 : i32 to vector<16xi32>
        %add3A_293 = arith.addi %and3A_279, %add3A_292 : vector<16xi32>
        %gather3A_294 = tpu.vector_load_idx %arg5[%add3A_293] : memref<40000xf32, #tpu.memory_space<vmem>>[vector<16xi32>], vector<16xf32>,
        %add3A_295 = arith.constant 30000 : i32
        %add3A_296 = vector.broadcast %add3A_295 : i32 to vector<16xi32>
        %add3A_297 = arith.addi %and3A_279, %add3A_296 : vector<16xi32>
        %gather3A_298 = tpu.vector_load_idx %arg5[%add3A_297] : memref<40000xf32, #tpu.memory_space<vmem>>[vector<16xi32>], vector<16xf32>,
        %add3A_299 = arith.constant 0 : i32
        %add3A_300 = vector.broadcast %add3A_299 : i32 to vector<16xi32>
        %add3A_301 = arith.addi %shift_right_logical3A_87, %add3A_300 : vector<16xi32>
        tpu.vector_store_idx %arg6[%add3A_301], %gather3A {add = true} : memref<40000xf32, #tpu.memory_space<vmem>>[vector<16xi32>], vector<16xf32>,
        %add3A_302 = arith.constant 10000 : i32
        %add3A_303 = vector.broadcast %add3A_302 : i32 to vector<16xi32>
        %add3A_304 = arith.addi %shift_right_logical3A_87, %add3A_303 : vector<16xi32>
        tpu.vector_store_idx %arg6[%add3A_304], %gather3A_94 {add = true} : memref<40000xf32, #tpu.memory_space<vmem>>[vector<16xi32>], vector<16xf32>,
        %add3A_305 = arith.constant 20000 : i32
        %add3A_306 = vector.broadcast %add3A_305 : i32 to vector<16xi32>
        %add3A_307 = arith.addi %shift_right_logical3A_87, %add3A_306 : vector<16xi32>
        tpu.vector_store_idx %arg6[%add3A_307], %gather3A_98 {add = true} : memref<40000xf32, #tpu.memory_space<vmem>>[vector<16xi32>], vector<16xf32>,
        %add3A_308 = arith.constant 30000 : i32
        %add3A_309 = vector.broadcast %add3A_308 : i32 to vector<16xi32>
        %add3A_310 = arith.addi %shift_right_logical3A_87, %add3A_309 : vector<16xi32>
        tpu.vector_store_idx %arg6[%add3A_310], %gather3A_102 {add = true} : memref<40000xf32, #tpu.memory_space<vmem>>[vector<16xi32>], vector<16xf32>,
        %add3A_311 = arith.constant 0 : i32
        %add3A_312 = vector.broadcast %add3A_311 : i32 to vector<16xi32>
        %add3A_313 = arith.addi %shift_right_logical3A_114, %add3A_312 : vector<16xi32>
        tpu.vector_store_idx %arg6[%add3A_313], %gather3A_118 {add = true} : memref<40000xf32, #tpu.memory_space<vmem>>[vector<16xi32>], vector<16xf32>,
        %add3A_314 = arith.constant 10000 : i32
        %add3A_315 = vector.broadcast %add3A_314 : i32 to vector<16xi32>
        %add3A_316 = arith.addi %shift_right_logical3A_114, %add3A_315 : vector<16xi32>
        tpu.vector_store_idx %arg6[%add3A_316], %gather3A_122 {add = true} : memref<40000xf32, #tpu.memory_space<vmem>>[vector<16xi32>], vector<16xf32>,
        %add3A_317 = arith.constant 20000 : i32
        %add3A_318 = vector.broadcast %add3A_317 : i32 to vector<16xi32>
        %add3A_319 = arith.addi %shift_right_logical3A_114, %add3A_318 : vector<16xi32>
        tpu.vector_store_idx %arg6[%add3A_319], %gather3A_126 {add = true} : memref<40000xf32, #tpu.memory_space<vmem>>[vector<16xi32>], vector<16xf32>,
        %add3A_320 = arith.constant 30000 : i32
        %add3A_321 = vector.broadcast %add3A_320 : i32 to vector<16xi32>
        %add3A_322 = arith.addi %shift_right_logical3A_114, %add3A_321 : vector<16xi32>
        tpu.vector_store_idx %arg6[%add3A_322], %gather3A_130 {add = true} : memref<40000xf32, #tpu.memory_space<vmem>>[vector<16xi32>], vector<16xf32>,
        %add3A_323 = arith.constant 0 : i32
        %add3A_324 = vector.broadcast %add3A_323 : i32 to vector<16xi32>
        %add3A_325 = arith.addi %shift_right_logical3A_142, %add3A_324 : vector<16xi32>
        tpu.vector_store_idx %arg6[%add3A_325], %gather3A_146 {add = true} : memref<40000xf32, #tpu.memory_space<vmem>>[vector<16xi32>], vector<16xf32>,
        %add3A_326 = arith.constant 10000 : i32
        %add3A_327 = vector.broadcast %add3A_326 : i32 to vector<16xi32>
        %add3A_328 = arith.addi %shift_right_logical3A_142, %add3A_327 : vector<16xi32>
        tpu.vector_store_idx %arg6[%add3A_328], %gather3A_150 {add = true} : memref<40000xf32, #tpu.memory_space<vmem>>[vector<16xi32>], vector<16xf32>,
        %add3A_329 = arith.constant 20000 : i32
        %add3A_330 = vector.broadcast %add3A_329 : i32 to vector<16xi32>
        %add3A_331 = arith.addi %shift_right_logical3A_142, %add3A_330 : vector<16xi32>
        tpu.vector_store_idx %arg6[%add3A_331], %gather3A_154 {add = true} : memref<40000xf32, #tpu.memory_space<vmem>>[vector<16xi32>], vector<16xf32>,
        %add3A_332 = arith.constant 30000 : i32
        %add3A_333 = vector.broadcast %add3A_332 : i32 to vector<16xi32>
        %add3A_334 = arith.addi %shift_right_logical3A_142, %add3A_333 : vector<16xi32>
        tpu.vector_store_idx %arg6[%add3A_334], %gather3A_158 {add = true} : memref<40000xf32, #tpu.memory_space<vmem>>[vector<16xi32>], vector<16xf32>,
        %add3A_335 = arith.constant 0 : i32
        %add3A_336 = vector.broadcast %add3A_335 : i32 to vector<16xi32>
        %add3A_337 = arith.addi %shift_right_logical3A_170, %add3A_336 : vector<16xi32>
        tpu.vector_store_idx %arg6[%add3A_337], %gather3A_174 {add = true} : memref<40000xf32, #tpu.memory_space<vmem>>[vector<16xi32>], vector<16xf32>,
        %add3A_338 = arith.constant 10000 : i32
        %add3A_339 = vector.broadcast %add3A_338 : i32 to vector<16xi32>
        %add3A_340 = arith.addi %shift_right_logical3A_170, %add3A_339 : vector<16xi32>
        tpu.vector_store_idx %arg6[%add3A_340], %gather3A_178 {add = true} : memref<40000xf32, #tpu.memory_space<vmem>>[vector<16xi32>], vector<16xf32>,
        %add3A_341 = arith.constant 20000 : i32
        %add3A_342 = vector.broadcast %add3A_341 : i32 to vector<16xi32>
        %add3A_343 = arith.addi %shift_right_logical3A_170, %add3A_342 : vector<16xi32>
        tpu.vector_store_idx %arg6[%add3A_343], %gather3A_182 {add = true} : memref<40000xf32, #tpu.memory_space<vmem>>[vector<16xi32>], vector<16xf32>,
        %add3A_344 = arith.constant 30000 : i32
        %add3A_345 = vector.broadcast %add3A_344 : i32 to vector<16xi32>
        %add3A_346 = arith.addi %shift_right_logical3A_170, %add3A_345 : vector<16xi32>
        tpu.vector_store_idx %arg6[%add3A_346], %gather3A_186 {add = true} : memref<40000xf32, #tpu.memory_space<vmem>>[vector<16xi32>], vector<16xf32>,
        %add3A_347 = arith.constant 0 : i32
        %add3A_348 = vector.broadcast %add3A_347 : i32 to vector<16xi32>
        %add3A_349 = arith.addi %shift_right_logical3A_198, %add3A_348 : vector<16xi32>
        tpu.vector_store_idx %arg6[%add3A_349], %gather3A_202 {add = true} : memref<40000xf32, #tpu.memory_space<vmem>>[vector<16xi32>], vector<16xf32>,
        %add3A_350 = arith.constant 10000 : i32
        %add3A_351 = vector.broadcast %add3A_350 : i32 to vector<16xi32>
        %add3A_352 = arith.addi %shift_right_logical3A_198, %add3A_351 : vector<16xi32>
        tpu.vector_store_idx %arg6[%add3A_352], %gather3A_206 {add = true} : memref<40000xf32, #tpu.memory_space<vmem>>[vector<16xi32>], vector<16xf32>,
        %add3A_353 = arith.constant 20000 : i32
        %add3A_354 = vector.broadcast %add3A_353 : i32 to vector<16xi32>
        %add3A_355 = arith.addi %shift_right_logical3A_198, %add3A_354 : vector<16xi32>
        tpu.vector_store_idx %arg6[%add3A_355], %gather3A_210 {add = true} : memref<40000xf32, #tpu.memory_space<vmem>>[vector<16xi32>], vector<16xf32>,
        %add3A_356 = arith.constant 30000 : i32
        %add3A_357 = vector.broadcast %add3A_356 : i32 to vector<16xi32>
        %add3A_358 = arith.addi %shift_right_logical3A_198, %add3A_357 : vector<16xi32>
        tpu.vector_store_idx %arg6[%add3A_358], %gather3A_214 {add = true} : memref<40000xf32, #tpu.memory_space<vmem>>[vector<16xi32>], vector<16xf32>,
        %add3A_359 = arith.constant 0 : i32
        %add3A_360 = vector.broadcast %add3A_359 : i32 to vector<16xi32>
        %add3A_361 = arith.addi %shift_right_logical3A_226, %add3A_360 : vector<16xi32>
        tpu.vector_store_idx %arg6[%add3A_361], %gather3A_230 {add = true} : memref<40000xf32, #tpu.memory_space<vmem>>[vector<16xi32>], vector<16xf32>,
        %add3A_362 = arith.constant 10000 : i32
        %add3A_363 = vector.broadcast %add3A_362 : i32 to vector<16xi32>
        %add3A_364 = arith.addi %shift_right_logical3A_226, %add3A_363 : vector<16xi32>
        tpu.vector_store_idx %arg6[%add3A_364], %gather3A_234 {add = true} : memref<40000xf32, #tpu.memory_space<vmem>>[vector<16xi32>], vector<16xf32>,
        %add3A_365 = arith.constant 20000 : i32
        %add3A_366 = vector.broadcast %add3A_365 : i32 to vector<16xi32>
        %add3A_367 = arith.addi %shift_right_logical3A_226, %add3A_366 : vector<16xi32>
        tpu.vector_store_idx %arg6[%add3A_367], %gather3A_238 {add = true} : memref<40000xf32, #tpu.memory_space<vmem>>[vector<16xi32>], vector<16xf32>,
        %add3A_368 = arith.constant 30000 : i32
        %add3A_369 = vector.broadcast %add3A_368 : i32 to vector<16xi32>
        %add3A_370 = arith.addi %shift_right_logical3A_226, %add3A_369 : vector<16xi32>
        tpu.vector_store_idx %arg6[%add3A_370], %gather3A_242 {add = true} : memref<40000xf32, #tpu.memory_space<vmem>>[vector<16xi32>], vector<16xf32>,
        %add3A_371 = arith.constant 0 : i32
        %add3A_372 = vector.broadcast %add3A_371 : i32 to vector<16xi32>
        %add3A_373 = arith.addi %shift_right_logical3A_254, %add3A_372 : vector<16xi32>
        tpu.vector_store_idx %arg6[%add3A_373], %gather3A_258 {add = true} : memref<40000xf32, #tpu.memory_space<vmem>>[vector<16xi32>], vector<16xf32>,
        %add3A_374 = arith.constant 10000 : i32
        %add3A_375 = vector.broadcast %add3A_374 : i32 to vector<16xi32>
        %add3A_376 = arith.addi %shift_right_logical3A_254, %add3A_375 : vector<16xi32>
        tpu.vector_store_idx %arg6[%add3A_376], %gather3A_262 {add = true} : memref<40000xf32, #tpu.memory_space<vmem>>[vector<16xi32>], vector<16xf32>,
        %add3A_377 = arith.constant 20000 : i32
        %add3A_378 = vector.broadcast %add3A_377 : i32 to vector<16xi32>
        %add3A_379 = arith.addi %shift_right_logical3A_254, %add3A_378 : vector<16xi32>
        tpu.vector_store_idx %arg6[%add3A_379], %gather3A_266 {add = true} : memref<40000xf32, #tpu.memory_space<vmem>>[vector<16xi32>], vector<16xf32>,
        %add3A_380 = arith.constant 30000 : i32
        %add3A_381 = vector.broadcast %add3A_380 : i32 to vector<16xi32>
        %add3A_382 = arith.addi %shift_right_logical3A_254, %add3A_381 : vector<16xi32>
        tpu.vector_store_idx %arg6[%add3A_382], %gather3A_270 {add = true} : memref<40000xf32, #tpu.memory_space<vmem>>[vector<16xi32>], vector<16xf32>,
        %add3A_383 = arith.constant 0 : i32
        %add3A_384 = vector.broadcast %add3A_383 : i32 to vector<16xi32>
        %add3A_385 = arith.addi %shift_right_logical3A_282, %add3A_384 : vector<16xi32>
        tpu.vector_store_idx %arg6[%add3A_385], %gather3A_286 {add = true} : memref<40000xf32, #tpu.memory_space<vmem>>[vector<16xi32>], vector<16xf32>,
        %add3A_386 = arith.constant 10000 : i32
        %add3A_387 = vector.broadcast %add3A_386 : i32 to vector<16xi32>
        %add3A_388 = arith.addi %shift_right_logical3A_282, %add3A_387 : vector<16xi32>
        tpu.vector_store_idx %arg6[%add3A_388], %gather3A_290 {add = true} : memref<40000xf32, #tpu.memory_space<vmem>>[vector<16xi32>], vector<16xf32>,
        %add3A_389 = arith.constant 20000 : i32
        %add3A_390 = vector.broadcast %add3A_389 : i32 to vector<16xi32>
        %add3A_391 = arith.addi %shift_right_logical3A_282, %add3A_390 : vector<16xi32>
        tpu.vector_store_idx %arg6[%add3A_391], %gather3A_294 {add = true} : memref<40000xf32, #tpu.memory_space<vmem>>[vector<16xi32>], vector<16xf32>,
        %add3A_392 = arith.constant 30000 : i32
        %add3A_393 = vector.broadcast %add3A_392 : i32 to vector<16xi32>
        %add3A_394 = arith.addi %shift_right_logical3A_282, %add3A_393 : vector<16xi32>
        tpu.vector_store_idx %arg6[%add3A_394], %gather3A_298 {add = true} : memref<40000xf32, #tpu.memory_space<vmem>>[vector<16xi32>], vector<16xf32>,
        %scan3A_395 = arith.constant 0 : i32
        scf.yield %scan3A_395 : i32
      }
      %scan3A_75 = arith.constant 25 : i32
      %scan3A_76 = arith.constant 0 : i32
      scf.yield %scan3A_76 : i32
    }
    %scan3A_25 = arith.constant 50 : i32
    %mul3A_26 = arith.constant 10000 : i32
    %mul3A_27 = arith.muli %mul3A_9, %mul3A_26 : i32
    %add3A_28 = arith.constant 0 : i32
    %add3A_29 = arith.addi %add3A_28, %mul3A_27 : i32
    "tpu.region"() ({
      %run_scoped3A = tpu.sem_alloc : memref<!tpu.dma_semaphore, #tpu.memory_space<semaphore_mem>>
      %dma_start3A_30 = tpu.memref_slice %arg4[%add3A_29] : memref<1280000xf32, #tpu.memory_space<hbm>> -> memref<40000xf32, #tpu.memory_space<hbm>>
      %dma_start3A_31 = tpu.memref_slice %arg4[%add3A_29] : memref<1280000xf32, #tpu.memory_space<hbm>> -> memref<40000xf32, #tpu.memory_space<hbm>>
      tpu.enqueue_dma source(%arg6 : memref<40000xf32, #tpu.memory_space<vmem>>) target(%dma_start3A_31 : memref<40000xf32, #tpu.memory_space<hbm>>) target_semaphore(%run_scoped3A : memref<!tpu.dma_semaphore, #tpu.memory_space<semaphore_mem>>)
      %dma_wait3A = tpu.memref_slice %arg4[%add3A_29] : memref<1280000xf32, #tpu.memory_space<hbm>> -> memref<40000xf32, #tpu.memory_space<hbm>>
      %dma_wait3A_32 = tpu.memref_slice %arg4[%add3A_29] : memref<1280000xf32, #tpu.memory_space<hbm>> -> memref<40000xf32, #tpu.memory_space<hbm>>
      tpu.wait_dma2 semaphore(%run_scoped3A : memref<!tpu.dma_semaphore, #tpu.memory_space<semaphore_mem>>) src(%arg6 : memref<40000xf32, #tpu.memory_space<vmem>>) dst(%dma_wait3A_32 : memref<40000xf32, #tpu.memory_space<hbm>>)
      tpu.yield
    }) : () -> ()
    return
  }
}

#map = affine_map<(d0, d1) -> (0)>
module attributes {stable_mosaic.version = 14 : i64} {
  func.func @_sc_agg_bits_body(%arg0: i32, %arg1: i32, %arg2: memref<320000xi32, #tpu.memory_space<hbm>>, %arg3: memref<10000xi32, #tpu.memory_space<hbm>>, %arg4: memref<10000xi32, #tpu.memory_space<hbm>>, %arg5: memref<1280000xf32, #tpu.memory_space<hbm>>, %arg6: memref<10000xi32, #tpu.memory_space<vmem>>, %arg7: memref<40000xf32, #tpu.memory_space<vmem>>, %arg8: memref<3200xi32, #tpu.memory_space<vmem>>, %arg9: memref<3200xi32, #tpu.memory_space<vmem>>, %arg10: memref<!tpu.dma_semaphore, #tpu.memory_space<semaphore_mem>>, %arg11: memref<!tpu.dma_semaphore, #tpu.memory_space<semaphore_mem>>) attributes {dimension_semantics = [#tpu.dimension_semantics<core_parallel>, #tpu.dimension_semantics<subcore_parallel>], iteration_bounds = array<i64: 2, 16>, scalar_prefetch = 0 : i64, scratch_operands = 6 : i64, tpu.core_type = #tpu.core_type<sc_vector_subcore>, window_params = [{transform_indices = #map}, {transform_indices = #map}, {transform_indices = #map}, {transform_indices = #map}]} {
    %mul3A = arith.constant 4 : i32
    %mul3A_0 = arith.muli %arg1, %mul3A : i32
    %mul3A_1 = arith.constant 160000 : i32
    %mul3A_2 = arith.muli %arg0, %mul3A_1 : i32
    %mul3A_3 = arith.constant 640000 : i32
    %mul3A_4 = arith.muli %arg0, %mul3A_3 : i32
    %dma_start3A = tpu.memref_slice %arg2[%mul3A_2] : memref<320000xi32, #tpu.memory_space<hbm>> -> memref<3200xi32, #tpu.memory_space<hbm>>
    %dma_start3A_5 = tpu.memref_slice %arg2[%mul3A_2] : memref<320000xi32, #tpu.memory_space<hbm>> -> memref<3200xi32, #tpu.memory_space<hbm>>
    tpu.enqueue_dma source(%dma_start3A_5 : memref<3200xi32, #tpu.memory_space<hbm>>) target(%arg8 : memref<3200xi32, #tpu.memory_space<vmem>>) target_semaphore(%arg10 : memref<!tpu.dma_semaphore, #tpu.memory_space<semaphore_mem>>)
    %lt3A = arith.constant 32 : i32
    %lt3A_6 = arith.cmpi slt, %mul3A_0, %lt3A : i32
    %convert_element_type3A = arith.extui %lt3A_6 : i1 to i32
    %cond3A = arith.constant 0 : i32
    %cond3A_7 = arith.cmpi ne, %convert_element_type3A, %cond3A : i32
    scf.if %cond3A_7 {
      "tpu.region"() ({
        %run_scoped3A = tpu.sem_alloc : memref<!tpu.dma_semaphore, #tpu.memory_space<semaphore_mem>>
        tpu.enqueue_dma source(%arg3 : memref<10000xi32, #tpu.memory_space<hbm>>) target(%arg6 : memref<10000xi32, #tpu.memory_space<vmem>>) target_semaphore(%run_scoped3A : memref<!tpu.dma_semaphore, #tpu.memory_space<semaphore_mem>>)
        tpu.wait_dma2 semaphore(%run_scoped3A : memref<!tpu.dma_semaphore, #tpu.memory_space<semaphore_mem>>) src(%arg3 : memref<10000xi32, #tpu.memory_space<hbm>>) dst(%arg6 : memref<10000xi32, #tpu.memory_space<vmem>>)
        tpu.yield
      }) : () -> ()
    } else {
    }
    %ge3A = arith.constant 32 : i32
    %ge3A_8 = arith.cmpi sge, %mul3A_0, %ge3A : i32
    %convert_element_type3A_9 = arith.extui %ge3A_8 : i1 to i32
    %cond3A_10 = arith.constant 0 : i32
    %cond3A_11 = arith.cmpi ne, %convert_element_type3A_9, %cond3A_10 : i32
    scf.if %cond3A_11 {
      "tpu.region"() ({
        %run_scoped3A = tpu.sem_alloc : memref<!tpu.dma_semaphore, #tpu.memory_space<semaphore_mem>>
        tpu.enqueue_dma source(%arg4 : memref<10000xi32, #tpu.memory_space<hbm>>) target(%arg6 : memref<10000xi32, #tpu.memory_space<vmem>>) target_semaphore(%run_scoped3A : memref<!tpu.dma_semaphore, #tpu.memory_space<semaphore_mem>>)
        tpu.wait_dma2 semaphore(%run_scoped3A : memref<!tpu.dma_semaphore, #tpu.memory_space<semaphore_mem>>) src(%arg4 : memref<10000xi32, #tpu.memory_space<hbm>>) dst(%arg6 : memref<10000xi32, #tpu.memory_space<vmem>>)
        tpu.yield
      }) : () -> ()
    } else {
    }
    %rem3A = arith.constant 32 : i32
    %rem3A_12 = arith.remsi %mul3A_0, %rem3A : i32
    %scan3A = arith.constant 0 : i32
    %scan3A_13 = arith.constant 0 : i32
    %scan3A_14 = arith.constant 2500 : i32
    %scan3A_15 = arith.addi %scan3A_13, %scan3A_14 : i32
    %scan3A_16 = arith.constant 1 : i32
    %scan3A_17 = scf.for %scan3A_29 = %scan3A_13 to %scan3A_15 step %scan3A_16 iter_args(%scan3A_30 = %scan3A) -> (i32)  : i32 {
      %broadcast_in_dim3A_31 = arith.constant 0.000000e+00 : f32
      %broadcast_in_dim3A_32 = vector.broadcast %broadcast_in_dim3A_31 : f32 to vector<16xf32>
      %mul3A_33 = arith.constant 16 : i32
      %mul3A_34 = arith.muli %scan3A_29, %mul3A_33 : i32
      %swap3A = arith.index_cast %mul3A_34 : i32 to index
      %swap3A_35 = tpu.vector_load %arg7[%swap3A] {strides = array<i32>} : memref<40000xf32, #tpu.memory_space<vmem>>, vector<16xf32>,
      tpu.vector_store %arg7[%swap3A], %broadcast_in_dim3A_32 {strides = array<i32>} : memref<40000xf32, #tpu.memory_space<vmem>>, vector<16xf32>,
      %scan3A_36 = arith.constant 0 : i32
      scf.yield %scan3A_36 : i32
    }
    %scan3A_18 = arith.constant 2500 : i32
    %broadcast_in_dim3A = arith.constant 1.000000e+00 : f32
    %broadcast_in_dim3A_19 = vector.broadcast %broadcast_in_dim3A : f32 to vector<16xf32>
    %scan3A_20 = arith.constant 0 : i32
    %scan3A_21 = arith.constant 0 : i32
    %scan3A_22 = arith.constant 25 : i32
    %scan3A_23 = arith.addi %scan3A_21, %scan3A_22 : i32
    %scan3A_24 = arith.constant 1 : i32
    %scan3A_25 = scf.for %scan3A_29 = %scan3A_21 to %scan3A_23 step %scan3A_24 iter_args(%scan3A_30 = %scan3A_20) -> (i32)  : i32 {
      %mul3A_31 = arith.constant 2 : i32
      %mul3A_32 = arith.muli %scan3A_29, %mul3A_31 : i32
      %add3A_33 = arith.constant 0 : i32
      %add3A_34 = arith.addi %mul3A_32, %add3A_33 : i32
      %mul3A_35 = arith.constant 3200 : i32
      %mul3A_36 = arith.muli %add3A_34, %mul3A_35 : i32
      %add3A_37 = arith.addi %mul3A_2, %mul3A_36 : i32
      %dma_wait3A = tpu.memref_slice %arg2[%add3A_37] : memref<320000xi32, #tpu.memory_space<hbm>> -> memref<3200xi32, #tpu.memory_space<hbm>>
      %dma_wait3A_38 = tpu.memref_slice %arg2[%add3A_37] : memref<320000xi32, #tpu.memory_space<hbm>> -> memref<3200xi32, #tpu.memory_space<hbm>>
      tpu.wait_dma2 semaphore(%arg10 : memref<!tpu.dma_semaphore, #tpu.memory_space<semaphore_mem>>) src(%dma_wait3A_38 : memref<3200xi32, #tpu.memory_space<hbm>>) dst(%arg8 : memref<3200xi32, #tpu.memory_space<vmem>>)
      %add3A_39 = arith.constant 1 : i32
      %add3A_40 = arith.addi %add3A_34, %add3A_39 : i32
      %lt3A_41 = arith.constant 50 : i32
      %lt3A_42 = arith.cmpi slt, %add3A_40, %lt3A_41 : i32
      %convert_element_type3A_43 = arith.extui %lt3A_42 : i1 to i32
      %cond3A_44 = arith.constant 0 : i32
      %cond3A_45 = arith.cmpi ne, %convert_element_type3A_43, %cond3A_44 : i32
      scf.if %cond3A_45 {
        %add3A_77 = arith.constant 1 : i32
        %add3A_78 = arith.addi %add3A_34, %add3A_77 : i32
        %mul3A_79 = arith.constant 3200 : i32
        %mul3A_80 = arith.muli %add3A_78, %mul3A_79 : i32
        %add3A_81 = arith.addi %mul3A_2, %mul3A_80 : i32
        %dma_start3A_82 = tpu.memref_slice %arg2[%add3A_81] : memref<320000xi32, #tpu.memory_space<hbm>> -> memref<3200xi32, #tpu.memory_space<hbm>>
        %dma_start3A_83 = tpu.memref_slice %arg2[%add3A_81] : memref<320000xi32, #tpu.memory_space<hbm>> -> memref<3200xi32, #tpu.memory_space<hbm>>
        tpu.enqueue_dma source(%dma_start3A_83 : memref<3200xi32, #tpu.memory_space<hbm>>) target(%arg9 : memref<3200xi32, #tpu.memory_space<vmem>>) target_semaphore(%arg11 : memref<!tpu.dma_semaphore, #tpu.memory_space<semaphore_mem>>)
      } else {
      }
      %scan3A_46 = arith.constant 0 : i32
      %scan3A_47 = arith.constant 0 : i32
      %scan3A_48 = arith.constant 50 : i32
      %scan3A_49 = arith.addi %scan3A_47, %scan3A_48 : i32
      %scan3A_50 = arith.constant 1 : i32
      %scan3A_51 = scf.for %scan3A_77 = %scan3A_47 to %scan3A_49 step %scan3A_50 iter_args(%scan3A_78 = %scan3A_46) -> (i32)  : i32 {
        %mul3A_79 = arith.constant 64 : i32
        %mul3A_80 = arith.muli %scan3A_77, %mul3A_79 : i32
        %add3A_81 = arith.constant 0 : i32
        %add3A_82 = arith.addi %mul3A_80, %add3A_81 : i32
        %get3A = arith.index_cast %add3A_82 : i32 to index
        %get3A_83 = tpu.vector_load %arg8[%get3A] {strides = array<i32>} : memref<3200xi32, #tpu.memory_space<vmem>>, vector<16xi32>,
        %and3A = arith.constant 16383 : i32
        %and3A_84 = vector.broadcast %and3A : i32 to vector<16xi32>
        %and3A_85 = arith.andi %get3A_83, %and3A_84 : vector<16xi32>
        %shift_right_logical3A = arith.constant 14 : i32
        %shift_right_logical3A_86 = vector.broadcast %shift_right_logical3A : i32 to vector<16xi32>
        %shift_right_logical3A_87 = arith.shrui %get3A_83, %shift_right_logical3A_86 : vector<16xi32>
        %gather3A = tpu.vector_load_idx %arg6[%and3A_85] : memref<10000xi32, #tpu.memory_space<vmem>>[vector<16xi32>], vector<16xi32>,
        %broadcast_in_dim3A_88 = vector.broadcast %rem3A_12 : i32 to vector<16xi32>
        %shift_right_logical3A_89 = arith.shrui %gather3A, %broadcast_in_dim3A_88 : vector<16xi32>
        %shift_right_logical3A_90 = arith.constant 0 : i32
        %shift_right_logical3A_91 = vector.broadcast %shift_right_logical3A_90 : i32 to vector<16xi32>
        %shift_right_logical3A_92 = arith.shrui %shift_right_logical3A_89, %shift_right_logical3A_91 : vector<16xi32>
        %and3A_93 = arith.constant 1 : i32
        %and3A_94 = vector.broadcast %and3A_93 : i32 to vector<16xi32>
        %and3A_95 = arith.andi %shift_right_logical3A_92, %and3A_94 : vector<16xi32>
        %eq3A = arith.constant 1 : i32
        %eq3A_96 = vector.broadcast %eq3A : i32 to vector<16xi32>
        %eq3A_97 = arith.cmpi eq, %and3A_95, %eq3A_96 : vector<16xi32>
        %shift_right_logical3A_98 = arith.constant 1 : i32
        %shift_right_logical3A_99 = vector.broadcast %shift_right_logical3A_98 : i32 to vector<16xi32>
        %shift_right_logical3A_100 = arith.shrui %shift_right_logical3A_89, %shift_right_logical3A_99 : vector<16xi32>
        %and3A_101 = arith.constant 1 : i32
        %and3A_102 = vector.broadcast %and3A_101 : i32 to vector<16xi32>
        %and3A_103 = arith.andi %shift_right_logical3A_100, %and3A_102 : vector<16xi32>
        %eq3A_104 = arith.constant 1 : i32
        %eq3A_105 = vector.broadcast %eq3A_104 : i32 to vector<16xi32>
        %eq3A_106 = arith.cmpi eq, %and3A_103, %eq3A_105 : vector<16xi32>
        %shift_right_logical3A_107 = arith.constant 2 : i32
        %shift_right_logical3A_108 = vector.broadcast %shift_right_logical3A_107 : i32 to vector<16xi32>
        %shift_right_logical3A_109 = arith.shrui %shift_right_logical3A_89, %shift_right_logical3A_108 : vector<16xi32>
        %and3A_110 = arith.constant 1 : i32
        %and3A_111 = vector.broadcast %and3A_110 : i32 to vector<16xi32>
        %and3A_112 = arith.andi %shift_right_logical3A_109, %and3A_111 : vector<16xi32>
        %eq3A_113 = arith.constant 1 : i32
        %eq3A_114 = vector.broadcast %eq3A_113 : i32 to vector<16xi32>
        %eq3A_115 = arith.cmpi eq, %and3A_112, %eq3A_114 : vector<16xi32>
        %shift_right_logical3A_116 = arith.constant 3 : i32
        %shift_right_logical3A_117 = vector.broadcast %shift_right_logical3A_116 : i32 to vector<16xi32>
        %shift_right_logical3A_118 = arith.shrui %shift_right_logical3A_89, %shift_right_logical3A_117 : vector<16xi32>
        %and3A_119 = arith.constant 1 : i32
        %and3A_120 = vector.broadcast %and3A_119 : i32 to vector<16xi32>
        %and3A_121 = arith.andi %shift_right_logical3A_118, %and3A_120 : vector<16xi32>
        %eq3A_122 = arith.constant 1 : i32
        %eq3A_123 = vector.broadcast %eq3A_122 : i32 to vector<16xi32>
        %eq3A_124 = arith.cmpi eq, %and3A_121, %eq3A_123 : vector<16xi32>
        %mul3A_125 = arith.constant 64 : i32
        %mul3A_126 = arith.muli %scan3A_77, %mul3A_125 : i32
        %add3A_127 = arith.constant 16 : i32
        %add3A_128 = arith.addi %mul3A_126, %add3A_127 : i32
        %get3A_129 = arith.index_cast %add3A_128 : i32 to index
        %get3A_130 = tpu.vector_load %arg8[%get3A_129] {strides = array<i32>} : memref<3200xi32, #tpu.memory_space<vmem>>, vector<16xi32>,
        %and3A_131 = arith.constant 16383 : i32
        %and3A_132 = vector.broadcast %and3A_131 : i32 to vector<16xi32>
        %and3A_133 = arith.andi %get3A_130, %and3A_132 : vector<16xi32>
        %shift_right_logical3A_134 = arith.constant 14 : i32
        %shift_right_logical3A_135 = vector.broadcast %shift_right_logical3A_134 : i32 to vector<16xi32>
        %shift_right_logical3A_136 = arith.shrui %get3A_130, %shift_right_logical3A_135 : vector<16xi32>
        %gather3A_137 = tpu.vector_load_idx %arg6[%and3A_133] : memref<10000xi32, #tpu.memory_space<vmem>>[vector<16xi32>], vector<16xi32>,
        %broadcast_in_dim3A_138 = vector.broadcast %rem3A_12 : i32 to vector<16xi32>
        %shift_right_logical3A_139 = arith.shrui %gather3A_137, %broadcast_in_dim3A_138 : vector<16xi32>
        %shift_right_logical3A_140 = arith.constant 0 : i32
        %shift_right_logical3A_141 = vector.broadcast %shift_right_logical3A_140 : i32 to vector<16xi32>
        %shift_right_logical3A_142 = arith.shrui %shift_right_logical3A_139, %shift_right_logical3A_141 : vector<16xi32>
        %and3A_143 = arith.constant 1 : i32
        %and3A_144 = vector.broadcast %and3A_143 : i32 to vector<16xi32>
        %and3A_145 = arith.andi %shift_right_logical3A_142, %and3A_144 : vector<16xi32>
        %eq3A_146 = arith.constant 1 : i32
        %eq3A_147 = vector.broadcast %eq3A_146 : i32 to vector<16xi32>
        %eq3A_148 = arith.cmpi eq, %and3A_145, %eq3A_147 : vector<16xi32>
        %shift_right_logical3A_149 = arith.constant 1 : i32
        %shift_right_logical3A_150 = vector.broadcast %shift_right_logical3A_149 : i32 to vector<16xi32>
        %shift_right_logical3A_151 = arith.shrui %shift_right_logical3A_139, %shift_right_logical3A_150 : vector<16xi32>
        %and3A_152 = arith.constant 1 : i32
        %and3A_153 = vector.broadcast %and3A_152 : i32 to vector<16xi32>
        %and3A_154 = arith.andi %shift_right_logical3A_151, %and3A_153 : vector<16xi32>
        %eq3A_155 = arith.constant 1 : i32
        %eq3A_156 = vector.broadcast %eq3A_155 : i32 to vector<16xi32>
        %eq3A_157 = arith.cmpi eq, %and3A_154, %eq3A_156 : vector<16xi32>
        %shift_right_logical3A_158 = arith.constant 2 : i32
        %shift_right_logical3A_159 = vector.broadcast %shift_right_logical3A_158 : i32 to vector<16xi32>
        %shift_right_logical3A_160 = arith.shrui %shift_right_logical3A_139, %shift_right_logical3A_159 : vector<16xi32>
        %and3A_161 = arith.constant 1 : i32
        %and3A_162 = vector.broadcast %and3A_161 : i32 to vector<16xi32>
        %and3A_163 = arith.andi %shift_right_logical3A_160, %and3A_162 : vector<16xi32>
        %eq3A_164 = arith.constant 1 : i32
        %eq3A_165 = vector.broadcast %eq3A_164 : i32 to vector<16xi32>
        %eq3A_166 = arith.cmpi eq, %and3A_163, %eq3A_165 : vector<16xi32>
        %shift_right_logical3A_167 = arith.constant 3 : i32
        %shift_right_logical3A_168 = vector.broadcast %shift_right_logical3A_167 : i32 to vector<16xi32>
        %shift_right_logical3A_169 = arith.shrui %shift_right_logical3A_139, %shift_right_logical3A_168 : vector<16xi32>
        %and3A_170 = arith.constant 1 : i32
        %and3A_171 = vector.broadcast %and3A_170 : i32 to vector<16xi32>
        %and3A_172 = arith.andi %shift_right_logical3A_169, %and3A_171 : vector<16xi32>
        %eq3A_173 = arith.constant 1 : i32
        %eq3A_174 = vector.broadcast %eq3A_173 : i32 to vector<16xi32>
        %eq3A_175 = arith.cmpi eq, %and3A_172, %eq3A_174 : vector<16xi32>
        %mul3A_176 = arith.constant 64 : i32
        %mul3A_177 = arith.muli %scan3A_77, %mul3A_176 : i32
        %add3A_178 = arith.constant 32 : i32
        %add3A_179 = arith.addi %mul3A_177, %add3A_178 : i32
        %get3A_180 = arith.index_cast %add3A_179 : i32 to index
        %get3A_181 = tpu.vector_load %arg8[%get3A_180] {strides = array<i32>} : memref<3200xi32, #tpu.memory_space<vmem>>, vector<16xi32>,
        %and3A_182 = arith.constant 16383 : i32
        %and3A_183 = vector.broadcast %and3A_182 : i32 to vector<16xi32>
        %and3A_184 = arith.andi %get3A_181, %and3A_183 : vector<16xi32>
        %shift_right_logical3A_185 = arith.constant 14 : i32
        %shift_right_logical3A_186 = vector.broadcast %shift_right_logical3A_185 : i32 to vector<16xi32>
        %shift_right_logical3A_187 = arith.shrui %get3A_181, %shift_right_logical3A_186 : vector<16xi32>
        %gather3A_188 = tpu.vector_load_idx %arg6[%and3A_184] : memref<10000xi32, #tpu.memory_space<vmem>>[vector<16xi32>], vector<16xi32>,
        %broadcast_in_dim3A_189 = vector.broadcast %rem3A_12 : i32 to vector<16xi32>
        %shift_right_logical3A_190 = arith.shrui %gather3A_188, %broadcast_in_dim3A_189 : vector<16xi32>
        %shift_right_logical3A_191 = arith.constant 0 : i32
        %shift_right_logical3A_192 = vector.broadcast %shift_right_logical3A_191 : i32 to vector<16xi32>
        %shift_right_logical3A_193 = arith.shrui %shift_right_logical3A_190, %shift_right_logical3A_192 : vector<16xi32>
        %and3A_194 = arith.constant 1 : i32
        %and3A_195 = vector.broadcast %and3A_194 : i32 to vector<16xi32>
        %and3A_196 = arith.andi %shift_right_logical3A_193, %and3A_195 : vector<16xi32>
        %eq3A_197 = arith.constant 1 : i32
        %eq3A_198 = vector.broadcast %eq3A_197 : i32 to vector<16xi32>
        %eq3A_199 = arith.cmpi eq, %and3A_196, %eq3A_198 : vector<16xi32>
        %shift_right_logical3A_200 = arith.constant 1 : i32
        %shift_right_logical3A_201 = vector.broadcast %shift_right_logical3A_200 : i32 to vector<16xi32>
        %shift_right_logical3A_202 = arith.shrui %shift_right_logical3A_190, %shift_right_logical3A_201 : vector<16xi32>
        %and3A_203 = arith.constant 1 : i32
        %and3A_204 = vector.broadcast %and3A_203 : i32 to vector<16xi32>
        %and3A_205 = arith.andi %shift_right_logical3A_202, %and3A_204 : vector<16xi32>
        %eq3A_206 = arith.constant 1 : i32
        %eq3A_207 = vector.broadcast %eq3A_206 : i32 to vector<16xi32>
        %eq3A_208 = arith.cmpi eq, %and3A_205, %eq3A_207 : vector<16xi32>
        %shift_right_logical3A_209 = arith.constant 2 : i32
        %shift_right_logical3A_210 = vector.broadcast %shift_right_logical3A_209 : i32 to vector<16xi32>
        %shift_right_logical3A_211 = arith.shrui %shift_right_logical3A_190, %shift_right_logical3A_210 : vector<16xi32>
        %and3A_212 = arith.constant 1 : i32
        %and3A_213 = vector.broadcast %and3A_212 : i32 to vector<16xi32>
        %and3A_214 = arith.andi %shift_right_logical3A_211, %and3A_213 : vector<16xi32>
        %eq3A_215 = arith.constant 1 : i32
        %eq3A_216 = vector.broadcast %eq3A_215 : i32 to vector<16xi32>
        %eq3A_217 = arith.cmpi eq, %and3A_214, %eq3A_216 : vector<16xi32>
        %shift_right_logical3A_218 = arith.constant 3 : i32
        %shift_right_logical3A_219 = vector.broadcast %shift_right_logical3A_218 : i32 to vector<16xi32>
        %shift_right_logical3A_220 = arith.shrui %shift_right_logical3A_190, %shift_right_logical3A_219 : vector<16xi32>
        %and3A_221 = arith.constant 1 : i32
        %and3A_222 = vector.broadcast %and3A_221 : i32 to vector<16xi32>
        %and3A_223 = arith.andi %shift_right_logical3A_220, %and3A_222 : vector<16xi32>
        %eq3A_224 = arith.constant 1 : i32
        %eq3A_225 = vector.broadcast %eq3A_224 : i32 to vector<16xi32>
        %eq3A_226 = arith.cmpi eq, %and3A_223, %eq3A_225 : vector<16xi32>
        %mul3A_227 = arith.constant 64 : i32
        %mul3A_228 = arith.muli %scan3A_77, %mul3A_227 : i32
        %add3A_229 = arith.constant 48 : i32
        %add3A_230 = arith.addi %mul3A_228, %add3A_229 : i32
        %get3A_231 = arith.index_cast %add3A_230 : i32 to index
        %get3A_232 = tpu.vector_load %arg8[%get3A_231] {strides = array<i32>} : memref<3200xi32, #tpu.memory_space<vmem>>, vector<16xi32>,
        %and3A_233 = arith.constant 16383 : i32
        %and3A_234 = vector.broadcast %and3A_233 : i32 to vector<16xi32>
        %and3A_235 = arith.andi %get3A_232, %and3A_234 : vector<16xi32>
        %shift_right_logical3A_236 = arith.constant 14 : i32
        %shift_right_logical3A_237 = vector.broadcast %shift_right_logical3A_236 : i32 to vector<16xi32>
        %shift_right_logical3A_238 = arith.shrui %get3A_232, %shift_right_logical3A_237 : vector<16xi32>
        %gather3A_239 = tpu.vector_load_idx %arg6[%and3A_235] : memref<10000xi32, #tpu.memory_space<vmem>>[vector<16xi32>], vector<16xi32>,
        %broadcast_in_dim3A_240 = vector.broadcast %rem3A_12 : i32 to vector<16xi32>
        %shift_right_logical3A_241 = arith.shrui %gather3A_239, %broadcast_in_dim3A_240 : vector<16xi32>
        %shift_right_logical3A_242 = arith.constant 0 : i32
        %shift_right_logical3A_243 = vector.broadcast %shift_right_logical3A_242 : i32 to vector<16xi32>
        %shift_right_logical3A_244 = arith.shrui %shift_right_logical3A_241, %shift_right_logical3A_243 : vector<16xi32>
        %and3A_245 = arith.constant 1 : i32
        %and3A_246 = vector.broadcast %and3A_245 : i32 to vector<16xi32>
        %and3A_247 = arith.andi %shift_right_logical3A_244, %and3A_246 : vector<16xi32>
        %eq3A_248 = arith.constant 1 : i32
        %eq3A_249 = vector.broadcast %eq3A_248 : i32 to vector<16xi32>
        %eq3A_250 = arith.cmpi eq, %and3A_247, %eq3A_249 : vector<16xi32>
        %shift_right_logical3A_251 = arith.constant 1 : i32
        %shift_right_logical3A_252 = vector.broadcast %shift_right_logical3A_251 : i32 to vector<16xi32>
        %shift_right_logical3A_253 = arith.shrui %shift_right_logical3A_241, %shift_right_logical3A_252 : vector<16xi32>
        %and3A_254 = arith.constant 1 : i32
        %and3A_255 = vector.broadcast %and3A_254 : i32 to vector<16xi32>
        %and3A_256 = arith.andi %shift_right_logical3A_253, %and3A_255 : vector<16xi32>
        %eq3A_257 = arith.constant 1 : i32
        %eq3A_258 = vector.broadcast %eq3A_257 : i32 to vector<16xi32>
        %eq3A_259 = arith.cmpi eq, %and3A_256, %eq3A_258 : vector<16xi32>
        %shift_right_logical3A_260 = arith.constant 2 : i32
        %shift_right_logical3A_261 = vector.broadcast %shift_right_logical3A_260 : i32 to vector<16xi32>
        %shift_right_logical3A_262 = arith.shrui %shift_right_logical3A_241, %shift_right_logical3A_261 : vector<16xi32>
        %and3A_263 = arith.constant 1 : i32
        %and3A_264 = vector.broadcast %and3A_263 : i32 to vector<16xi32>
        %and3A_265 = arith.andi %shift_right_logical3A_262, %and3A_264 : vector<16xi32>
        %eq3A_266 = arith.constant 1 : i32
        %eq3A_267 = vector.broadcast %eq3A_266 : i32 to vector<16xi32>
        %eq3A_268 = arith.cmpi eq, %and3A_265, %eq3A_267 : vector<16xi32>
        %shift_right_logical3A_269 = arith.constant 3 : i32
        %shift_right_logical3A_270 = vector.broadcast %shift_right_logical3A_269 : i32 to vector<16xi32>
        %shift_right_logical3A_271 = arith.shrui %shift_right_logical3A_241, %shift_right_logical3A_270 : vector<16xi32>
        %and3A_272 = arith.constant 1 : i32
        %and3A_273 = vector.broadcast %and3A_272 : i32 to vector<16xi32>
        %and3A_274 = arith.andi %shift_right_logical3A_271, %and3A_273 : vector<16xi32>
        %eq3A_275 = arith.constant 1 : i32
        %eq3A_276 = vector.broadcast %eq3A_275 : i32 to vector<16xi32>
        %eq3A_277 = arith.cmpi eq, %and3A_274, %eq3A_276 : vector<16xi32>
        %add3A_278 = arith.constant 0 : i32
        %add3A_279 = vector.broadcast %add3A_278 : i32 to vector<16xi32>
        %add3A_280 = arith.addi %shift_right_logical3A_87, %add3A_279 : vector<16xi32>
        tpu.vector_store_idx %arg7[%add3A_280], %broadcast_in_dim3A_19 masked %eq3A_97 {add = true} : memref<40000xf32, #tpu.memory_space<vmem>>[vector<16xi32>], vector<16xf32>, vector<16xi1>
        %add3A_281 = arith.constant 10000 : i32
        %add3A_282 = vector.broadcast %add3A_281 : i32 to vector<16xi32>
        %add3A_283 = arith.addi %shift_right_logical3A_87, %add3A_282 : vector<16xi32>
        tpu.vector_store_idx %arg7[%add3A_283], %broadcast_in_dim3A_19 masked %eq3A_106 {add = true} : memref<40000xf32, #tpu.memory_space<vmem>>[vector<16xi32>], vector<16xf32>, vector<16xi1>
        %add3A_284 = arith.constant 20000 : i32
        %add3A_285 = vector.broadcast %add3A_284 : i32 to vector<16xi32>
        %add3A_286 = arith.addi %shift_right_logical3A_87, %add3A_285 : vector<16xi32>
        tpu.vector_store_idx %arg7[%add3A_286], %broadcast_in_dim3A_19 masked %eq3A_115 {add = true} : memref<40000xf32, #tpu.memory_space<vmem>>[vector<16xi32>], vector<16xf32>, vector<16xi1>
        %add3A_287 = arith.constant 30000 : i32
        %add3A_288 = vector.broadcast %add3A_287 : i32 to vector<16xi32>
        %add3A_289 = arith.addi %shift_right_logical3A_87, %add3A_288 : vector<16xi32>
        tpu.vector_store_idx %arg7[%add3A_289], %broadcast_in_dim3A_19 masked %eq3A_124 {add = true} : memref<40000xf32, #tpu.memory_space<vmem>>[vector<16xi32>], vector<16xf32>, vector<16xi1>
        %add3A_290 = arith.constant 0 : i32
        %add3A_291 = vector.broadcast %add3A_290 : i32 to vector<16xi32>
        %add3A_292 = arith.addi %shift_right_logical3A_136, %add3A_291 : vector<16xi32>
        tpu.vector_store_idx %arg7[%add3A_292], %broadcast_in_dim3A_19 masked %eq3A_148 {add = true} : memref<40000xf32, #tpu.memory_space<vmem>>[vector<16xi32>], vector<16xf32>, vector<16xi1>
        %add3A_293 = arith.constant 10000 : i32
        %add3A_294 = vector.broadcast %add3A_293 : i32 to vector<16xi32>
        %add3A_295 = arith.addi %shift_right_logical3A_136, %add3A_294 : vector<16xi32>
        tpu.vector_store_idx %arg7[%add3A_295], %broadcast_in_dim3A_19 masked %eq3A_157 {add = true} : memref<40000xf32, #tpu.memory_space<vmem>>[vector<16xi32>], vector<16xf32>, vector<16xi1>
        %add3A_296 = arith.constant 20000 : i32
        %add3A_297 = vector.broadcast %add3A_296 : i32 to vector<16xi32>
        %add3A_298 = arith.addi %shift_right_logical3A_136, %add3A_297 : vector<16xi32>
        tpu.vector_store_idx %arg7[%add3A_298], %broadcast_in_dim3A_19 masked %eq3A_166 {add = true} : memref<40000xf32, #tpu.memory_space<vmem>>[vector<16xi32>], vector<16xf32>, vector<16xi1>
        %add3A_299 = arith.constant 30000 : i32
        %add3A_300 = vector.broadcast %add3A_299 : i32 to vector<16xi32>
        %add3A_301 = arith.addi %shift_right_logical3A_136, %add3A_300 : vector<16xi32>
        tpu.vector_store_idx %arg7[%add3A_301], %broadcast_in_dim3A_19 masked %eq3A_175 {add = true} : memref<40000xf32, #tpu.memory_space<vmem>>[vector<16xi32>], vector<16xf32>, vector<16xi1>
        %add3A_302 = arith.constant 0 : i32
        %add3A_303 = vector.broadcast %add3A_302 : i32 to vector<16xi32>
        %add3A_304 = arith.addi %shift_right_logical3A_187, %add3A_303 : vector<16xi32>
        tpu.vector_store_idx %arg7[%add3A_304], %broadcast_in_dim3A_19 masked %eq3A_199 {add = true} : memref<40000xf32, #tpu.memory_space<vmem>>[vector<16xi32>], vector<16xf32>, vector<16xi1>
        %add3A_305 = arith.constant 10000 : i32
        %add3A_306 = vector.broadcast %add3A_305 : i32 to vector<16xi32>
        %add3A_307 = arith.addi %shift_right_logical3A_187, %add3A_306 : vector<16xi32>
        tpu.vector_store_idx %arg7[%add3A_307], %broadcast_in_dim3A_19 masked %eq3A_208 {add = true} : memref<40000xf32, #tpu.memory_space<vmem>>[vector<16xi32>], vector<16xf32>, vector<16xi1>
        %add3A_308 = arith.constant 20000 : i32
        %add3A_309 = vector.broadcast %add3A_308 : i32 to vector<16xi32>
        %add3A_310 = arith.addi %shift_right_logical3A_187, %add3A_309 : vector<16xi32>
        tpu.vector_store_idx %arg7[%add3A_310], %broadcast_in_dim3A_19 masked %eq3A_217 {add = true} : memref<40000xf32, #tpu.memory_space<vmem>>[vector<16xi32>], vector<16xf32>, vector<16xi1>
        %add3A_311 = arith.constant 30000 : i32
        %add3A_312 = vector.broadcast %add3A_311 : i32 to vector<16xi32>
        %add3A_313 = arith.addi %shift_right_logical3A_187, %add3A_312 : vector<16xi32>
        tpu.vector_store_idx %arg7[%add3A_313], %broadcast_in_dim3A_19 masked %eq3A_226 {add = true} : memref<40000xf32, #tpu.memory_space<vmem>>[vector<16xi32>], vector<16xf32>, vector<16xi1>
        %add3A_314 = arith.constant 0 : i32
        %add3A_315 = vector.broadcast %add3A_314 : i32 to vector<16xi32>
        %add3A_316 = arith.addi %shift_right_logical3A_238, %add3A_315 : vector<16xi32>
        tpu.vector_store_idx %arg7[%add3A_316], %broadcast_in_dim3A_19 masked %eq3A_250 {add = true} : memref<40000xf32, #tpu.memory_space<vmem>>[vector<16xi32>], vector<16xf32>, vector<16xi1>
        %add3A_317 = arith.constant 10000 : i32
        %add3A_318 = vector.broadcast %add3A_317 : i32 to vector<16xi32>
        %add3A_319 = arith.addi %shift_right_logical3A_238, %add3A_318 : vector<16xi32>
        tpu.vector_store_idx %arg7[%add3A_319], %broadcast_in_dim3A_19 masked %eq3A_259 {add = true} : memref<40000xf32, #tpu.memory_space<vmem>>[vector<16xi32>], vector<16xf32>, vector<16xi1>
        %add3A_320 = arith.constant 20000 : i32
        %add3A_321 = vector.broadcast %add3A_320 : i32 to vector<16xi32>
        %add3A_322 = arith.addi %shift_right_logical3A_238, %add3A_321 : vector<16xi32>
        tpu.vector_store_idx %arg7[%add3A_322], %broadcast_in_dim3A_19 masked %eq3A_268 {add = true} : memref<40000xf32, #tpu.memory_space<vmem>>[vector<16xi32>], vector<16xf32>, vector<16xi1>
        %add3A_323 = arith.constant 30000 : i32
        %add3A_324 = vector.broadcast %add3A_323 : i32 to vector<16xi32>
        %add3A_325 = arith.addi %shift_right_logical3A_238, %add3A_324 : vector<16xi32>
        tpu.vector_store_idx %arg7[%add3A_325], %broadcast_in_dim3A_19 masked %eq3A_277 {add = true} : memref<40000xf32, #tpu.memory_space<vmem>>[vector<16xi32>], vector<16xf32>, vector<16xi1>
        %scan3A_326 = arith.constant 0 : i32
        scf.yield %scan3A_326 : i32
      }
      %scan3A_52 = arith.constant 50 : i32
      %mul3A_53 = arith.constant 2 : i32
      %mul3A_54 = arith.muli %scan3A_29, %mul3A_53 : i32
      %add3A_55 = arith.constant 1 : i32
      %add3A_56 = arith.addi %mul3A_54, %add3A_55 : i32
      %mul3A_57 = arith.constant 3200 : i32
      %mul3A_58 = arith.muli %add3A_56, %mul3A_57 : i32
      %add3A_59 = arith.addi %mul3A_2, %mul3A_58 : i32
      %dma_wait3A_60 = tpu.memref_slice %arg2[%add3A_59] : memref<320000xi32, #tpu.memory_space<hbm>> -> memref<3200xi32, #tpu.memory_space<hbm>>
      %dma_wait3A_61 = tpu.memref_slice %arg2[%add3A_59] : memref<320000xi32, #tpu.memory_space<hbm>> -> memref<3200xi32, #tpu.memory_space<hbm>>
      tpu.wait_dma2 semaphore(%arg11 : memref<!tpu.dma_semaphore, #tpu.memory_space<semaphore_mem>>) src(%dma_wait3A_61 : memref<3200xi32, #tpu.memory_space<hbm>>) dst(%arg9 : memref<3200xi32, #tpu.memory_space<vmem>>)
      %add3A_62 = arith.constant 1 : i32
      %add3A_63 = arith.addi %add3A_56, %add3A_62 : i32
      %lt3A_64 = arith.constant 50 : i32
      %lt3A_65 = arith.cmpi slt, %add3A_63, %lt3A_64 : i32
      %convert_element_type3A_66 = arith.extui %lt3A_65 : i1 to i32
      %cond3A_67 = arith.constant 0 : i32
      %cond3A_68 = arith.cmpi ne, %convert_element_type3A_66, %cond3A_67 : i32
      scf.if %cond3A_68 {
        %add3A_77 = arith.constant 1 : i32
        %add3A_78 = arith.addi %add3A_56, %add3A_77 : i32
        %mul3A_79 = arith.constant 3200 : i32
        %mul3A_80 = arith.muli %add3A_78, %mul3A_79 : i32
        %add3A_81 = arith.addi %mul3A_2, %mul3A_80 : i32
        %dma_start3A_82 = tpu.memref_slice %arg2[%add3A_81] : memref<320000xi32, #tpu.memory_space<hbm>> -> memref<3200xi32, #tpu.memory_space<hbm>>
        %dma_start3A_83 = tpu.memref_slice %arg2[%add3A_81] : memref<320000xi32, #tpu.memory_space<hbm>> -> memref<3200xi32, #tpu.memory_space<hbm>>
        tpu.enqueue_dma source(%dma_start3A_83 : memref<3200xi32, #tpu.memory_space<hbm>>) target(%arg8 : memref<3200xi32, #tpu.memory_space<vmem>>) target_semaphore(%arg10 : memref<!tpu.dma_semaphore, #tpu.memory_space<semaphore_mem>>)
      } else {
      }
      %scan3A_69 = arith.constant 0 : i32
      %scan3A_70 = arith.constant 0 : i32
      %scan3A_71 = arith.constant 50 : i32
      %scan3A_72 = arith.addi %scan3A_70, %scan3A_71 : i32
      %scan3A_73 = arith.constant 1 : i32
      %scan3A_74 = scf.for %scan3A_77 = %scan3A_70 to %scan3A_72 step %scan3A_73 iter_args(%scan3A_78 = %scan3A_69) -> (i32)  : i32 {
        %mul3A_79 = arith.constant 64 : i32
        %mul3A_80 = arith.muli %scan3A_77, %mul3A_79 : i32
        %add3A_81 = arith.constant 0 : i32
        %add3A_82 = arith.addi %mul3A_80, %add3A_81 : i32
        %get3A = arith.index_cast %add3A_82 : i32 to index
        %get3A_83 = tpu.vector_load %arg9[%get3A] {strides = array<i32>} : memref<3200xi32, #tpu.memory_space<vmem>>, vector<16xi32>,
        %and3A = arith.constant 16383 : i32
        %and3A_84 = vector.broadcast %and3A : i32 to vector<16xi32>
        %and3A_85 = arith.andi %get3A_83, %and3A_84 : vector<16xi32>
        %shift_right_logical3A = arith.constant 14 : i32
        %shift_right_logical3A_86 = vector.broadcast %shift_right_logical3A : i32 to vector<16xi32>
        %shift_right_logical3A_87 = arith.shrui %get3A_83, %shift_right_logical3A_86 : vector<16xi32>
        %gather3A = tpu.vector_load_idx %arg6[%and3A_85] : memref<10000xi32, #tpu.memory_space<vmem>>[vector<16xi32>], vector<16xi32>,
        %broadcast_in_dim3A_88 = vector.broadcast %rem3A_12 : i32 to vector<16xi32>
        %shift_right_logical3A_89 = arith.shrui %gather3A, %broadcast_in_dim3A_88 : vector<16xi32>
        %shift_right_logical3A_90 = arith.constant 0 : i32
        %shift_right_logical3A_91 = vector.broadcast %shift_right_logical3A_90 : i32 to vector<16xi32>
        %shift_right_logical3A_92 = arith.shrui %shift_right_logical3A_89, %shift_right_logical3A_91 : vector<16xi32>
        %and3A_93 = arith.constant 1 : i32
        %and3A_94 = vector.broadcast %and3A_93 : i32 to vector<16xi32>
        %and3A_95 = arith.andi %shift_right_logical3A_92, %and3A_94 : vector<16xi32>
        %eq3A = arith.constant 1 : i32
        %eq3A_96 = vector.broadcast %eq3A : i32 to vector<16xi32>
        %eq3A_97 = arith.cmpi eq, %and3A_95, %eq3A_96 : vector<16xi32>
        %shift_right_logical3A_98 = arith.constant 1 : i32
        %shift_right_logical3A_99 = vector.broadcast %shift_right_logical3A_98 : i32 to vector<16xi32>
        %shift_right_logical3A_100 = arith.shrui %shift_right_logical3A_89, %shift_right_logical3A_99 : vector<16xi32>
        %and3A_101 = arith.constant 1 : i32
        %and3A_102 = vector.broadcast %and3A_101 : i32 to vector<16xi32>
        %and3A_103 = arith.andi %shift_right_logical3A_100, %and3A_102 : vector<16xi32>
        %eq3A_104 = arith.constant 1 : i32
        %eq3A_105 = vector.broadcast %eq3A_104 : i32 to vector<16xi32>
        %eq3A_106 = arith.cmpi eq, %and3A_103, %eq3A_105 : vector<16xi32>
        %shift_right_logical3A_107 = arith.constant 2 : i32
        %shift_right_logical3A_108 = vector.broadcast %shift_right_logical3A_107 : i32 to vector<16xi32>
        %shift_right_logical3A_109 = arith.shrui %shift_right_logical3A_89, %shift_right_logical3A_108 : vector<16xi32>
        %and3A_110 = arith.constant 1 : i32
        %and3A_111 = vector.broadcast %and3A_110 : i32 to vector<16xi32>
        %and3A_112 = arith.andi %shift_right_logical3A_109, %and3A_111 : vector<16xi32>
        %eq3A_113 = arith.constant 1 : i32
        %eq3A_114 = vector.broadcast %eq3A_113 : i32 to vector<16xi32>
        %eq3A_115 = arith.cmpi eq, %and3A_112, %eq3A_114 : vector<16xi32>
        %shift_right_logical3A_116 = arith.constant 3 : i32
        %shift_right_logical3A_117 = vector.broadcast %shift_right_logical3A_116 : i32 to vector<16xi32>
        %shift_right_logical3A_118 = arith.shrui %shift_right_logical3A_89, %shift_right_logical3A_117 : vector<16xi32>
        %and3A_119 = arith.constant 1 : i32
        %and3A_120 = vector.broadcast %and3A_119 : i32 to vector<16xi32>
        %and3A_121 = arith.andi %shift_right_logical3A_118, %and3A_120 : vector<16xi32>
        %eq3A_122 = arith.constant 1 : i32
        %eq3A_123 = vector.broadcast %eq3A_122 : i32 to vector<16xi32>
        %eq3A_124 = arith.cmpi eq, %and3A_121, %eq3A_123 : vector<16xi32>
        %mul3A_125 = arith.constant 64 : i32
        %mul3A_126 = arith.muli %scan3A_77, %mul3A_125 : i32
        %add3A_127 = arith.constant 16 : i32
        %add3A_128 = arith.addi %mul3A_126, %add3A_127 : i32
        %get3A_129 = arith.index_cast %add3A_128 : i32 to index
        %get3A_130 = tpu.vector_load %arg9[%get3A_129] {strides = array<i32>} : memref<3200xi32, #tpu.memory_space<vmem>>, vector<16xi32>,
        %and3A_131 = arith.constant 16383 : i32
        %and3A_132 = vector.broadcast %and3A_131 : i32 to vector<16xi32>
        %and3A_133 = arith.andi %get3A_130, %and3A_132 : vector<16xi32>
        %shift_right_logical3A_134 = arith.constant 14 : i32
        %shift_right_logical3A_135 = vector.broadcast %shift_right_logical3A_134 : i32 to vector<16xi32>
        %shift_right_logical3A_136 = arith.shrui %get3A_130, %shift_right_logical3A_135 : vector<16xi32>
        %gather3A_137 = tpu.vector_load_idx %arg6[%and3A_133] : memref<10000xi32, #tpu.memory_space<vmem>>[vector<16xi32>], vector<16xi32>,
        %broadcast_in_dim3A_138 = vector.broadcast %rem3A_12 : i32 to vector<16xi32>
        %shift_right_logical3A_139 = arith.shrui %gather3A_137, %broadcast_in_dim3A_138 : vector<16xi32>
        %shift_right_logical3A_140 = arith.constant 0 : i32
        %shift_right_logical3A_141 = vector.broadcast %shift_right_logical3A_140 : i32 to vector<16xi32>
        %shift_right_logical3A_142 = arith.shrui %shift_right_logical3A_139, %shift_right_logical3A_141 : vector<16xi32>
        %and3A_143 = arith.constant 1 : i32
        %and3A_144 = vector.broadcast %and3A_143 : i32 to vector<16xi32>
        %and3A_145 = arith.andi %shift_right_logical3A_142, %and3A_144 : vector<16xi32>
        %eq3A_146 = arith.constant 1 : i32
        %eq3A_147 = vector.broadcast %eq3A_146 : i32 to vector<16xi32>
        %eq3A_148 = arith.cmpi eq, %and3A_145, %eq3A_147 : vector<16xi32>
        %shift_right_logical3A_149 = arith.constant 1 : i32
        %shift_right_logical3A_150 = vector.broadcast %shift_right_logical3A_149 : i32 to vector<16xi32>
        %shift_right_logical3A_151 = arith.shrui %shift_right_logical3A_139, %shift_right_logical3A_150 : vector<16xi32>
        %and3A_152 = arith.constant 1 : i32
        %and3A_153 = vector.broadcast %and3A_152 : i32 to vector<16xi32>
        %and3A_154 = arith.andi %shift_right_logical3A_151, %and3A_153 : vector<16xi32>
        %eq3A_155 = arith.constant 1 : i32
        %eq3A_156 = vector.broadcast %eq3A_155 : i32 to vector<16xi32>
        %eq3A_157 = arith.cmpi eq, %and3A_154, %eq3A_156 : vector<16xi32>
        %shift_right_logical3A_158 = arith.constant 2 : i32
        %shift_right_logical3A_159 = vector.broadcast %shift_right_logical3A_158 : i32 to vector<16xi32>
        %shift_right_logical3A_160 = arith.shrui %shift_right_logical3A_139, %shift_right_logical3A_159 : vector<16xi32>
        %and3A_161 = arith.constant 1 : i32
        %and3A_162 = vector.broadcast %and3A_161 : i32 to vector<16xi32>
        %and3A_163 = arith.andi %shift_right_logical3A_160, %and3A_162 : vector<16xi32>
        %eq3A_164 = arith.constant 1 : i32
        %eq3A_165 = vector.broadcast %eq3A_164 : i32 to vector<16xi32>
        %eq3A_166 = arith.cmpi eq, %and3A_163, %eq3A_165 : vector<16xi32>
        %shift_right_logical3A_167 = arith.constant 3 : i32
        %shift_right_logical3A_168 = vector.broadcast %shift_right_logical3A_167 : i32 to vector<16xi32>
        %shift_right_logical3A_169 = arith.shrui %shift_right_logical3A_139, %shift_right_logical3A_168 : vector<16xi32>
        %and3A_170 = arith.constant 1 : i32
        %and3A_171 = vector.broadcast %and3A_170 : i32 to vector<16xi32>
        %and3A_172 = arith.andi %shift_right_logical3A_169, %and3A_171 : vector<16xi32>
        %eq3A_173 = arith.constant 1 : i32
        %eq3A_174 = vector.broadcast %eq3A_173 : i32 to vector<16xi32>
        %eq3A_175 = arith.cmpi eq, %and3A_172, %eq3A_174 : vector<16xi32>
        %mul3A_176 = arith.constant 64 : i32
        %mul3A_177 = arith.muli %scan3A_77, %mul3A_176 : i32
        %add3A_178 = arith.constant 32 : i32
        %add3A_179 = arith.addi %mul3A_177, %add3A_178 : i32
        %get3A_180 = arith.index_cast %add3A_179 : i32 to index
        %get3A_181 = tpu.vector_load %arg9[%get3A_180] {strides = array<i32>} : memref<3200xi32, #tpu.memory_space<vmem>>, vector<16xi32>,
        %and3A_182 = arith.constant 16383 : i32
        %and3A_183 = vector.broadcast %and3A_182 : i32 to vector<16xi32>
        %and3A_184 = arith.andi %get3A_181, %and3A_183 : vector<16xi32>
        %shift_right_logical3A_185 = arith.constant 14 : i32
        %shift_right_logical3A_186 = vector.broadcast %shift_right_logical3A_185 : i32 to vector<16xi32>
        %shift_right_logical3A_187 = arith.shrui %get3A_181, %shift_right_logical3A_186 : vector<16xi32>
        %gather3A_188 = tpu.vector_load_idx %arg6[%and3A_184] : memref<10000xi32, #tpu.memory_space<vmem>>[vector<16xi32>], vector<16xi32>,
        %broadcast_in_dim3A_189 = vector.broadcast %rem3A_12 : i32 to vector<16xi32>
        %shift_right_logical3A_190 = arith.shrui %gather3A_188, %broadcast_in_dim3A_189 : vector<16xi32>
        %shift_right_logical3A_191 = arith.constant 0 : i32
        %shift_right_logical3A_192 = vector.broadcast %shift_right_logical3A_191 : i32 to vector<16xi32>
        %shift_right_logical3A_193 = arith.shrui %shift_right_logical3A_190, %shift_right_logical3A_192 : vector<16xi32>
        %and3A_194 = arith.constant 1 : i32
        %and3A_195 = vector.broadcast %and3A_194 : i32 to vector<16xi32>
        %and3A_196 = arith.andi %shift_right_logical3A_193, %and3A_195 : vector<16xi32>
        %eq3A_197 = arith.constant 1 : i32
        %eq3A_198 = vector.broadcast %eq3A_197 : i32 to vector<16xi32>
        %eq3A_199 = arith.cmpi eq, %and3A_196, %eq3A_198 : vector<16xi32>
        %shift_right_logical3A_200 = arith.constant 1 : i32
        %shift_right_logical3A_201 = vector.broadcast %shift_right_logical3A_200 : i32 to vector<16xi32>
        %shift_right_logical3A_202 = arith.shrui %shift_right_logical3A_190, %shift_right_logical3A_201 : vector<16xi32>
        %and3A_203 = arith.constant 1 : i32
        %and3A_204 = vector.broadcast %and3A_203 : i32 to vector<16xi32>
        %and3A_205 = arith.andi %shift_right_logical3A_202, %and3A_204 : vector<16xi32>
        %eq3A_206 = arith.constant 1 : i32
        %eq3A_207 = vector.broadcast %eq3A_206 : i32 to vector<16xi32>
        %eq3A_208 = arith.cmpi eq, %and3A_205, %eq3A_207 : vector<16xi32>
        %shift_right_logical3A_209 = arith.constant 2 : i32
        %shift_right_logical3A_210 = vector.broadcast %shift_right_logical3A_209 : i32 to vector<16xi32>
        %shift_right_logical3A_211 = arith.shrui %shift_right_logical3A_190, %shift_right_logical3A_210 : vector<16xi32>
        %and3A_212 = arith.constant 1 : i32
        %and3A_213 = vector.broadcast %and3A_212 : i32 to vector<16xi32>
        %and3A_214 = arith.andi %shift_right_logical3A_211, %and3A_213 : vector<16xi32>
        %eq3A_215 = arith.constant 1 : i32
        %eq3A_216 = vector.broadcast %eq3A_215 : i32 to vector<16xi32>
        %eq3A_217 = arith.cmpi eq, %and3A_214, %eq3A_216 : vector<16xi32>
        %shift_right_logical3A_218 = arith.constant 3 : i32
        %shift_right_logical3A_219 = vector.broadcast %shift_right_logical3A_218 : i32 to vector<16xi32>
        %shift_right_logical3A_220 = arith.shrui %shift_right_logical3A_190, %shift_right_logical3A_219 : vector<16xi32>
        %and3A_221 = arith.constant 1 : i32
        %and3A_222 = vector.broadcast %and3A_221 : i32 to vector<16xi32>
        %and3A_223 = arith.andi %shift_right_logical3A_220, %and3A_222 : vector<16xi32>
        %eq3A_224 = arith.constant 1 : i32
        %eq3A_225 = vector.broadcast %eq3A_224 : i32 to vector<16xi32>
        %eq3A_226 = arith.cmpi eq, %and3A_223, %eq3A_225 : vector<16xi32>
        %mul3A_227 = arith.constant 64 : i32
        %mul3A_228 = arith.muli %scan3A_77, %mul3A_227 : i32
        %add3A_229 = arith.constant 48 : i32
        %add3A_230 = arith.addi %mul3A_228, %add3A_229 : i32
        %get3A_231 = arith.index_cast %add3A_230 : i32 to index
        %get3A_232 = tpu.vector_load %arg9[%get3A_231] {strides = array<i32>} : memref<3200xi32, #tpu.memory_space<vmem>>, vector<16xi32>,
        %and3A_233 = arith.constant 16383 : i32
        %and3A_234 = vector.broadcast %and3A_233 : i32 to vector<16xi32>
        %and3A_235 = arith.andi %get3A_232, %and3A_234 : vector<16xi32>
        %shift_right_logical3A_236 = arith.constant 14 : i32
        %shift_right_logical3A_237 = vector.broadcast %shift_right_logical3A_236 : i32 to vector<16xi32>
        %shift_right_logical3A_238 = arith.shrui %get3A_232, %shift_right_logical3A_237 : vector<16xi32>
        %gather3A_239 = tpu.vector_load_idx %arg6[%and3A_235] : memref<10000xi32, #tpu.memory_space<vmem>>[vector<16xi32>], vector<16xi32>,
        %broadcast_in_dim3A_240 = vector.broadcast %rem3A_12 : i32 to vector<16xi32>
        %shift_right_logical3A_241 = arith.shrui %gather3A_239, %broadcast_in_dim3A_240 : vector<16xi32>
        %shift_right_logical3A_242 = arith.constant 0 : i32
        %shift_right_logical3A_243 = vector.broadcast %shift_right_logical3A_242 : i32 to vector<16xi32>
        %shift_right_logical3A_244 = arith.shrui %shift_right_logical3A_241, %shift_right_logical3A_243 : vector<16xi32>
        %and3A_245 = arith.constant 1 : i32
        %and3A_246 = vector.broadcast %and3A_245 : i32 to vector<16xi32>
        %and3A_247 = arith.andi %shift_right_logical3A_244, %and3A_246 : vector<16xi32>
        %eq3A_248 = arith.constant 1 : i32
        %eq3A_249 = vector.broadcast %eq3A_248 : i32 to vector<16xi32>
        %eq3A_250 = arith.cmpi eq, %and3A_247, %eq3A_249 : vector<16xi32>
        %shift_right_logical3A_251 = arith.constant 1 : i32
        %shift_right_logical3A_252 = vector.broadcast %shift_right_logical3A_251 : i32 to vector<16xi32>
        %shift_right_logical3A_253 = arith.shrui %shift_right_logical3A_241, %shift_right_logical3A_252 : vector<16xi32>
        %and3A_254 = arith.constant 1 : i32
        %and3A_255 = vector.broadcast %and3A_254 : i32 to vector<16xi32>
        %and3A_256 = arith.andi %shift_right_logical3A_253, %and3A_255 : vector<16xi32>
        %eq3A_257 = arith.constant 1 : i32
        %eq3A_258 = vector.broadcast %eq3A_257 : i32 to vector<16xi32>
        %eq3A_259 = arith.cmpi eq, %and3A_256, %eq3A_258 : vector<16xi32>
        %shift_right_logical3A_260 = arith.constant 2 : i32
        %shift_right_logical3A_261 = vector.broadcast %shift_right_logical3A_260 : i32 to vector<16xi32>
        %shift_right_logical3A_262 = arith.shrui %shift_right_logical3A_241, %shift_right_logical3A_261 : vector<16xi32>
        %and3A_263 = arith.constant 1 : i32
        %and3A_264 = vector.broadcast %and3A_263 : i32 to vector<16xi32>
        %and3A_265 = arith.andi %shift_right_logical3A_262, %and3A_264 : vector<16xi32>
        %eq3A_266 = arith.constant 1 : i32
        %eq3A_267 = vector.broadcast %eq3A_266 : i32 to vector<16xi32>
        %eq3A_268 = arith.cmpi eq, %and3A_265, %eq3A_267 : vector<16xi32>
        %shift_right_logical3A_269 = arith.constant 3 : i32
        %shift_right_logical3A_270 = vector.broadcast %shift_right_logical3A_269 : i32 to vector<16xi32>
        %shift_right_logical3A_271 = arith.shrui %shift_right_logical3A_241, %shift_right_logical3A_270 : vector<16xi32>
        %and3A_272 = arith.constant 1 : i32
        %and3A_273 = vector.broadcast %and3A_272 : i32 to vector<16xi32>
        %and3A_274 = arith.andi %shift_right_logical3A_271, %and3A_273 : vector<16xi32>
        %eq3A_275 = arith.constant 1 : i32
        %eq3A_276 = vector.broadcast %eq3A_275 : i32 to vector<16xi32>
        %eq3A_277 = arith.cmpi eq, %and3A_274, %eq3A_276 : vector<16xi32>
        %add3A_278 = arith.constant 0 : i32
        %add3A_279 = vector.broadcast %add3A_278 : i32 to vector<16xi32>
        %add3A_280 = arith.addi %shift_right_logical3A_87, %add3A_279 : vector<16xi32>
        tpu.vector_store_idx %arg7[%add3A_280], %broadcast_in_dim3A_19 masked %eq3A_97 {add = true} : memref<40000xf32, #tpu.memory_space<vmem>>[vector<16xi32>], vector<16xf32>, vector<16xi1>
        %add3A_281 = arith.constant 10000 : i32
        %add3A_282 = vector.broadcast %add3A_281 : i32 to vector<16xi32>
        %add3A_283 = arith.addi %shift_right_logical3A_87, %add3A_282 : vector<16xi32>
        tpu.vector_store_idx %arg7[%add3A_283], %broadcast_in_dim3A_19 masked %eq3A_106 {add = true} : memref<40000xf32, #tpu.memory_space<vmem>>[vector<16xi32>], vector<16xf32>, vector<16xi1>
        %add3A_284 = arith.constant 20000 : i32
        %add3A_285 = vector.broadcast %add3A_284 : i32 to vector<16xi32>
        %add3A_286 = arith.addi %shift_right_logical3A_87, %add3A_285 : vector<16xi32>
        tpu.vector_store_idx %arg7[%add3A_286], %broadcast_in_dim3A_19 masked %eq3A_115 {add = true} : memref<40000xf32, #tpu.memory_space<vmem>>[vector<16xi32>], vector<16xf32>, vector<16xi1>
        %add3A_287 = arith.constant 30000 : i32
        %add3A_288 = vector.broadcast %add3A_287 : i32 to vector<16xi32>
        %add3A_289 = arith.addi %shift_right_logical3A_87, %add3A_288 : vector<16xi32>
        tpu.vector_store_idx %arg7[%add3A_289], %broadcast_in_dim3A_19 masked %eq3A_124 {add = true} : memref<40000xf32, #tpu.memory_space<vmem>>[vector<16xi32>], vector<16xf32>, vector<16xi1>
        %add3A_290 = arith.constant 0 : i32
        %add3A_291 = vector.broadcast %add3A_290 : i32 to vector<16xi32>
        %add3A_292 = arith.addi %shift_right_logical3A_136, %add3A_291 : vector<16xi32>
        tpu.vector_store_idx %arg7[%add3A_292], %broadcast_in_dim3A_19 masked %eq3A_148 {add = true} : memref<40000xf32, #tpu.memory_space<vmem>>[vector<16xi32>], vector<16xf32>, vector<16xi1>
        %add3A_293 = arith.constant 10000 : i32
        %add3A_294 = vector.broadcast %add3A_293 : i32 to vector<16xi32>
        %add3A_295 = arith.addi %shift_right_logical3A_136, %add3A_294 : vector<16xi32>
        tpu.vector_store_idx %arg7[%add3A_295], %broadcast_in_dim3A_19 masked %eq3A_157 {add = true} : memref<40000xf32, #tpu.memory_space<vmem>>[vector<16xi32>], vector<16xf32>, vector<16xi1>
        %add3A_296 = arith.constant 20000 : i32
        %add3A_297 = vector.broadcast %add3A_296 : i32 to vector<16xi32>
        %add3A_298 = arith.addi %shift_right_logical3A_136, %add3A_297 : vector<16xi32>
        tpu.vector_store_idx %arg7[%add3A_298], %broadcast_in_dim3A_19 masked %eq3A_166 {add = true} : memref<40000xf32, #tpu.memory_space<vmem>>[vector<16xi32>], vector<16xf32>, vector<16xi1>
        %add3A_299 = arith.constant 30000 : i32
        %add3A_300 = vector.broadcast %add3A_299 : i32 to vector<16xi32>
        %add3A_301 = arith.addi %shift_right_logical3A_136, %add3A_300 : vector<16xi32>
        tpu.vector_store_idx %arg7[%add3A_301], %broadcast_in_dim3A_19 masked %eq3A_175 {add = true} : memref<40000xf32, #tpu.memory_space<vmem>>[vector<16xi32>], vector<16xf32>, vector<16xi1>
        %add3A_302 = arith.constant 0 : i32
        %add3A_303 = vector.broadcast %add3A_302 : i32 to vector<16xi32>
        %add3A_304 = arith.addi %shift_right_logical3A_187, %add3A_303 : vector<16xi32>
        tpu.vector_store_idx %arg7[%add3A_304], %broadcast_in_dim3A_19 masked %eq3A_199 {add = true} : memref<40000xf32, #tpu.memory_space<vmem>>[vector<16xi32>], vector<16xf32>, vector<16xi1>
        %add3A_305 = arith.constant 10000 : i32
        %add3A_306 = vector.broadcast %add3A_305 : i32 to vector<16xi32>
        %add3A_307 = arith.addi %shift_right_logical3A_187, %add3A_306 : vector<16xi32>
        tpu.vector_store_idx %arg7[%add3A_307], %broadcast_in_dim3A_19 masked %eq3A_208 {add = true} : memref<40000xf32, #tpu.memory_space<vmem>>[vector<16xi32>], vector<16xf32>, vector<16xi1>
        %add3A_308 = arith.constant 20000 : i32
        %add3A_309 = vector.broadcast %add3A_308 : i32 to vector<16xi32>
        %add3A_310 = arith.addi %shift_right_logical3A_187, %add3A_309 : vector<16xi32>
        tpu.vector_store_idx %arg7[%add3A_310], %broadcast_in_dim3A_19 masked %eq3A_217 {add = true} : memref<40000xf32, #tpu.memory_space<vmem>>[vector<16xi32>], vector<16xf32>, vector<16xi1>
        %add3A_311 = arith.constant 30000 : i32
        %add3A_312 = vector.broadcast %add3A_311 : i32 to vector<16xi32>
        %add3A_313 = arith.addi %shift_right_logical3A_187, %add3A_312 : vector<16xi32>
        tpu.vector_store_idx %arg7[%add3A_313], %broadcast_in_dim3A_19 masked %eq3A_226 {add = true} : memref<40000xf32, #tpu.memory_space<vmem>>[vector<16xi32>], vector<16xf32>, vector<16xi1>
        %add3A_314 = arith.constant 0 : i32
        %add3A_315 = vector.broadcast %add3A_314 : i32 to vector<16xi32>
        %add3A_316 = arith.addi %shift_right_logical3A_238, %add3A_315 : vector<16xi32>
        tpu.vector_store_idx %arg7[%add3A_316], %broadcast_in_dim3A_19 masked %eq3A_250 {add = true} : memref<40000xf32, #tpu.memory_space<vmem>>[vector<16xi32>], vector<16xf32>, vector<16xi1>
        %add3A_317 = arith.constant 10000 : i32
        %add3A_318 = vector.broadcast %add3A_317 : i32 to vector<16xi32>
        %add3A_319 = arith.addi %shift_right_logical3A_238, %add3A_318 : vector<16xi32>
        tpu.vector_store_idx %arg7[%add3A_319], %broadcast_in_dim3A_19 masked %eq3A_259 {add = true} : memref<40000xf32, #tpu.memory_space<vmem>>[vector<16xi32>], vector<16xf32>, vector<16xi1>
        %add3A_320 = arith.constant 20000 : i32
        %add3A_321 = vector.broadcast %add3A_320 : i32 to vector<16xi32>
        %add3A_322 = arith.addi %shift_right_logical3A_238, %add3A_321 : vector<16xi32>
        tpu.vector_store_idx %arg7[%add3A_322], %broadcast_in_dim3A_19 masked %eq3A_268 {add = true} : memref<40000xf32, #tpu.memory_space<vmem>>[vector<16xi32>], vector<16xf32>, vector<16xi1>
        %add3A_323 = arith.constant 30000 : i32
        %add3A_324 = vector.broadcast %add3A_323 : i32 to vector<16xi32>
        %add3A_325 = arith.addi %shift_right_logical3A_238, %add3A_324 : vector<16xi32>
        tpu.vector_store_idx %arg7[%add3A_325], %broadcast_in_dim3A_19 masked %eq3A_277 {add = true} : memref<40000xf32, #tpu.memory_space<vmem>>[vector<16xi32>], vector<16xf32>, vector<16xi1>
        %scan3A_326 = arith.constant 0 : i32
        scf.yield %scan3A_326 : i32
      }
      %scan3A_75 = arith.constant 50 : i32
      %scan3A_76 = arith.constant 0 : i32
      scf.yield %scan3A_76 : i32
    }
    %scan3A_26 = arith.constant 25 : i32
    %mul3A_27 = arith.constant 10000 : i32
    %mul3A_28 = arith.muli %mul3A_0, %mul3A_27 : i32
    %add3A = arith.addi %mul3A_4, %mul3A_28 : i32
    "tpu.region"() ({
      %run_scoped3A = tpu.sem_alloc : memref<!tpu.dma_semaphore, #tpu.memory_space<semaphore_mem>>
      %dma_start3A_29 = tpu.memref_slice %arg5[%add3A] : memref<1280000xf32, #tpu.memory_space<hbm>> -> memref<40000xf32, #tpu.memory_space<hbm>>
      %dma_start3A_30 = tpu.memref_slice %arg5[%add3A] : memref<1280000xf32, #tpu.memory_space<hbm>> -> memref<40000xf32, #tpu.memory_space<hbm>>
      tpu.enqueue_dma source(%arg7 : memref<40000xf32, #tpu.memory_space<vmem>>) target(%dma_start3A_30 : memref<40000xf32, #tpu.memory_space<hbm>>) target_semaphore(%run_scoped3A : memref<!tpu.dma_semaphore, #tpu.memory_space<semaphore_mem>>)
      %dma_wait3A = tpu.memref_slice %arg5[%add3A] : memref<1280000xf32, #tpu.memory_space<hbm>> -> memref<40000xf32, #tpu.memory_space<hbm>>
      %dma_wait3A_31 = tpu.memref_slice %arg5[%add3A] : memref<1280000xf32, #tpu.memory_space<hbm>> -> memref<40000xf32, #tpu.memory_space<hbm>>
      tpu.wait_dma2 semaphore(%run_scoped3A : memref<!tpu.dma_semaphore, #tpu.memory_space<semaphore_mem>>) src(%arg7 : memref<40000xf32, #tpu.memory_space<vmem>>) dst(%dma_wait3A_31 : memref<40000xf32, #tpu.memory_space<hbm>>)
      tpu.yield
    }) : () -> ()
    return
  }
}

module attributes {stable_mosaic.version = 14 : i64} {
  func.func @_prep_body(%arg0: i32, %arg1: memref<1024x128xf32, #tpu.memory_space<vmem>>, %arg2: memref<2500x128xi32, #tpu.memory_space<vmem>>, %arg3: memref<2500x128xi32, #tpu.memory_space<vmem>>, %arg4: memref<128x1024xf32, #tpu.memory_space<vmem>>, %arg5: memref<2500x128xi32, #tpu.memory_space<vmem>>) attributes {dimension_semantics = [#tpu.dimension_semantics<arbitrary>], iteration_bounds = array<i64: 10>, scalar_prefetch = 0 : i64, scratch_operands = 0 : i64, tpu.core_type = #tpu.core_type<tc>, window_params = [{transform_indices = @transform_0, window_bounds = array<i64: 1024, 128>}, {pipeline_mode = #tpu.pipeline_mode<synchronous>, transform_indices = @transform_1, window_bounds = array<i64: 2500, 128>}, {pipeline_mode = #tpu.pipeline_mode<synchronous>, transform_indices = @transform_2, window_bounds = array<i64: 2500, 128>}, {transform_indices = @transform_3, window_bounds = array<i64: 128, 1024>}, {pipeline_mode = #tpu.pipeline_mode<synchronous>, transform_indices = @transform_4, window_bounds = array<i64: 2500, 128>}]} {
    %get3A = arith.constant 0 : index
    %get3A_0 = arith.constant 0 : index
    %get3A_1 = vector.load %arg1[%get3A, %get3A_0] : memref<1024x128xf32, #tpu.memory_space<vmem>>, vector<1024x128xf32>
    %transpose3A = tpu.transpose %get3A_1, [1, 0] : vector<1024x128xf32> -> vector<128x1024xf32>
    %swap3A = arith.constant 0 : index
    %swap3A_2 = arith.constant 0 : index
    %swap3A_3 = vector.load %arg4[%swap3A, %swap3A_2] : memref<128x1024xf32, #tpu.memory_space<vmem>>, vector<128x1024xf32>
    tpu.vector_store %arg4[%swap3A, %swap3A_2], %transpose3A {strides = array<i32>} : memref<128x1024xf32, #tpu.memory_space<vmem>>, vector<128x1024xf32>,
    %get3A_4 = arith.constant 0 : index
    %get3A_5 = arith.constant 0 : index
    %get3A_6 = vector.load %arg2[%get3A_4, %get3A_5] : memref<2500x128xi32, #tpu.memory_space<vmem>>, vector<2500x128xi32>
    %get3A_7 = arith.constant 0 : index
    %get3A_8 = arith.constant 0 : index
    %get3A_9 = vector.load %arg3[%get3A_7, %get3A_8] : memref<2500x128xi32, #tpu.memory_space<vmem>>, vector<2500x128xi32>
    %shift_left3A = arith.constant 14 : i32
    %shift_left3A_10 = vector.broadcast %shift_left3A : i32 to vector<2500x128xi32>
    %shift_left3A_11 = arith.shli %get3A_9, %shift_left3A_10 : vector<2500x128xi32>
    %or3A = arith.ori %get3A_6, %shift_left3A_11 : vector<2500x128xi32>
    %swap3A_12 = arith.constant 0 : index
    %swap3A_13 = arith.constant 0 : index
    %swap3A_14 = vector.load %arg5[%swap3A_12, %swap3A_13] : memref<2500x128xi32, #tpu.memory_space<vmem>>, vector<2500x128xi32>
    tpu.vector_store %arg5[%swap3A_12, %swap3A_13], %or3A {strides = array<i32>} : memref<2500x128xi32, #tpu.memory_space<vmem>>, vector<2500x128xi32>,
    return
  }
  func.func @transform_0(%arg0: i32) -> (i32, i32) {
    %c0_i32 = arith.constant 0 : i32
    %c0_i32_0 = arith.constant 0 : i32
    return %arg0, %c0_i32 : i32, i32
  }
  func.func @transform_1(%arg0: i32) -> (i32, i32) {
    %c0_i32 = arith.constant 0 : i32
    %c0_i32_0 = arith.constant 0 : i32
    %c0_i32_1 = arith.constant 0 : i32
    return %c0_i32, %c0_i32_0 : i32, i32
  }
  func.func @transform_2(%arg0: i32) -> (i32, i32) {
    %c0_i32 = arith.constant 0 : i32
    %c0_i32_0 = arith.constant 0 : i32
    %c0_i32_1 = arith.constant 0 : i32
    return %c0_i32, %c0_i32_0 : i32, i32
  }
  func.func @transform_3(%arg0: i32) -> (i32, i32) {
    %c0_i32 = arith.constant 0 : i32
    %c0_i32_0 = arith.constant 0 : i32
    return %c0_i32, %arg0 : i32, i32
  }
  func.func @transform_4(%arg0: i32) -> (i32, i32) {
    %c0_i32 = arith.constant 0 : i32
    %c0_i32_0 = arith.constant 0 : i32
    %c0_i32_1 = arith.constant 0 : i32
    return %c0_i32, %c0_i32_0 : i32, i32
  }
}

module attributes {stable_mosaic.version = 14 : i64} {
  func.func @_layer_body(%arg0: i32, %arg1: memref<1024x128xf32, #tpu.memory_space<vmem>>, %arg2: memref<1x128x1024xf32, #tpu.memory_space<vmem>>, %arg3: memref<128x64xf32, #tpu.memory_space<vmem>>, %arg4: memref<64xf32, #tpu.memory_space<vmem>>, %arg5: memref<64x64xf32, #tpu.memory_space<vmem>>, %arg6: memref<64xf32, #tpu.memory_space<vmem>>, %arg7: memref<1024x64xf32, #tpu.memory_space<vmem>>, %arg8: memref<1024xi32, #tpu.memory_space<vmem>>, %arg9: memref<1024xi32, #tpu.memory_space<vmem>>) attributes {dimension_semantics = [#tpu.dimension_semantics<arbitrary>], iteration_bounds = array<i64: 10>, scalar_prefetch = 0 : i64, scratch_operands = 0 : i64, tpu.core_type = #tpu.core_type<tc>, window_params = [{transform_indices = @transform_0, window_bounds = array<i64: 1024, 128>}, {transform_indices = @transform_1, window_bounds = array<i64: 1, 128, 1024>}, {pipeline_mode = #tpu.pipeline_mode<synchronous>, transform_indices = @transform_2, window_bounds = array<i64: 128, 64>}, {pipeline_mode = #tpu.pipeline_mode<synchronous>, transform_indices = @transform_3, window_bounds = array<i64: 64>}, {pipeline_mode = #tpu.pipeline_mode<synchronous>, transform_indices = @transform_4, window_bounds = array<i64: 64, 64>}, {pipeline_mode = #tpu.pipeline_mode<synchronous>, transform_indices = @transform_5, window_bounds = array<i64: 64>}, {transform_indices = @transform_6, window_bounds = array<i64: 1024, 64>}, {transform_indices = @transform_7, window_bounds = array<i64: 1024>}, {transform_indices = @transform_8, window_bounds = array<i64: 1024>}]} {
    %get3A = arith.constant 0 : index
    %get3A_0 = arith.constant 0 : index
    %get3A_1 = arith.constant 0 : index
    %get3A_2 = vector.load %arg2[%get3A, %get3A_0, %get3A_1] : memref<1x128x1024xf32, #tpu.memory_space<vmem>>, vector<1x128x1024xf32>
    %squeeze3A = vector.shape_cast %get3A_2 : vector<1x128x1024xf32> to vector<128x1024xf32>
    %get3A_3 = arith.constant 0 : index
    %get3A_4 = arith.constant 0 : index
    %get3A_5 = vector.load %arg1[%get3A_3, %get3A_4] : memref<1024x128xf32, #tpu.memory_space<vmem>>, vector<1024x128xf32>
    %mul3A = arith.constant 2.000000e+00 : f32
    %mul3A_6 = vector.broadcast %mul3A : f32 to vector<1024x128xf32>
    %mul3A_7 = arith.mulf %mul3A_6, %get3A_5 : vector<1024x128xf32>
    %transpose3A = tpu.transpose %squeeze3A, [1, 0] : vector<128x1024xf32> -> vector<1024x128xf32>
    %add3A = arith.addf %mul3A_7, %transpose3A : vector<1024x128xf32>
    %get3A_8 = arith.constant 0 : index
    %get3A_9 = arith.constant 0 : index
    %get3A_10 = vector.load %arg3[%get3A_8, %get3A_9] : memref<128x64xf32, #tpu.memory_space<vmem>>, vector<128x64xf32>
    %dot_general3A = arith.constant dense<0.000000e+00> : vector<1024x64xf32>
    %dot_general3A_11 = tpu.matmul %add3A, %get3A_10, %dot_general3A {dimension_numbers = #tpu.dot_dimension_numbers<[1], [0], [0], [1], [0, 0, 1, 1], [], []>, transpose_lhs_hint = false} : vector<1024x128xf32>, vector<128x64xf32>, vector<1024x64xf32> -> vector<1024x64xf32>
    %get3A_12 = arith.constant 0 : index
    %get3A_13 = vector.load %arg4[%get3A_12] : memref<64xf32, #tpu.memory_space<vmem>>, vector<64xf32>
    %broadcast_in_dim3A = vector.shape_cast %get3A_13 : vector<64xf32> to vector<1x64xf32>
    %add3A_14 = vector.broadcast %broadcast_in_dim3A : vector<1x64xf32> to vector<1024x64xf32>
    %add3A_15 = arith.addf %dot_general3A_11, %add3A_14 : vector<1024x64xf32>
    %max3A = arith.constant 0.000000e+00 : f32
    %max3A_16 = vector.broadcast %max3A : f32 to vector<1024x64xf32>
    %max3A_17 = arith.maximumf %add3A_15, %max3A_16 : vector<1024x64xf32>
    %get3A_18 = arith.constant 0 : index
    %get3A_19 = arith.constant 0 : index
    %get3A_20 = vector.load %arg5[%get3A_18, %get3A_19] : memref<64x64xf32, #tpu.memory_space<vmem>>, vector<64x64xf32>
    %dot_general3A_21 = arith.constant dense<0.000000e+00> : vector<1024x64xf32>
    %dot_general3A_22 = tpu.matmul %max3A_17, %get3A_20, %dot_general3A_21 {dimension_numbers = #tpu.dot_dimension_numbers<[1], [0], [0], [1], [0, 0, 1, 1], [], []>, transpose_lhs_hint = false} : vector<1024x64xf32>, vector<64x64xf32>, vector<1024x64xf32> -> vector<1024x64xf32>
    %get3A_23 = arith.constant 0 : index
    %get3A_24 = vector.load %arg6[%get3A_23] : memref<64xf32, #tpu.memory_space<vmem>>, vector<64xf32>
    %broadcast_in_dim3A_25 = vector.shape_cast %get3A_24 : vector<64xf32> to vector<1x64xf32>
    %add3A_26 = vector.broadcast %broadcast_in_dim3A_25 : vector<1x64xf32> to vector<1024x64xf32>
    %add3A_27 = arith.addf %dot_general3A_22, %add3A_26 : vector<1024x64xf32>
    %logistic3A = arith.negf %add3A_27 : vector<1024x64xf32>
    %logistic3A_28 = math.exp %logistic3A : vector<1024x64xf32>
    %logistic3A_29 = arith.constant 1.000000e+00 : f32
    %logistic3A_30 = vector.broadcast %logistic3A_29 : f32 to vector<1024x64xf32>
    %logistic3A_31 = arith.addf %logistic3A_30, %logistic3A_28 : vector<1024x64xf32>
    %logistic3A_32 = arith.divf %logistic3A_30, %logistic3A_31 : vector<1024x64xf32>
    %gt3A = arith.constant 5.000000e-01 : f32
    %gt3A_33 = vector.broadcast %gt3A : f32 to vector<1024x64xf32>
    %gt3A_34 = arith.cmpf ogt, %logistic3A_32, %gt3A_33 : vector<1024x64xf32>
    %convert_element_type3A = arith.extui %gt3A_34 : vector<1024x64xi1> to vector<1024x64xi32>
    %convert_element_type3A_35 = arith.sitofp %convert_element_type3A : vector<1024x64xi32> to vector<1024x64xf32>
    %swap3A = arith.constant 0 : index
    %swap3A_36 = arith.constant 0 : index
    %swap3A_37 = vector.load %arg7[%swap3A, %swap3A_36] : memref<1024x64xf32, #tpu.memory_space<vmem>>, vector<1024x64xf32>
    tpu.vector_store %arg7[%swap3A, %swap3A_36], %convert_element_type3A_35 {strides = array<i32>} : memref<1024x64xf32, #tpu.memory_space<vmem>>, vector<1024x64xf32>,
    %gt3A_38 = arith.constant 5.000000e-01 : f32
    %gt3A_39 = vector.broadcast %gt3A_38 : f32 to vector<1024x64xf32>
    %gt3A_40 = arith.cmpf ogt, %logistic3A_32, %gt3A_39 : vector<1024x64xf32>
    %convert_element_type3A_41 = arith.extui %gt3A_40 : vector<1024x64xi1> to vector<1024x64xi32>
    %iota3A = tpu.iota {dimensions = array<i32: 1>} : vector<1024x64xi32>
    %rem3A = arith.constant 32 : i32
    %rem3A_42 = vector.broadcast %rem3A : i32 to vector<1024x64xi32>
    %rem3A_43 = arith.remsi %iota3A, %rem3A_42 : vector<1024x64xi32>
    %shift_left3A = arith.shli %convert_element_type3A_41, %rem3A_43 : vector<1024x64xi32>
    %slice3A = vector.extract_strided_slice %shift_left3A {offsets = [0, 0], sizes = [1024, 32], strides = [1, 1]} : vector<1024x64xi32> to vector<1024x32xi32>
    %reduce_sum3A = arith.constant dense<0> : vector<1024xi32>
    %reduce_sum3A_44 = vector.multi_reduction <add>, %slice3A, %reduce_sum3A [1] : vector<1024x32xi32> to vector<1024xi32>
    %swap3A_45 = arith.constant 0 : index
    %swap3A_46 = vector.load %arg8[%swap3A_45] : memref<1024xi32, #tpu.memory_space<vmem>>, vector<1024xi32>
    tpu.vector_store %arg8[%swap3A_45], %reduce_sum3A_44 {strides = array<i32>} : memref<1024xi32, #tpu.memory_space<vmem>>, vector<1024xi32>,
    %slice3A_47 = vector.extract_strided_slice %shift_left3A {offsets = [0, 32], sizes = [1024, 32], strides = [1, 1]} : vector<1024x64xi32> to vector<1024x32xi32>
    %reduce_sum3A_48 = arith.constant dense<0> : vector<1024xi32>
    %reduce_sum3A_49 = vector.multi_reduction <add>, %slice3A_47, %reduce_sum3A_48 [1] : vector<1024x32xi32> to vector<1024xi32>
    %swap3A_50 = arith.constant 0 : index
    %swap3A_51 = vector.load %arg9[%swap3A_50] : memref<1024xi32, #tpu.memory_space<vmem>>, vector<1024xi32>
    tpu.vector_store %arg9[%swap3A_50], %reduce_sum3A_49 {strides = array<i32>} : memref<1024xi32, #tpu.memory_space<vmem>>, vector<1024xi32>,
    return
  }
  func.func @transform_0(%arg0: i32) -> (i32, i32) {
    %c0_i32 = arith.constant 0 : i32
    %c0_i32_0 = arith.constant 0 : i32
    return %arg0, %c0_i32 : i32, i32
  }
  func.func @transform_1(%arg0: i32) -> (i32, i32, i32) {
    %c0_i32 = arith.constant 0 : i32
    %c0_i32_0 = arith.constant 0 : i32
    %c0_i32_1 = arith.constant 0 : i32
    return %c0_i32, %c0_i32_0, %arg0 : i32, i32, i32
  }
  func.func @transform_2(%arg0: i32) -> (i32, i32) {
    %c0_i32 = arith.constant 0 : i32
    %c0_i32_0 = arith.constant 0 : i32
    %c0_i32_1 = arith.constant 0 : i32
    return %c0_i32, %c0_i32_0 : i32, i32
  }
  func.func @transform_3(%arg0: i32) -> i32 {
    %c0_i32 = arith.constant 0 : i32
    %c0_i32_0 = arith.constant 0 : i32
    return %c0_i32 : i32
  }
  func.func @transform_4(%arg0: i32) -> (i32, i32) {
    %c0_i32 = arith.constant 0 : i32
    %c0_i32_0 = arith.constant 0 : i32
    %c0_i32_1 = arith.constant 0 : i32
    return %c0_i32, %c0_i32_0 : i32, i32
  }
  func.func @transform_5(%arg0: i32) -> i32 {
    %c0_i32 = arith.constant 0 : i32
    %c0_i32_0 = arith.constant 0 : i32
    return %c0_i32 : i32
  }
  func.func @transform_6(%arg0: i32) -> (i32, i32) {
    %c0_i32 = arith.constant 0 : i32
    %c0_i32_0 = arith.constant 0 : i32
    return %arg0, %c0_i32 : i32, i32
  }
  func.func @transform_7(%arg0: i32) -> i32 {
    %c0_i32 = arith.constant 0 : i32
    return %arg0 : i32
  }
  func.func @transform_8(%arg0: i32) -> i32 {
    %c0_i32 = arith.constant 0 : i32
    return %arg0 : i32
  }
}

module attributes {stable_mosaic.version = 14 : i64} {
  func.func @_layer_body(%arg0: i32, %arg1: memref<1024x64xf32, #tpu.memory_space<vmem>>, %arg2: memref<2x64x1024xf32, #tpu.memory_space<vmem>>, %arg3: memref<64x64xf32, #tpu.memory_space<vmem>>, %arg4: memref<64xf32, #tpu.memory_space<vmem>>, %arg5: memref<64x64xf32, #tpu.memory_space<vmem>>, %arg6: memref<64xf32, #tpu.memory_space<vmem>>, %arg7: memref<1024x64xf32, #tpu.memory_space<vmem>>, %arg8: memref<1024xi32, #tpu.memory_space<vmem>>, %arg9: memref<1024xi32, #tpu.memory_space<vmem>>) attributes {dimension_semantics = [#tpu.dimension_semantics<arbitrary>], iteration_bounds = array<i64: 10>, scalar_prefetch = 0 : i64, scratch_operands = 0 : i64, tpu.core_type = #tpu.core_type<tc>, window_params = [{transform_indices = @transform_0, window_bounds = array<i64: 1024, 64>}, {transform_indices = @transform_1, window_bounds = array<i64: 2, 64, 1024>}, {pipeline_mode = #tpu.pipeline_mode<synchronous>, transform_indices = @transform_2, window_bounds = array<i64: 64, 64>}, {pipeline_mode = #tpu.pipeline_mode<synchronous>, transform_indices = @transform_3, window_bounds = array<i64: 64>}, {pipeline_mode = #tpu.pipeline_mode<synchronous>, transform_indices = @transform_4, window_bounds = array<i64: 64, 64>}, {pipeline_mode = #tpu.pipeline_mode<synchronous>, transform_indices = @transform_5, window_bounds = array<i64: 64>}, {transform_indices = @transform_6, window_bounds = array<i64: 1024, 64>}, {transform_indices = @transform_7, window_bounds = array<i64: 1024>}, {transform_indices = @transform_8, window_bounds = array<i64: 1024>}]} {
    %get3A = arith.constant 0 : index
    %get3A_0 = arith.constant 0 : index
    %get3A_1 = arith.constant 0 : index
    %get3A_2 = vector.load %arg2[%get3A, %get3A_0, %get3A_1] : memref<2x64x1024xf32, #tpu.memory_space<vmem>>, vector<2x64x1024xf32>
    %slice3A = vector.extract_strided_slice %get3A_2 {offsets = [0, 0, 0], sizes = [1, 64, 1024], strides = [1, 1, 1]} : vector<2x64x1024xf32> to vector<1x64x1024xf32>
    %squeeze3A = vector.shape_cast %slice3A : vector<1x64x1024xf32> to vector<64x1024xf32>
    %slice3A_3 = vector.extract_strided_slice %get3A_2 {offsets = [1, 0, 0], sizes = [1, 64, 1024], strides = [1, 1, 1]} : vector<2x64x1024xf32> to vector<1x64x1024xf32>
    %squeeze3A_4 = vector.shape_cast %slice3A_3 : vector<1x64x1024xf32> to vector<64x1024xf32>
    %add3A = arith.addf %squeeze3A, %squeeze3A_4 : vector<64x1024xf32>
    %get3A_5 = arith.constant 0 : index
    %get3A_6 = arith.constant 0 : index
    %get3A_7 = vector.load %arg1[%get3A_5, %get3A_6] : memref<1024x64xf32, #tpu.memory_space<vmem>>, vector<1024x64xf32>
    %mul3A = arith.constant 2.000000e+00 : f32
    %mul3A_8 = vector.broadcast %mul3A : f32 to vector<1024x64xf32>
    %mul3A_9 = arith.mulf %mul3A_8, %get3A_7 : vector<1024x64xf32>
    %transpose3A = tpu.transpose %add3A, [1, 0] : vector<64x1024xf32> -> vector<1024x64xf32>
    %add3A_10 = arith.addf %mul3A_9, %transpose3A : vector<1024x64xf32>
    %get3A_11 = arith.constant 0 : index
    %get3A_12 = arith.constant 0 : index
    %get3A_13 = vector.load %arg3[%get3A_11, %get3A_12] : memref<64x64xf32, #tpu.memory_space<vmem>>, vector<64x64xf32>
    %dot_general3A = arith.constant dense<0.000000e+00> : vector<1024x64xf32>
    %dot_general3A_14 = tpu.matmul %add3A_10, %get3A_13, %dot_general3A {dimension_numbers = #tpu.dot_dimension_numbers<[1], [0], [0], [1], [0, 0, 1, 1], [], []>, transpose_lhs_hint = false} : vector<1024x64xf32>, vector<64x64xf32>, vector<1024x64xf32> -> vector<1024x64xf32>
    %get3A_15 = arith.constant 0 : index
    %get3A_16 = vector.load %arg4[%get3A_15] : memref<64xf32, #tpu.memory_space<vmem>>, vector<64xf32>
    %broadcast_in_dim3A = vector.shape_cast %get3A_16 : vector<64xf32> to vector<1x64xf32>
    %add3A_17 = vector.broadcast %broadcast_in_dim3A : vector<1x64xf32> to vector<1024x64xf32>
    %add3A_18 = arith.addf %dot_general3A_14, %add3A_17 : vector<1024x64xf32>
    %max3A = arith.constant 0.000000e+00 : f32
    %max3A_19 = vector.broadcast %max3A : f32 to vector<1024x64xf32>
    %max3A_20 = arith.maximumf %add3A_18, %max3A_19 : vector<1024x64xf32>
    %get3A_21 = arith.constant 0 : index
    %get3A_22 = arith.constant 0 : index
    %get3A_23 = vector.load %arg5[%get3A_21, %get3A_22] : memref<64x64xf32, #tpu.memory_space<vmem>>, vector<64x64xf32>
    %dot_general3A_24 = arith.constant dense<0.000000e+00> : vector<1024x64xf32>
    %dot_general3A_25 = tpu.matmul %max3A_20, %get3A_23, %dot_general3A_24 {dimension_numbers = #tpu.dot_dimension_numbers<[1], [0], [0], [1], [0, 0, 1, 1], [], []>, transpose_lhs_hint = false} : vector<1024x64xf32>, vector<64x64xf32>, vector<1024x64xf32> -> vector<1024x64xf32>
    %get3A_26 = arith.constant 0 : index
    %get3A_27 = vector.load %arg6[%get3A_26] : memref<64xf32, #tpu.memory_space<vmem>>, vector<64xf32>
    %broadcast_in_dim3A_28 = vector.shape_cast %get3A_27 : vector<64xf32> to vector<1x64xf32>
    %add3A_29 = vector.broadcast %broadcast_in_dim3A_28 : vector<1x64xf32> to vector<1024x64xf32>
    %add3A_30 = arith.addf %dot_general3A_25, %add3A_29 : vector<1024x64xf32>
    %logistic3A = arith.negf %add3A_30 : vector<1024x64xf32>
    %logistic3A_31 = math.exp %logistic3A : vector<1024x64xf32>
    %logistic3A_32 = arith.constant 1.000000e+00 : f32
    %logistic3A_33 = vector.broadcast %logistic3A_32 : f32 to vector<1024x64xf32>
    %logistic3A_34 = arith.addf %logistic3A_33, %logistic3A_31 : vector<1024x64xf32>
    %logistic3A_35 = arith.divf %logistic3A_33, %logistic3A_34 : vector<1024x64xf32>
    %gt3A = arith.constant 5.000000e-01 : f32
    %gt3A_36 = vector.broadcast %gt3A : f32 to vector<1024x64xf32>
    %gt3A_37 = arith.cmpf ogt, %logistic3A_35, %gt3A_36 : vector<1024x64xf32>
    %convert_element_type3A = arith.extui %gt3A_37 : vector<1024x64xi1> to vector<1024x64xi32>
    %convert_element_type3A_38 = arith.sitofp %convert_element_type3A : vector<1024x64xi32> to vector<1024x64xf32>
    %swap3A = arith.constant 0 : index
    %swap3A_39 = arith.constant 0 : index
    %swap3A_40 = vector.load %arg7[%swap3A, %swap3A_39] : memref<1024x64xf32, #tpu.memory_space<vmem>>, vector<1024x64xf32>
    tpu.vector_store %arg7[%swap3A, %swap3A_39], %convert_element_type3A_38 {strides = array<i32>} : memref<1024x64xf32, #tpu.memory_space<vmem>>, vector<1024x64xf32>,
    %gt3A_41 = arith.constant 5.000000e-01 : f32
    %gt3A_42 = vector.broadcast %gt3A_41 : f32 to vector<1024x64xf32>
    %gt3A_43 = arith.cmpf ogt, %logistic3A_35, %gt3A_42 : vector<1024x64xf32>
    %convert_element_type3A_44 = arith.extui %gt3A_43 : vector<1024x64xi1> to vector<1024x64xi32>
    %iota3A = tpu.iota {dimensions = array<i32: 1>} : vector<1024x64xi32>
    %rem3A = arith.constant 32 : i32
    %rem3A_45 = vector.broadcast %rem3A : i32 to vector<1024x64xi32>
    %rem3A_46 = arith.remsi %iota3A, %rem3A_45 : vector<1024x64xi32>
    %shift_left3A = arith.shli %convert_element_type3A_44, %rem3A_46 : vector<1024x64xi32>
    %slice3A_47 = vector.extract_strided_slice %shift_left3A {offsets = [0, 0], sizes = [1024, 32], strides = [1, 1]} : vector<1024x64xi32> to vector<1024x32xi32>
    %reduce_sum3A = arith.constant dense<0> : vector<1024xi32>
    %reduce_sum3A_48 = vector.multi_reduction <add>, %slice3A_47, %reduce_sum3A [1] : vector<1024x32xi32> to vector<1024xi32>
    %swap3A_49 = arith.constant 0 : index
    %swap3A_50 = vector.load %arg8[%swap3A_49] : memref<1024xi32, #tpu.memory_space<vmem>>, vector<1024xi32>
    tpu.vector_store %arg8[%swap3A_49], %reduce_sum3A_48 {strides = array<i32>} : memref<1024xi32, #tpu.memory_space<vmem>>, vector<1024xi32>,
    %slice3A_51 = vector.extract_strided_slice %shift_left3A {offsets = [0, 32], sizes = [1024, 32], strides = [1, 1]} : vector<1024x64xi32> to vector<1024x32xi32>
    %reduce_sum3A_52 = arith.constant dense<0> : vector<1024xi32>
    %reduce_sum3A_53 = vector.multi_reduction <add>, %slice3A_51, %reduce_sum3A_52 [1] : vector<1024x32xi32> to vector<1024xi32>
    %swap3A_54 = arith.constant 0 : index
    %swap3A_55 = vector.load %arg9[%swap3A_54] : memref<1024xi32, #tpu.memory_space<vmem>>, vector<1024xi32>
    tpu.vector_store %arg9[%swap3A_54], %reduce_sum3A_53 {strides = array<i32>} : memref<1024xi32, #tpu.memory_space<vmem>>, vector<1024xi32>,
    return
  }
  func.func @transform_0(%arg0: i32) -> (i32, i32) {
    %c0_i32 = arith.constant 0 : i32
    %c0_i32_0 = arith.constant 0 : i32
    return %arg0, %c0_i32 : i32, i32
  }
  func.func @transform_1(%arg0: i32) -> (i32, i32, i32) {
    %c0_i32 = arith.constant 0 : i32
    %c0_i32_0 = arith.constant 0 : i32
    %c0_i32_1 = arith.constant 0 : i32
    return %c0_i32, %c0_i32_0, %arg0 : i32, i32, i32
  }
  func.func @transform_2(%arg0: i32) -> (i32, i32) {
    %c0_i32 = arith.constant 0 : i32
    %c0_i32_0 = arith.constant 0 : i32
    %c0_i32_1 = arith.constant 0 : i32
    return %c0_i32, %c0_i32_0 : i32, i32
  }
  func.func @transform_3(%arg0: i32) -> i32 {
    %c0_i32 = arith.constant 0 : i32
    %c0_i32_0 = arith.constant 0 : i32
    return %c0_i32 : i32
  }
  func.func @transform_4(%arg0: i32) -> (i32, i32) {
    %c0_i32 = arith.constant 0 : i32
    %c0_i32_0 = arith.constant 0 : i32
    %c0_i32_1 = arith.constant 0 : i32
    return %c0_i32, %c0_i32_0 : i32, i32
  }
  func.func @transform_5(%arg0: i32) -> i32 {
    %c0_i32 = arith.constant 0 : i32
    %c0_i32_0 = arith.constant 0 : i32
    return %c0_i32 : i32
  }
  func.func @transform_6(%arg0: i32) -> (i32, i32) {
    %c0_i32 = arith.constant 0 : i32
    %c0_i32_0 = arith.constant 0 : i32
    return %arg0, %c0_i32 : i32, i32
  }
  func.func @transform_7(%arg0: i32) -> i32 {
    %c0_i32 = arith.constant 0 : i32
    return %arg0 : i32
  }
  func.func @transform_8(%arg0: i32) -> i32 {
    %c0_i32 = arith.constant 0 : i32
    return %arg0 : i32
  }
}

module attributes {stable_mosaic.version = 14 : i64} {
  func.func @_layer2_head_body(%arg0: i32, %arg1: memref<1024x64xf32, #tpu.memory_space<vmem>>, %arg2: memref<2x64x1024xf32, #tpu.memory_space<vmem>>, %arg3: memref<64x64xf32, #tpu.memory_space<vmem>>, %arg4: memref<64xf32, #tpu.memory_space<vmem>>, %arg5: memref<64x64xf32, #tpu.memory_space<vmem>>, %arg6: memref<64xf32, #tpu.memory_space<vmem>>, %arg7: memref<1024x64xf32, #tpu.memory_space<vmem>>, %arg8: memref<576x64xf32, #tpu.memory_space<vmem>>, %arg9: memref<64xf32, #tpu.memory_space<vmem>>, %arg10: memref<64x16xf32, #tpu.memory_space<vmem>>, %arg11: memref<16xf32, #tpu.memory_space<vmem>>, %arg12: memref<1x16xf32, #tpu.memory_space<vmem>>, %arg13: memref<1x192xf32, #tpu.memory_space<vmem>>, %arg14: memref<1x192xf32, #tpu.memory_space<vmem>>) attributes {dimension_semantics = [#tpu.dimension_semantics<arbitrary>], iteration_bounds = array<i64: 10>, scalar_prefetch = 0 : i64, scratch_operands = 0 : i64, tpu.core_type = #tpu.core_type<tc>, window_params = [{transform_indices = @transform_0, window_bounds = array<i64: 1024, 64>}, {transform_indices = @transform_1, window_bounds = array<i64: 2, 64, 1024>}, {pipeline_mode = #tpu.pipeline_mode<synchronous>, transform_indices = @transform_2, window_bounds = array<i64: 64, 64>}, {pipeline_mode = #tpu.pipeline_mode<synchronous>, transform_indices = @transform_3, window_bounds = array<i64: 64>}, {pipeline_mode = #tpu.pipeline_mode<synchronous>, transform_indices = @transform_4, window_bounds = array<i64: 64, 64>}, {pipeline_mode = #tpu.pipeline_mode<synchronous>, transform_indices = @transform_5, window_bounds = array<i64: 64>}, {transform_indices = @transform_6, window_bounds = array<i64: 1024, 64>}, {pipeline_mode = #tpu.pipeline_mode<synchronous>, transform_indices = @transform_7, window_bounds = array<i64: 576, 64>}, {pipeline_mode = #tpu.pipeline_mode<synchronous>, transform_indices = @transform_8, window_bounds = array<i64: 64>}, {pipeline_mode = #tpu.pipeline_mode<synchronous>, transform_indices = @transform_9, window_bounds = array<i64: 64, 16>}, {pipeline_mode = #tpu.pipeline_mode<synchronous>, transform_indices = @transform_10, window_bounds = array<i64: 16>}, {pipeline_mode = #tpu.pipeline_mode<synchronous>, transform_indices = @transform_11, window_bounds = array<i64: 1, 16>}, {pipeline_mode = #tpu.pipeline_mode<synchronous>, transform_indices = @transform_12, window_bounds = array<i64: 1, 192>}, {pipeline_mode = #tpu.pipeline_mode<synchronous>, transform_indices = @transform_13, window_bounds = array<i64: 1, 192>}]} {
    %get3A = arith.constant 0 : index
    %get3A_0 = arith.constant 0 : index
    %get3A_1 = arith.constant 0 : index
    %get3A_2 = vector.load %arg2[%get3A, %get3A_0, %get3A_1] : memref<2x64x1024xf32, #tpu.memory_space<vmem>>, vector<2x64x1024xf32>
    %slice3A = vector.extract_strided_slice %get3A_2 {offsets = [0, 0, 0], sizes = [1, 64, 1024], strides = [1, 1, 1]} : vector<2x64x1024xf32> to vector<1x64x1024xf32>
    %squeeze3A = vector.shape_cast %slice3A : vector<1x64x1024xf32> to vector<64x1024xf32>
    %slice3A_3 = vector.extract_strided_slice %get3A_2 {offsets = [1, 0, 0], sizes = [1, 64, 1024], strides = [1, 1, 1]} : vector<2x64x1024xf32> to vector<1x64x1024xf32>
    %squeeze3A_4 = vector.shape_cast %slice3A_3 : vector<1x64x1024xf32> to vector<64x1024xf32>
    %add3A = arith.addf %squeeze3A, %squeeze3A_4 : vector<64x1024xf32>
    %get3A_5 = arith.constant 0 : index
    %get3A_6 = arith.constant 0 : index
    %get3A_7 = vector.load %arg1[%get3A_5, %get3A_6] : memref<1024x64xf32, #tpu.memory_space<vmem>>, vector<1024x64xf32>
    %mul3A = arith.constant 2.000000e+00 : f32
    %mul3A_8 = vector.broadcast %mul3A : f32 to vector<1024x64xf32>
    %mul3A_9 = arith.mulf %mul3A_8, %get3A_7 : vector<1024x64xf32>
    %transpose3A = tpu.transpose %add3A, [1, 0] : vector<64x1024xf32> -> vector<1024x64xf32>
    %add3A_10 = arith.addf %mul3A_9, %transpose3A : vector<1024x64xf32>
    %get3A_11 = arith.constant 0 : index
    %get3A_12 = arith.constant 0 : index
    %get3A_13 = vector.load %arg3[%get3A_11, %get3A_12] : memref<64x64xf32, #tpu.memory_space<vmem>>, vector<64x64xf32>
    %dot_general3A = arith.constant dense<0.000000e+00> : vector<1024x64xf32>
    %dot_general3A_14 = tpu.matmul %add3A_10, %get3A_13, %dot_general3A {dimension_numbers = #tpu.dot_dimension_numbers<[1], [0], [0], [1], [0, 0, 1, 1], [], []>, transpose_lhs_hint = false} : vector<1024x64xf32>, vector<64x64xf32>, vector<1024x64xf32> -> vector<1024x64xf32>
    %get3A_15 = arith.constant 0 : index
    %get3A_16 = vector.load %arg4[%get3A_15] : memref<64xf32, #tpu.memory_space<vmem>>, vector<64xf32>
    %broadcast_in_dim3A = vector.shape_cast %get3A_16 : vector<64xf32> to vector<1x64xf32>
    %add3A_17 = vector.broadcast %broadcast_in_dim3A : vector<1x64xf32> to vector<1024x64xf32>
    %add3A_18 = arith.addf %dot_general3A_14, %add3A_17 : vector<1024x64xf32>
    %max3A = arith.constant 0.000000e+00 : f32
    %max3A_19 = vector.broadcast %max3A : f32 to vector<1024x64xf32>
    %max3A_20 = arith.maximumf %add3A_18, %max3A_19 : vector<1024x64xf32>
    %get3A_21 = arith.constant 0 : index
    %get3A_22 = arith.constant 0 : index
    %get3A_23 = vector.load %arg5[%get3A_21, %get3A_22] : memref<64x64xf32, #tpu.memory_space<vmem>>, vector<64x64xf32>
    %dot_general3A_24 = arith.constant dense<0.000000e+00> : vector<1024x64xf32>
    %dot_general3A_25 = tpu.matmul %max3A_20, %get3A_23, %dot_general3A_24 {dimension_numbers = #tpu.dot_dimension_numbers<[1], [0], [0], [1], [0, 0, 1, 1], [], []>, transpose_lhs_hint = false} : vector<1024x64xf32>, vector<64x64xf32>, vector<1024x64xf32> -> vector<1024x64xf32>
    %get3A_26 = arith.constant 0 : index
    %get3A_27 = vector.load %arg6[%get3A_26] : memref<64xf32, #tpu.memory_space<vmem>>, vector<64xf32>
    %broadcast_in_dim3A_28 = vector.shape_cast %get3A_27 : vector<64xf32> to vector<1x64xf32>
    %add3A_29 = vector.broadcast %broadcast_in_dim3A_28 : vector<1x64xf32> to vector<1024x64xf32>
    %add3A_30 = arith.addf %dot_general3A_25, %add3A_29 : vector<1024x64xf32>
    %logistic3A = arith.negf %add3A_30 : vector<1024x64xf32>
    %logistic3A_31 = math.exp %logistic3A : vector<1024x64xf32>
    %logistic3A_32 = arith.constant 1.000000e+00 : f32
    %logistic3A_33 = vector.broadcast %logistic3A_32 : f32 to vector<1024x64xf32>
    %logistic3A_34 = arith.addf %logistic3A_33, %logistic3A_31 : vector<1024x64xf32>
    %logistic3A_35 = arith.divf %logistic3A_33, %logistic3A_34 : vector<1024x64xf32>
    %gt3A = arith.constant 5.000000e-01 : f32
    %gt3A_36 = vector.broadcast %gt3A : f32 to vector<1024x64xf32>
    %gt3A_37 = arith.cmpf ogt, %logistic3A_35, %gt3A_36 : vector<1024x64xf32>
    %convert_element_type3A = arith.extui %gt3A_37 : vector<1024x64xi1> to vector<1024x64xi32>
    %convert_element_type3A_38 = arith.sitofp %convert_element_type3A : vector<1024x64xi32> to vector<1024x64xf32>
    %get3A_39 = arith.constant 0 : index
    %get3A_40 = arith.constant 0 : index
    %get3A_41 = vector.load %arg7[%get3A_39, %get3A_40] : memref<1024x64xf32, #tpu.memory_space<vmem>>, vector<1024x64xf32>
    %get3A_42 = arith.constant 0 : index
    %get3A_43 = arith.constant 0 : index
    %get3A_44 = vector.load %arg1[%get3A_42, %get3A_43] : memref<1024x64xf32, #tpu.memory_space<vmem>>, vector<1024x64xf32>
    %concatenate3A = tpu.concatenate %get3A_41, %get3A_44, %convert_element_type3A_38 in 1 : vector<1024x64xf32>, vector<1024x64xf32>, vector<1024x64xf32> -> vector<1024x192xf32>
    %mul3A_45 = arith.constant 1024 : i32
    %mul3A_46 = arith.muli %arg0, %mul3A_45 : i32
    %iota3A = tpu.iota {dimensions = array<i32: 0>} : vector<1024x192xi32>
    %add3A_47 = vector.broadcast %mul3A_46 : i32 to vector<1024x192xi32>
    %add3A_48 = arith.addi %add3A_47, %iota3A : vector<1024x192xi32>
    %lt3A = arith.constant 10000 : i32
    %lt3A_49 = vector.broadcast %lt3A : i32 to vector<1024x192xi32>
    %lt3A_50 = arith.cmpi slt, %add3A_48, %lt3A_49 : vector<1024x192xi32>
    %jit3A = arith.constant 0.000000e+00 : f32
    %broadcast_in_dim3A_51 = vector.broadcast %jit3A : f32 to vector<1024x192xf32>
    %select_n3A = arith.select %lt3A_50, %concatenate3A, %broadcast_in_dim3A_51 : vector<1024x192xi1>, vector<1024x192xf32>
    %jit3A_52 = arith.constant 0xFF800000 : f32
    %broadcast_in_dim3A_53 = vector.broadcast %jit3A_52 : f32 to vector<1024x192xf32>
    %select_n3A_54 = arith.select %lt3A_50, %concatenate3A, %broadcast_in_dim3A_53 : vector<1024x192xi1>, vector<1024x192xf32>
    %reduce_sum3A = arith.constant dense<0.000000e+00> : vector<192xf32>
    %reduce_sum3A_55 = vector.multi_reduction <add>, %select_n3A, %reduce_sum3A [0] : vector<1024x192xf32> to vector<192xf32>
    %broadcast_in_dim3A_56 = vector.shape_cast %reduce_sum3A_55 : vector<192xf32> to vector<1x192xf32>
    %reduce_max3A = arith.constant dense<0xFF800000> : vector<192xf32>
    %reduce_max3A_57 = vector.multi_reduction <maximumf>, %select_n3A_54, %reduce_max3A [0] : vector<1024x192xf32> to vector<192xf32>
    %broadcast_in_dim3A_58 = vector.shape_cast %reduce_max3A_57 : vector<192xf32> to vector<1x192xf32>
    %eq3A = arith.constant 0 : i32
    %eq3A_59 = arith.cmpi eq, %arg0, %eq3A : i32
    %convert_element_type3A_60 = arith.extui %eq3A_59 : i1 to i32
    %cond3A = arith.constant 0 : i32
    %cond3A_61 = arith.cmpi ne, %convert_element_type3A_60, %cond3A : i32
    scf.if %cond3A_61 {
      %swap3A = arith.constant 0 : index
      %swap3A_72 = arith.constant 0 : index
      %swap3A_73 = vector.load %arg13[%swap3A, %swap3A_72] : memref<1x192xf32, #tpu.memory_space<vmem>>, vector<1x192xf32>
      tpu.vector_store %arg13[%swap3A, %swap3A_72], %broadcast_in_dim3A_56 {strides = array<i32>} : memref<1x192xf32, #tpu.memory_space<vmem>>, vector<1x192xf32>,
      %swap3A_74 = arith.constant 0 : index
      %swap3A_75 = arith.constant 0 : index
      %swap3A_76 = vector.load %arg14[%swap3A_74, %swap3A_75] : memref<1x192xf32, #tpu.memory_space<vmem>>, vector<1x192xf32>
      tpu.vector_store %arg14[%swap3A_74, %swap3A_75], %broadcast_in_dim3A_58 {strides = array<i32>} : memref<1x192xf32, #tpu.memory_space<vmem>>, vector<1x192xf32>,
    } else {
    }
    %gt3A_62 = arith.constant 0 : i32
    %gt3A_63 = arith.cmpi sgt, %arg0, %gt3A_62 : i32
    %convert_element_type3A_64 = arith.extui %gt3A_63 : i1 to i32
    %cond3A_65 = arith.constant 0 : i32
    %cond3A_66 = arith.cmpi ne, %convert_element_type3A_64, %cond3A_65 : i32
    scf.if %cond3A_66 {
      %get3A_72 = arith.constant 0 : index
      %get3A_73 = arith.constant 0 : index
      %get3A_74 = vector.load %arg13[%get3A_72, %get3A_73] : memref<1x192xf32, #tpu.memory_space<vmem>>, vector<1x192xf32>
      %add3A_75 = arith.addf %get3A_74, %broadcast_in_dim3A_56 : vector<1x192xf32>
      %swap3A = arith.constant 0 : index
      %swap3A_76 = arith.constant 0 : index
      %swap3A_77 = vector.load %arg13[%swap3A, %swap3A_76] : memref<1x192xf32, #tpu.memory_space<vmem>>, vector<1x192xf32>
      tpu.vector_store %arg13[%swap3A, %swap3A_76], %add3A_75 {strides = array<i32>} : memref<1x192xf32, #tpu.memory_space<vmem>>, vector<1x192xf32>,
      %get3A_78 = arith.constant 0 : index
      %get3A_79 = arith.constant 0 : index
      %get3A_80 = vector.load %arg14[%get3A_78, %get3A_79] : memref<1x192xf32, #tpu.memory_space<vmem>>, vector<1x192xf32>
      %max3A_81 = arith.maximumf %get3A_80, %broadcast_in_dim3A_58 : vector<1x192xf32>
      %swap3A_82 = arith.constant 0 : index
      %swap3A_83 = arith.constant 0 : index
      %swap3A_84 = vector.load %arg14[%swap3A_82, %swap3A_83] : memref<1x192xf32, #tpu.memory_space<vmem>>, vector<1x192xf32>
      tpu.vector_store %arg14[%swap3A_82, %swap3A_83], %max3A_81 {strides = array<i32>} : memref<1x192xf32, #tpu.memory_space<vmem>>, vector<1x192xf32>,
    } else {
    }
    %eq3A_67 = arith.constant 9 : i32
    %eq3A_68 = arith.cmpi eq, %arg0, %eq3A_67 : i32
    %convert_element_type3A_69 = arith.extui %eq3A_68 : i1 to i32
    %cond3A_70 = arith.constant 0 : i32
    %cond3A_71 = arith.cmpi ne, %convert_element_type3A_69, %cond3A_70 : i32
    scf.if %cond3A_71 {
      %get3A_72 = arith.constant 0 : index
      %get3A_73 = arith.constant 0 : index
      %get3A_74 = vector.load %arg13[%get3A_72, %get3A_73] : memref<1x192xf32, #tpu.memory_space<vmem>>, vector<1x192xf32>
      %div3A = arith.constant 1.000000e+04 : f32
      %div3A_75 = vector.broadcast %div3A : f32 to vector<1x192xf32>
      %div3A_76 = arith.divf %get3A_74, %div3A_75 : vector<1x192xf32>
      %get3A_77 = arith.constant 0 : index
      %get3A_78 = arith.constant 0 : index
      %get3A_79 = vector.load %arg14[%get3A_77, %get3A_78] : memref<1x192xf32, #tpu.memory_space<vmem>>, vector<1x192xf32>
      %concatenate3A_80 = tpu.concatenate %div3A_76, %get3A_79, %get3A_74 in 1 : vector<1x192xf32>, vector<1x192xf32>, vector<1x192xf32> -> vector<1x576xf32>
      %get3A_81 = arith.constant 0 : index
      %get3A_82 = arith.constant 0 : index
      %get3A_83 = vector.load %arg8[%get3A_81, %get3A_82] : memref<576x64xf32, #tpu.memory_space<vmem>>, vector<576x64xf32>
      %dot_general3A_84 = arith.constant dense<0.000000e+00> : vector<1x64xf32>
      %dot_general3A_85 = tpu.matmul %concatenate3A_80, %get3A_83, %dot_general3A_84 {dimension_numbers = #tpu.dot_dimension_numbers<[1], [0], [0], [1], [0, 0, 1, 1], [], []>, transpose_lhs_hint = false} : vector<1x576xf32>, vector<576x64xf32>, vector<1x64xf32> -> vector<1x64xf32>
      %get3A_86 = arith.constant 0 : index
      %get3A_87 = vector.load %arg9[%get3A_86] : memref<64xf32, #tpu.memory_space<vmem>>, vector<64xf32>
      %broadcast_in_dim3A_88 = vector.shape_cast %get3A_87 : vector<64xf32> to vector<1x64xf32>
      %add3A_89 = arith.addf %dot_general3A_85, %broadcast_in_dim3A_88 : vector<1x64xf32>
      %max3A_90 = arith.constant 0.000000e+00 : f32
      %max3A_91 = vector.broadcast %max3A_90 : f32 to vector<1x64xf32>
      %max3A_92 = arith.maximumf %add3A_89, %max3A_91 : vector<1x64xf32>
      %get3A_93 = arith.constant 0 : index
      %get3A_94 = arith.constant 0 : index
      %get3A_95 = vector.load %arg10[%get3A_93, %get3A_94] : memref<64x16xf32, #tpu.memory_space<vmem>>, vector<64x16xf32>
      %dot_general3A_96 = arith.constant dense<0.000000e+00> : vector<1x16xf32>
      %dot_general3A_97 = tpu.matmul %max3A_92, %get3A_95, %dot_general3A_96 {dimension_numbers = #tpu.dot_dimension_numbers<[1], [0], [0], [1], [0, 0, 1, 1], [], []>, transpose_lhs_hint = false} : vector<1x64xf32>, vector<64x16xf32>, vector<1x16xf32> -> vector<1x16xf32>
      %get3A_98 = arith.constant 0 : index
      %get3A_99 = vector.load %arg11[%get3A_98] : memref<16xf32, #tpu.memory_space<vmem>>, vector<16xf32>
      %broadcast_in_dim3A_100 = vector.shape_cast %get3A_99 : vector<16xf32> to vector<1x16xf32>
      %add3A_101 = arith.addf %dot_general3A_97, %broadcast_in_dim3A_100 : vector<1x16xf32>
      %logistic3A_102 = arith.negf %add3A_101 : vector<1x16xf32>
      %logistic3A_103 = math.exp %logistic3A_102 : vector<1x16xf32>
      %logistic3A_104 = arith.constant 1.000000e+00 : f32
      %logistic3A_105 = vector.broadcast %logistic3A_104 : f32 to vector<1x16xf32>
      %logistic3A_106 = arith.addf %logistic3A_105, %logistic3A_103 : vector<1x16xf32>
      %logistic3A_107 = arith.divf %logistic3A_105, %logistic3A_106 : vector<1x16xf32>
      %swap3A = arith.constant 0 : index
      %swap3A_108 = arith.constant 0 : index
      %swap3A_109 = vector.load %arg12[%swap3A, %swap3A_108] : memref<1x16xf32, #tpu.memory_space<vmem>>, vector<1x16xf32>
      tpu.vector_store %arg12[%swap3A, %swap3A_108], %logistic3A_107 {strides = array<i32>} : memref<1x16xf32, #tpu.memory_space<vmem>>, vector<1x16xf32>,
    } else {
    }
    return
  }
  func.func @transform_0(%arg0: i32) -> (i32, i32) {
    %c0_i32 = arith.constant 0 : i32
    %c0_i32_0 = arith.constant 0 : i32
    return %arg0, %c0_i32 : i32, i32
  }
  func.func @transform_1(%arg0: i32) -> (i32, i32, i32) {
    %c0_i32 = arith.constant 0 : i32
    %c0_i32_0 = arith.constant 0 : i32
    %c0_i32_1 = arith.constant 0 : i32
    return %c0_i32, %c0_i32_0, %arg0 : i32, i32, i32
  }
  func.func @transform_2(%arg0: i32) -> (i32, i32) {
    %c0_i32 = arith.constant 0 : i32
    %c0_i32_0 = arith.constant 0 : i32
    %c0_i32_1 = arith.constant 0 : i32
    return %c0_i32, %c0_i32_0 : i32, i32
  }
  func.func @transform_3(%arg0: i32) -> i32 {
    %c0_i32 = arith.constant 0 : i32
    %c0_i32_0 = arith.constant 0 : i32
    return %c0_i32 : i32
  }
  func.func @transform_4(%arg0: i32) -> (i32, i32) {
    %c0_i32 = arith.constant 0 : i32
    %c0_i32_0 = arith.constant 0 : i32
    %c0_i32_1 = arith.constant 0 : i32
    return %c0_i32, %c0_i32_0 : i32, i32
  }
  func.func @transform_5(%arg0: i32) -> i32 {
    %c0_i32 = arith.constant 0 : i32
    %c0_i32_0 = arith.constant 0 : i32
    return %c0_i32 : i32
  }
  func.func @transform_6(%arg0: i32) -> (i32, i32) {
    %c0_i32 = arith.constant 0 : i32
    %c0_i32_0 = arith.constant 0 : i32
    return %arg0, %c0_i32 : i32, i32
  }
  func.func @transform_7(%arg0: i32) -> (i32, i32) {
    %c0_i32 = arith.constant 0 : i32
    %c0_i32_0 = arith.constant 0 : i32
    %c0_i32_1 = arith.constant 0 : i32
    return %c0_i32, %c0_i32_0 : i32, i32
  }
  func.func @transform_8(%arg0: i32) -> i32 {
    %c0_i32 = arith.constant 0 : i32
    %c0_i32_0 = arith.constant 0 : i32
    return %c0_i32 : i32
  }
  func.func @transform_9(%arg0: i32) -> (i32, i32) {
    %c0_i32 = arith.constant 0 : i32
    %c0_i32_0 = arith.constant 0 : i32
    %c0_i32_1 = arith.constant 0 : i32
    return %c0_i32, %c0_i32_0 : i32, i32
  }
  func.func @transform_10(%arg0: i32) -> i32 {
    %c0_i32 = arith.constant 0 : i32
    %c0_i32_0 = arith.constant 0 : i32
    return %c0_i32 : i32
  }
  func.func @transform_11(%arg0: i32) -> (i32, i32) {
    %c0_i32 = arith.constant 0 : i32
    %c0_i32_0 = arith.constant 0 : i32
    %c0_i32_1 = arith.constant 0 : i32
    return %c0_i32, %c0_i32_0 : i32, i32
  }
  func.func @transform_12(%arg0: i32) -> (i32, i32) {
    %c0_i32 = arith.constant 0 : i32
    %c0_i32_0 = arith.constant 0 : i32
    %c0_i32_1 = arith.constant 0 : i32
    return %c0_i32, %c0_i32_0 : i32, i32
  }
  func.func @transform_13(%arg0: i32) -> (i32, i32) {
    %c0_i32 = arith.constant 0 : i32
    %c0_i32_0 = arith.constant 0 : i32
    %c0_i32_1 = arith.constant 0 : i32
    return %c0_i32, %c0_i32_0 : i32, i32
  }
}

</mosaic_0001>

<sc_bundles>
// kernel: kernel.12.cloned.1.call-start
scs
__scs_entry_jumppad:
0x0: {  	(pc) =	sbr.rel $0x88, $3  }
0x1: {  	(tag) =	ssettag $0x0;
	lr =	simm.s32 $0x1  }
0x2: {  	[smem:$0x3F8F] =	sst lr;
	_ =	strace $0xD0000000  }
0x3: {  	_ = 	snop  }
0x4: {  	_ = 	snop  }
0x5: {  	_ = 	snop  }
0x6: {  	_ = 	snop  }
0x7: {  	_ = 	snop  }
__scs_overlays_trampoline_lowered:
0x8: {  	[smem:$0x3F9E] =	sst s0  }
0x9: {  	[smem:$0x3F9F] =	sst s1  }
0xa: {  	[smem:$0x3FA0] =	sst s2  }
0xb: {  	[smem:$0x3FA1] =	sst s3  }
0xc: {  	[smem:$0x3FA2] =	sst s4  }
0xd: {  	[smem:$0x3FA3] =	sst s5  }
0xe: {  	[smem:$0x3FA4] =	sst s6  }
0xf: {  	[smem:$0x3FA5] =	sst s7  }
0x10: {  	[smem:$0x3FA6] =	sst s8  }
0x11: {  	[smem:$0x3FA7] =	sst s9;
	s0 =	simm.s32 @!p0 $0x0  }
0x12: {  	s1 =	sld [smem:$0x3F8D];
	s0 =	simm.s32 @p0 $0x1  }
0x13: {  	[smem:$0x3FA8] =	sst s0;
	s0 =	simm.s32 @!p1 $0x0  }
0x14: {  	s2 =	sld [smem:$0x3F8C];
	s0 =	simm.s32 @p1 $0x1  }
0x15: {  	[smem:$0x3FA9] =	sst s0;
	s0 =	simm.s32 @!p2 $0x0  }
0x16: {  	s3 =	sld [smem:$0x3FDB];
	s0 =	simm.s32 @p2 $0x1  }
0x17: {  	s4 =	simm.s32 $0x1BF5;
	[smem:$0x3FAB] =	sst s0  }
0x18: {  	s0 =	sld [smem:$0x3F8E];
	_ =	swait.ge [sflag:s4], $0x0  }
0x19: {  	s7 =	sld [smem:$0x3F8F]  }
0x1a: {  	s8 =	sadd.s32 $0xFFFFE003, lr  }
0x1b: {  	s9 =	sadd.s32 $0xFFFFFEF7, lr;
	s5 =	simm.s32 $0xFFFFFFFF;
	p2 =	slt.u32 s8, $0xFFFFF086  }
0x1c: {  	p1 =	slt.u32 s9, $0xF7A;
	s5 =	simm.s32 @!p2 $0x0  }
0x1d: {  	s5 =	simm.s32 @p1 $0x1;
	p0 =	seq.s32 s7, s2  }
0x1e: {  	s7 =	smul.u32 @!p0 $0xF7A, s2;
	p2 =	seq.s32 @!p0 s5, $0x0  }
0x1f: {  	s9 =	smul.u32 $0xF7A, s1;
	s8 =	simm.s32 @!p0 $0x1BF5;
	p2 =	por !p2, p0  }
0x20: {  	[sflag:s8] =	ssyncset.s32 @!p0 $0xFFFFF086;
	s6 =	sadd.s32 @!p0 s3, s7;
	s7 =	simm.s32 @!p0 $0x108  }
0x21: {  	s3 =	sadd.s32 s3, s9;
	s6 =	sadd.s32 @!p0 $0x88, s6;
	s7 =	simm.s32 @p2 $0x1082  }
0x22: {  	[simem:s7], [sflag:s8] =	dma.local @!p0 [hbm:s6], $0xF7A  }
0x23: {  	s9 =	sor.u32 $0xD0000000, s2;
	s6 =	simm.s32 $0x108;
	_ =	swait.ge @!p0 [sflag:s8], $0x0  }
0x24: {  	s3 =	sadd.s32 $0x88, s3;
	s6 =	simm.s32 @!p1 $0x1082;
	[sflag:s4] =	ssyncset.s32 $0xFFFFF086  }
0x25: {  	[simem:s6], [sflag:s4] =	dma.local [hbm:s3], $0xF7A  }
0x26: {  	[smem:$0x3F8F] =	sst s1;
	(tag) =	ssettag s2;
	_ =	strace s9  }
0x27: {  	s1 =	sld [smem:$0x3F9F]  }
0x28: {  	s2 =	sld [smem:$0x3FA0]  }
0x29: {  	s4 =	sld [smem:$0x3FA2]  }
0x2a: {  	p0 =	seq.s32 s5, $0x0;
	s5 =	sld [smem:$0x3FA3]  }
0x2b: {  	s6 =	sld [smem:$0x3FA4]  }
0x2c: {  	s7 =	sld [smem:$0x3FA5]  }
0x2d: {  	s3 =	simm.s32 $0x108;
	s8 =	sld [smem:$0x3FA6]  }
0x2e: {  	s3 =	simm.s32 @!p0 $0x1082;
	s9 =	sld [smem:$0x3FA7]  }
0x2f: {  	lr =	sadd.s32 s0, s3;
	s0 =	sld [smem:$0x3F9E]  }
0x30: {  	s3 =	sld [smem:$0x3FA1]  }
0x31: {  	[smem:$0x3FAA] =	sst s10  }
0x32: {  	s10 =	sld [smem:$0x3FA8];
	_ =	sdelay $0x3  }
0x33: {  	p0 =	seq.s32 s10, $0x1;
	s10 =	sld [smem:$0x3FAA];
	_ =	sdelay $0x3  }
0x34: {  	[smem:$0x3FAA] =	sst s10  }
0x35: {  	s10 =	sld [smem:$0x3FA9];
	_ =	sdelay $0x3  }
0x36: {  	p1 =	seq.s32 s10, $0x1;
	s10 =	sld [smem:$0x3FAA];
	_ =	sdelay $0x3  }
0x37: {  	[smem:$0x3FAA] =	sst s10  }
0x38: {  	s10 =	sld [smem:$0x3FAB]  }
0x39: {  	_ = 	snop;
	(pc) =	sbr.ind lr, $3  }
0x3a: {  	_ = 	snop  }
0x3b: {  	_ = 	snop  }
0x3c: {  	p2 =	seq.s32 s10, $0x1;
	s10 =	sld [smem:$0x3FAA]  }
0x3d: {  	_ =	shalt  }
0x3e: {  	_ =	shalt  }
0x3f: {  	_ =	shalt  }
0x40: {  	_ =	shalt  }
0x41: {  	_ =	shalt  }
0x42: {  	_ =	shalt  }
0x43: {  	_ =	shalt  }
0x44: {  	_ =	shalt  }
0x45: {  	_ =	shalt  }
0x46: {  	_ =	shalt  }
0x47: {  	_ =	shalt  }
0x48: {  	_ =	shalt  }
0x49: {  	_ =	shalt  }
0x4a: {  	_ =	shalt  }
0x4b: {  	_ =	shalt  }
0x4c: {  	_ =	shalt  }
0x4d: {  	_ =	shalt  }
0x4e: {  	_ =	shalt  }
0x4f: {  	_ =	shalt  }
0x50: {  	_ =	shalt  }
0x51: {  	_ =	shalt  }
0x52: {  	_ =	shalt  }
0x53: {  	_ =	shalt  }
0x54: {  	_ =	shalt  }
0x55: {  	_ =	shalt  }
0x56: {  	_ =	shalt  }
0x57: {  	_ =	shalt  }
0x58: {  	_ =	shalt  }
0x59: {  	_ =	shalt  }
0x5a: {  	_ =	shalt  }
0x5b: {  	_ =	shalt  }
0x5c: {  	_ =	shalt  }
0x5d: {  	_ =	shalt  }
0x5e: {  	_ =	shalt  }
0x5f: {  	_ =	shalt  }
0x60: {  	_ =	shalt  }
0x61: {  	_ =	shalt  }
0x62: {  	_ =	shalt  }
0x63: {  	_ =	shalt  }
0x64: {  	_ =	shalt  }
0x65: {  	_ =	shalt  }
0x66: {  	_ =	shalt  }
0x67: {  	_ =	shalt  }
0x68: {  	_ =	shalt  }
0x69: {  	_ =	shalt  }
0x6a: {  	_ =	shalt  }
0x6b: {  	_ =	shalt  }
0x6c: {  	_ =	shalt  }
0x6d: {  	_ =	shalt  }
0x6e: {  	_ =	shalt  }
0x6f: {  	_ =	shalt  }
0x70: {  	_ =	shalt  }
0x71: {  	_ =	shalt  }
0x72: {  	_ =	shalt  }
0x73: {  	_ =	shalt  }
0x74: {  	_ =	shalt  }
0x75: {  	_ =	shalt  }
0x76: {  	_ =	shalt  }
0x77: {  	_ =	shalt  }
0x78: {  	_ =	shalt  }
0x79: {  	_ =	shalt  }
0x7a: {  	_ =	shalt  }
0x7b: {  	_ =	shalt  }
0x7c: {  	_ =	shalt  }
0x7d: {  	_ =	shalt  }
0x7e: {  	_ =	shalt  }
0x7f: {  	_ =	shalt  }
0x80: {  	_ =	shalt  }
0x81: {  	_ =	shalt  }
0x82: {  	_ =	shalt  }
0x83: {  	_ =	shalt  }
0x84: {  	_ =	shalt  }
0x85: {  	_ =	shalt  }
0x86: {  	_ =	shalt  }
0x87: {  	_ =	shalt  }
.Lfunc_end0:
.L_simem_size_0:
called_computation.1_lowered:
.L_overlay_start_0:
0x88: {  	s2 =	sld [smem:$0x3FD9]  }
0x89: {  	s3 =	sld [smem:$0x3FFE];
	_ =	sdelay $0x1  }
0x8a: {  	s1 =	srdreg.scid  }
0x8b: {  	s0 =	sand.u32 $0x1, s1  }
0x8c: {  	s16 =	sshll.u32 s0, $0xA;
	s2 =	sadd.s32 s3, s2  }
0x8d: {  	s2 =	sadd.s32 s2, s16  }
0x8e: {  	[smem:$0x3FB6] =	sst s2  }
0x8f: {  	_ = 	snop  }
0x90: {  	(tm) =	ssettm $0x1  }
0x91: {  	s17 =	sld [smem:$0x3FFB];
	_ =	sdelay $0x3  }
0x92: {  	_ =	strace s17  }
0x93: {  	s2 =	sld [smem:$0x3FFC];
	_ =	sdelay $0x3  }
0x94: {  	_ =	strace s2  }
0x95: {  	s2 =	sld [smem:$0x3FFD];
	_ =	sdelay $0x3  }
0x96: {  	_ =	strace s2  }
0x97: {  	_ =	strace $0x8FFFFFFF  }
0x98: {  	s18 =	sld [smem:$0x3FDB];
	_ =	sdelay $0x1  }
0x99: {  	s19 =	simm.s32 $_scs_section_size  }
0x9a: {  	s4 =	simm.s32 $_size__tile_overlayer_lowered;
	s5 =	simm.s32 $_tile_overlayer_lowered  }
0x9b: {  	s22 =	simm.s32 $0x1BFF;
	s21 =	sshll.u32 s5, $0x1;
	s2 =	sadd.s32 s19, s18  }
0x9c: {  	s6 =	simm.s32 $0x0;
	s20 =	sshll.u32 s4, $0x1;
	s4 =	sadd.s32 s21, s2  }
0x9d: {  	[timem:s6], [sflag:s22] =	dma.local [hbm:s4], s20  }
0x9e: {  	_ =	swait.ge [sflag:s22], s20  }
0x9f: {  	s3 =	ssub.s32 $0x0, s20;
	[sflag:s22] =	ssyncset.done $0x0  }
0xa0: {  	[sflag:s22] =	ssyncadd.s32 s3;
	_ =	sdelay $0x1  }
0xa1: {  	s23 =	simm.s32 $0x1B8B  }
0xa2: {  	_ =	swait.ge [sflag:s23], $0x1  }
0xa3: {  	[sflag:s23] =	ssyncset.done $0x0  }
0xa4: {  	s25 =	simm.s32 $0x1B8E;
	s24 =	sld [smem:$0x3FFE];
	[sflag:s23] =	ssyncadd.s32 $0xFFFFFFFF  }
0xa5: {  	s26 =	simm.s32 $execute0_lowered;
	[smem:$0x3FD2] =	sst s25  }
0xa6: {  	s4 =	sshll.u32 s26, $0x1;
	_ =	strace $0x80000049;
	[dreg:$0x1] =	wrdreg $0xFFFFFFFF  }
0xa7: {  	s28 =	simm.s32 $_size_execute0_lowered;
	s2 =	sadd.s32 s2, s4;
	[dreg:$0x0] =	wrdreg $0x0  }
0xa8: {  	s4 =	sshll.u32 s28, $0x1;
	[dreg:$0x2] =	wrdreg s2  }
0xa9: {  	[dreg:$0x3] =	wrdreg s4  }
0xaa: {  	[dreg:$0x4] =	wrdreg $0xC0  }
0xab: {  	_ =	task [dreg:s6], $0x5FFFF  }
0xac: {  	[dreg:$0x1] =	wrdreg $0xFFFFFFFF  }
0xad: {  	[dreg:$0x0] =	wrdreg $0x60  }
0xae: {  	[dreg:$0x2] =	wrdreg s24  }
0xaf: {  	[dreg:$0x3] =	wrdreg $0x9  }
0xb0: {  	_ =	task.clear_ibuf [dreg:s6], $0x4FFFF;
	_ =	strace $0x90000049  }
0xb1: {  	s29 =	simm.s32 $0x9;
	_ =	strace $0x8000004B  }
0xb2: {  	_ =	swait.ge [sflag:s29], $0x1  }
0xb3: {  	[sflag:s29] =	ssyncadd.s32 $0xFFFFFFFF  }
0xb4: {  	_ =	strace $0x9000004B  }
0xb5: {  	_ =	sfence  }
0xb6: {  	s30 =	sld [smem:$0x0];
	_ =	sdelay $0x2  }
0xb7: {  	s31 =	sshll.u32 s1, $0xD;
	s1 =	sshrl.u32 s1, $0x2  }
0xb8: {  	s3 =	sand.u32 $0x4000, s31;
	s1 =	sadd.s32 s1, s30  }
0xb9: {  	s0 =	sor.u32 s3, s0;
	s1 =	sshll.u32 s1, $0x11  }
0xba: {  	s0 =	sor.u32 s1, s0  }
0xbb: {  	s0 =	sadd.s32 $0x8F2B, s0  }
0xbc: {  	[sflag:s0] =	ssyncadd.remote.s32 $0x1  }
0xbd: {  	_ =	sfence.sel $0xFFFF  }
0xbe: {  	[dreg:$0x0] =	wrdreg $0xFFFFFFFF;
	(pc) =	sbr.abs _section_cstart, $3  }
0xbf: {  	[dreg:$0x1] =	wrdreg $0xFFFFFFFF  }
0xc0: {  	_ =	task.clear_ibuf [dreg:s6], $0x2FFFF;
	_ =	strace $0x9FFFFFFF  }
0xc1: {  	(tm) =	ssettm $0x7FFFFFFF  }
tec
execute0_lowered:
.L_overlay_start_1:
0x0: {  	(tag) =	ssettag $0x1  }
0x1: {  	s9 =	rddreg [dreg:$0x0]  }
0x2: {  	s1 =	srdreg.scid;
	s0 =	rddreg [dreg:$0x1];
	s2 =	simm.s32 $0x0  }
0x3: {  	s11 =	simm.s32 $0xD600;
	s12 =	simm.s32 $0x1;
	s13 =	simm.s32 $0xD080  }
0x4: {  	s15 =	simm.s32 $0x2;
	s3 =	sand.u32 $0x1, s1;
	s1 =	stileid.u32  }
0x5: {  	s16 =	simm.s32 $0x0;
	[smem:$0x7FF] =	sst s2;
	s4 =	smul.u32 $0x9C400, s3  }
0x6: {  	s5 =	smul.u32 $0x9C40, s1;
	_ =	strace $0x8000004A;
	s29 =	ssub.s32 $0x2, s3  }
0x7: {  	s6 =	smul.u32 $0x27100, s3;
	s3 =	sadd.s32 $0x3800, s9;
	s31 =	sshll.u32 s1, $0x2  }
0x8: {  	p0 =	slt.u32 s1, $0x8;
	s7 =	sshrl.u32 s29, $0x1;
	s14 =	sand.u32 $0x1C, s31  }
0x9: {  	s11 =	simm.s32 @!p0 $0xDC00;
	s4 =	sadd.s32 s5, s4;
	s10 =	ssub.s32 s29, s7  }
0xa: {  	s30 =	sshrl.u32 s6, $0x3;
	s5 =	sadd.s32 $0xC80, s6;
	s4 =	sshrl.u32 s4, $0x3  }
0xb: {  	s6 =	sadd.s32 $0x1900, s6;
	v0 =	vmov s14;
	s14 =	simm.s32 $0x2780;
	s8 =	sadd.s32 s4, s9  }
0xc: {  	s4 =	sadd.s32 s3, s30;
	s9 =	sadd.s32 s11, s9;
	s11 =	simm.s32 $0x3  }
0xd: {  	v1 =	vimm.f32 $0.0e+00;
	v2 =	vimm.f32 $1.000000000e+00;
	s7 =	sadd.s32 $0xE200, s8;
	s8 =	smax.u32 s10, $0x1;
	s10 =	simm.s32 $0xC400  }
.LBB2_1:
0xe: {  	[tilespmem:s10], [sflag:$0x1] =	stream.linear.gather [hbm4b:s4+s2], $0xC80, $0x38;
	[tilespmem:$0xDD00] =	vst v63  }
0xf: {  	_ = 	snop  }
0x10: {  	[tilespmem:s2], [sflag:$0x3] =	stream.linear.gather [hbm4b:s9+s2], $0x2780, $0x38;
	[tilespmem:$0xDD00] =	vst v63  }
0x11: {  	_ =	swait.ge [sflag:s11], $0x2780  }
0x12: {  	[sflag:s11] =	ssyncset.done $0x0  }
0x13: {  	s17 =	simm.s32 $0x40;
	s18 =	simm.s32 $0x0;
	[sflag:s11] =	ssyncadd.s32 $0xFFFFD880  }
.LBB2_2:
0x14: {  	p0 =	sne.s32 s17, $0x270C0;
	[tilespmem:s18+$0x2780] =	vst v1;
	s18 =	smov.u32 s17;
	s17 =	sadd.s32 $0x40, s17  }
.Ltmp0:
0x15: {  	(pc) =	sbr.rel @p0 .LBB2_2-.Ltmp0, $2  }
0x16: {  	_ =	sdelay $0x2  }
0x17: {  	s18 =	sshra.s32 s18, $0x2  }
0x18: {  	[tilespmem:s18+$0x2780] =	vst v1;
	s17 =	simm.s32 $0x0;
	s18 =	simm.s32 $0x0  }
.LBB2_4:
0x19: {  	s19 =	smul.u32 $0x1900, s18;
	_ =	sdelay $0x1  }
0x1a: {  	_ =	swait.ge [sflag:s12], $0xC80;
	s20 =	sadd.s32 s19, s5  }
0x1b: {  	[sflag:s12] =	ssyncset.done $0x0;
	s20 =	sshrl.u32 s20, $0x3  }
0x1c: {  	[sflag:s12] =	ssyncadd.s32 $0xFFFFF380;
	s20 =	sadd.s32 s3, s20  }
0x1d: {  	[tilespmem:s13], [sflag:$0x2] =	stream.linear.gather [hbm4b:s20+s17], $0xC80, $0x38;
	[tilespmem:$0xDD00] =	vst v63  }
0x1e: {  	s20 =	simm.s32 $0x0  }
.LBB2_5:
0x1f: {  	s21 =	sshra.s32 s20, $0x2  }
0x20: {  	v3 =	vld [tilespmem:s21+$0xC400];
	_ =	sdelay $0x3  }
0x21: {  	v4 =	vld [tilespmem:s21+$0xC410]  }
0x22: {  	v5 =	vand.u32 $0x3FFF, v3;
	_ =	sdelay $0x1  }
0x23: {  	v6 =	vld [tilespmem:s21+$0xC420];
	_ =	sdelay $0x1  }
0x24: {  	v7 =	vand.u32 $0x3FFF, v4  }
0x25: {  	v5 =	vld.idx.msk [tilespmem:v5+s2+$0x0], $0xffff  }
0x26: {  	v9 =	vld [tilespmem:s21+$0xC430]  }
0x27: {  	v8 =	vand.u32 $0x3FFF, v6;
	_ =	sdelay $0x1  }
0x28: {  	v7 =	vld.idx.msk [tilespmem:v7+s2+$0x0], $0xffff  }
0x29: {  	v3 =	vshrl.u32 v3, $0xE;
	v5 =	vshrl.u32 v5, v0  }
0x2a: {  	v11 =	vand.u32 $0x3FFF, v9;
	v4 =	vshrl.u32 v4, $0xE;
	v10 =	vand.u32 $0x1, v5  }
0x2b: {  	v6 =	vshrl.u32 v6, $0xE;
	v8 =	vld.idx.msk [tilespmem:v8+s2+$0x0], $0xffff;
	v43 =	vand.u32 $0x2, v5;
	vm0 =	veq.s32 v10, $0x1  }
0x2c: {  	v46 =	vadd.s32 $0x2710, v3;
	v44 =	vand.u32 $0x4, v5;
	vm1 =	vne.s32 v43, $0x0  }
0x2d: {  	v7 =	vshrl.u32 v7, v0;
	v5 =	vand.u32 $0x8, v5;
	vm2 =	vne.s32 v44, $0x0  }
0x2e: {  	v12 =	vadd.s32 $0x4E20, v3;
	v45 =	vand.u32 $0x1, v7;
	vm3 =	vne.s32 v5, $0x0  }
0x2f: {  	v13 =	vadd.s32 $0x7530, v3;
	v47 =	vand.u32 $0x2, v7;
	vm4 =	veq.s32 v45, $0x1  }
0x30: {  	v50 =	vld.idx.msk [tilespmem:v11+s2+$0x0], $0xffff;
	v49 =	vshrl.u32 v8, v0;
	v48 =	vand.u32 $0x4, v7;
	vm5 =	vne.s32 v47, $0x0  }
0x31: {  	v7 =	vand.u32 $0x8, v7;
	vm6 =	vne.s32 v48, $0x0;
	[tilespmem:v3+s14+$0x0] =	vst.idx.add.f32.msk vm0, v2;
	v3 =	vadd.s32 $0x2710, v4  }
0x32: {  	v52 =	vadd.s32 $0x4E20, v4;
	v51 =	vand.u32 $0x1, v49;
	vm15 =	vne.s32 v7, $0x0;
	[tilespmem:v46+s14+$0x0] =	vst.idx.add.f32.msk vm1, v2  }
0x33: {  	v55 =	vadd.s32 $0x7530, v4;
	v53 =	vand.u32 $0x2, v49;
	vm7 =	veq.s32 v51, $0x1;
	[tilespmem:v12+s14+$0x0] =	vst.idx.add.f32.msk vm2, v2  }
0x34: {  	v56 =	vadd.s32 $0x2710, v6;
	v54 =	vand.u32 $0x4, v49;
	vm9 =	vne.s32 v53, $0x0;
	[tilespmem:v13+s14+$0x0] =	vst.idx.add.f32.msk vm3, v2  }
0x35: {  	v8 =	vshrl.u32 v50, v0;
	vm10 =	vne.s32 v54, $0x0;
	v5 =	vand.u32 $0x8, v49;
	[tilespmem:v4+s14+$0x0] =	vst.idx.add.f32.msk vm4, v2  }
0x36: {  	v57 =	vand.u32 $0x1, v8;
	vm11 =	vne.s32 v5, $0x0;
	[tilespmem:v3+s14+$0x0] =	vst.idx.add.f32.msk vm5, v2;
	v3 =	vadd.s32 $0x4E20, v6  }
0x37: {  	v59 =	vadd.s32 $0x7530, v6;
	v58 =	vand.u32 $0x2, v8;
	vm12 =	veq.s32 v57, $0x1;
	[tilespmem:v52+s14+$0x0] =	vst.idx.add.f32.msk vm6, v2  }
0x38: {  	v60 =	vshrl.u32 v9, $0xE;
	v61 =	vand.u32 $0x4, v8;
	vm13 =	vne.s32 v58, $0x0;
	[tilespmem:v55+s14+$0x0] =	vst.idx.add.f32.msk vm15, v2  }
0x39: {  	v62 =	vadd.s32 $0x2710, v60;
	v8 =	vand.u32 $0x8, v8;
	vm14 =	vne.s32 v61, $0x0;
	[tilespmem:v6+s14+$0x0] =	vst.idx.add.f32.msk vm7, v2  }
0x3a: {  	v63 =	vadd.s32 $0x4E20, v60;
	vm15 =	vne.s32 v8, $0x0;
	[tilespmem:v56+s14+$0x0] =	vst.idx.add.f32.msk vm9, v2  }
0x3b: {  	p0 =	sne.s32 s20, $0x3100;
	[tilespmem:v3+s14+$0x0] =	vst.idx.add.f32.msk vm10, v2;
	v3 =	vadd.s32 $0x7530, v60  }
.Ltmp1:
0x3c: {  	[tilespmem:v59+s14+$0x0] =	vst.idx.add.f32.msk vm11, v2;
	(pc) =	sbr.rel @p0 .LBB2_5-.Ltmp1, $4  }
0x3d: {  	[tilespmem:v60+s14+$0x0] =	vst.idx.add.f32.msk vm12, v2  }
0x3e: {  	[tilespmem:v62+s14+$0x0] =	vst.idx.add.f32.msk vm13, v2  }
0x3f: {  	[tilespmem:v63+s14+$0x0] =	vst.idx.add.f32.msk vm14, v2  }
0x40: {  	s20 =	sadd.s32 $0x100, s20;
	[tilespmem:v3+s14+$0x0] =	vst.idx.add.f32.msk vm15, v2  }
0x41: {  	p0 =	seq.s32 s18, $0x18  }
0x42: {  	_ =	swait.ge [sflag:s15], $0xC80;
	s19 =	sadd.s32 @!p0 s19, s6  }
0x43: {  	[sflag:s15] =	ssyncset.done $0x0;
	s20 =	simm.s32 @!p0 $0x0;
	s19 =	sshrl.u32 @!p0 s19, $0x3  }
0x44: {  	s21 =	simm.s32 @!p0 $0xC400;
	[sflag:s15] =	ssyncadd.s32 $0xFFFFF380;
	s19 =	sadd.s32 @!p0 s3, s19  }
0x45: {  	[tilespmem:s21], [sflag:$0x1] =	stream.linear.gather @!p0 [hbm4b:s19+s20], $0xC80, $0x38;
	[tilespmem:$0xDD00] =	vst v63  }
0x46: {  	s19 =	simm.s32 $0x0  }
.LBB2_7:
0x47: {  	s20 =	sshra.s32 s19, $0x2  }
0x48: {  	v3 =	vld [tilespmem:s20+$0xD080];
	_ =	sdelay $0x3  }
0x49: {  	v4 =	vld [tilespmem:s20+$0xD090]  }
0x4a: {  	v5 =	vand.u32 $0x3FFF, v3;
	_ =	sdelay $0x1  }
0x4b: {  	v6 =	vld [tilespmem:s20+$0xD0A0];
	_ =	sdelay $0x1  }
0x4c: {  	v7 =	vand.u32 $0x3FFF, v4  }
0x4d: {  	v5 =	vld.idx.msk [tilespmem:v5+s2+$0x0], $0xffff  }
0x4e: {  	v9 =	vld [tilespmem:s20+$0xD0B0]  }
0x4f: {  	v8 =	vand.u32 $0x3FFF, v6;
	_ =	sdelay $0x1  }
0x50: {  	v7 =	vld.idx.msk [tilespmem:v7+s2+$0x0], $0xffff  }
0x51: {  	v3 =	vshrl.u32 v3, $0xE;
	v5 =	vshrl.u32 v5, v0  }
0x52: {  	v11 =	vand.u32 $0x3FFF, v9;
	v4 =	vshrl.u32 v4, $0xE;
	v10 =	vand.u32 $0x1, v5  }
0x53: {  	v6 =	vshrl.u32 v6, $0xE;
	v8 =	vld.idx.msk [tilespmem:v8+s2+$0x0], $0xffff;
	v43 =	vand.u32 $0x2, v5;
	vm0 =	veq.s32 v10, $0x1  }
0x54: {  	v46 =	vadd.s32 $0x2710, v3;
	v44 =	vand.u32 $0x4, v5;
	vm1 =	vne.s32 v43, $0x0  }
0x55: {  	v7 =	vshrl.u32 v7, v0;
	v5 =	vand.u32 $0x8, v5;
	vm2 =	vne.s32 v44, $0x0  }
0x56: {  	v12 =	vadd.s32 $0x4E20, v3;
	v45 =	vand.u32 $0x1, v7;
	vm3 =	vne.s32 v5, $0x0  }
0x57: {  	v13 =	vadd.s32 $0x7530, v3;
	v47 =	vand.u32 $0x2, v7;
	vm4 =	veq.s32 v45, $0x1  }
0x58: {  	v50 =	vld.idx.msk [tilespmem:v11+s2+$0x0], $0xffff;
	v49 =	vshrl.u32 v8, v0;
	v48 =	vand.u32 $0x4, v7;
	vm5 =	vne.s32 v47, $0x0  }
0x59: {  	v7 =	vand.u32 $0x8, v7;
	vm6 =	vne.s32 v48, $0x0;
	[tilespmem:v3+s14+$0x0] =	vst.idx.add.f32.msk vm0, v2;
	v3 =	vadd.s32 $0x2710, v4  }
0x5a: {  	v52 =	vadd.s32 $0x4E20, v4;
	v51 =	vand.u32 $0x1, v49;
	vm15 =	vne.s32 v7, $0x0;
	[tilespmem:v46+s14+$0x0] =	vst.idx.add.f32.msk vm1, v2  }
0x5b: {  	v55 =	vadd.s32 $0x7530, v4;
	v53 =	vand.u32 $0x2, v49;
	vm7 =	veq.s32 v51, $0x1;
	[tilespmem:v12+s14+$0x0] =	vst.idx.add.f32.msk vm2, v2  }
0x5c: {  	v56 =	vadd.s32 $0x2710, v6;
	v54 =	vand.u32 $0x4, v49;
	vm9 =	vne.s32 v53, $0x0;
	[tilespmem:v13+s14+$0x0] =	vst.idx.add.f32.msk vm3, v2  }
0x5d: {  	v8 =	vshrl.u32 v50, v0;
	vm10 =	vne.s32 v54, $0x0;
	v5 =	vand.u32 $0x8, v49;
	[tilespmem:v4+s14+$0x0] =	vst.idx.add.f32.msk vm4, v2  }
0x5e: {  	v57 =	vand.u32 $0x1, v8;
	vm11 =	vne.s32 v5, $0x0;
	[tilespmem:v3+s14+$0x0] =	vst.idx.add.f32.msk vm5, v2;
	v3 =	vadd.s32 $0x4E20, v6  }
0x5f: {  	v59 =	vadd.s32 $0x7530, v6;
	v58 =	vand.u32 $0x2, v8;
	vm12 =	veq.s32 v57, $0x1;
	[tilespmem:v52+s14+$0x0] =	vst.idx.add.f32.msk vm6, v2  }
0x60: {  	v60 =	vshrl.u32 v9, $0xE;
	v61 =	vand.u32 $0x4, v8;
	vm13 =	vne.s32 v58, $0x0;
	[tilespmem:v55+s14+$0x0] =	vst.idx.add.f32.msk vm15, v2  }
0x61: {  	v62 =	vadd.s32 $0x2710, v60;
	v8 =	vand.u32 $0x8, v8;
	vm14 =	vne.s32 v61, $0x0;
	[tilespmem:v6+s14+$0x0] =	vst.idx.add.f32.msk vm7, v2  }
0x62: {  	v63 =	vadd.s32 $0x4E20, v60;
	vm15 =	vne.s32 v8, $0x0;
	[tilespmem:v56+s14+$0x0] =	vst.idx.add.f32.msk vm9, v2  }
0x63: {  	p0 =	sne.s32 s19, $0x3100;
	[tilespmem:v3+s14+$0x0] =	vst.idx.add.f32.msk vm10, v2;
	v3 =	vadd.s32 $0x7530, v60  }
.Ltmp2:
0x64: {  	[tilespmem:v59+s14+$0x0] =	vst.idx.add.f32.msk vm11, v2;
	(pc) =	sbr.rel @p0 .LBB2_7-.Ltmp2, $4  }
0x65: {  	[tilespmem:v60+s14+$0x0] =	vst.idx.add.f32.msk vm12, v2  }
0x66: {  	[tilespmem:v62+s14+$0x0] =	vst.idx.add.f32.msk vm13, v2  }
0x67: {  	[tilespmem:v63+s14+$0x0] =	vst.idx.add.f32.msk vm14, v2  }
0x68: {  	s19 =	sadd.s32 $0x100, s19;
	[tilespmem:v3+s14+$0x0] =	vst.idx.add.f32.msk vm15, v2  }
0x69: {  	s18 =	sadd.s32 $0x1, s18  }
0x6a: {  	p0 =	sne.s32 s18, $0x19  }
.Ltmp3:
0x6b: {  	_ = 	snop;
	(pc) =	sbr.rel @p0 .LBB2_4-.Ltmp3, $1  }
0x6c: {  	_ =	sdelay $0x3  }
0x6d: {  	s16 =	sadd.s32 $0x1, s16  }
0x6e: {  	p0 =	sne.s32 s16, s8  }
.Ltmp4:
0x6f: {  	_ = 	snop;
	(pc) =	sbr.rel @p0 .LBB2_1-.Ltmp4, $4  }
0x70: {  	[hbm4b:s7+s2] =	stream.linear.scatter [tilespmem:s14], [sflag:$0x3], $0x9C40, $0x38;
	[tilespmem:$0xDD00] =	vst v63  }
0x71: {  	_ =	swait.ge [sflag:s11], $0x9C40  }
0x72: {  	[sflag:s11] =	ssyncset.done $0x0  }
0x73: {  	[sflag:s11] =	ssyncadd.s32 $0xFFFF63C0  }
0x74: {  	_ =	sfence.sel $0x180000  }
0x75: {  	[bflag:$0x0] =	sbarrier.arrive $0xFFFF  }
0x76: {  	p0 =	sne.s32 s1, $0x0;
	_ =	strace $0x9000004A  }
0x77: {  	s0 =	sadd.s32 @!p0 $0x100000, s0;
	[bflag:$0x2] =	sbarrier.arrive $0xFFFF  }
0x78: {  	[sflag:s0] =	ssyncadd.tile.s32 @!p0 $0x1;
	_ =	shalt  }
.Lfunc_end2:
_tile_overlayer_lowered:
.L_overlay_start_2:
0x79: {  	(tag) =	ssettag $0x2  }
0x7a: {  	s0 =	rddreg [dreg:$0x0];
	s2 =	stileid.u32  }
0x7b: {  	s1 =	rddreg [dreg:$0x1];
	p0 =	sne.s32 s2, $0x0  }
0x7c: {  	s3 =	rddreg [dreg:$0x2];
	[bflag:$0x3] =	sbarrier.arrive $0xFFFF;
	s2 =	simm.s32 @!p0 $0x1C03  }
0x7d: {  	[timem:s3], [sflag:s2] =	dma.local @!p0 [hbm:s0], s1  }
0x7e: {  	s0 =	simm.s32 @!p0 $0x3  }
0x7f: {  	_ =	swait.ge @!p0 [sflag:s0], s1  }
0x80: {  	s1 =	ssub.s32 @!p0 $0x0, s1;
	[sflag:s0] =	ssyncset.done @!p0 $0x0  }
0x81: {  	[sflag:s0] =	ssyncadd.s32 @!p0 s1  }
0x82: {  	[bflag:$0x3] =	sbarrier.arrive $0xFFFF  }
0x83: {  	_ =	shalt  }

// kernel: kernel.15.cloned.1.call-start
scs
__scs_entry_jumppad:
0x0: {  	(pc) =	sbr.rel $0x88, $3  }
0x1: {  	(tag) =	ssettag $0x0;
	lr =	simm.s32 $0x1  }
0x2: {  	[smem:$0x3F8F] =	sst lr;
	_ =	strace $0xD0000000  }
0x3: {  	_ = 	snop  }
0x4: {  	_ = 	snop  }
0x5: {  	_ = 	snop  }
0x6: {  	_ = 	snop  }
0x7: {  	_ = 	snop  }
__scs_overlays_trampoline_lowered:
0x8: {  	[smem:$0x3F9E] =	sst s0  }
0x9: {  	[smem:$0x3F9F] =	sst s1  }
0xa: {  	[smem:$0x3FA0] =	sst s2  }
0xb: {  	[smem:$0x3FA1] =	sst s3  }
0xc: {  	[smem:$0x3FA2] =	sst s4  }
0xd: {  	[smem:$0x3FA3] =	sst s5  }
0xe: {  	[smem:$0x3FA4] =	sst s6  }
0xf: {  	[smem:$0x3FA5] =	sst s7  }
0x10: {  	[smem:$0x3FA6] =	sst s8  }
0x11: {  	[smem:$0x3FA7] =	sst s9;
	s0 =	simm.s32 @!p0 $0x0  }
0x12: {  	s1 =	sld [smem:$0x3F8D];
	s0 =	simm.s32 @p0 $0x1  }
0x13: {  	[smem:$0x3FA8] =	sst s0;
	s0 =	simm.s32 @!p1 $0x0  }
0x14: {  	s2 =	sld [smem:$0x3F8C];
	s0 =	simm.s32 @p1 $0x1  }
0x15: {  	[smem:$0x3FA9] =	sst s0;
	s0 =	simm.s32 @!p2 $0x0  }
0x16: {  	s3 =	sld [smem:$0x3FDB];
	s0 =	simm.s32 @p2 $0x1  }
0x17: {  	s4 =	simm.s32 $0x1BF5;
	[smem:$0x3FAB] =	sst s0  }
0x18: {  	s0 =	sld [smem:$0x3F8E];
	_ =	swait.ge [sflag:s4], $0x0  }
0x19: {  	s7 =	sld [smem:$0x3F8F]  }
0x1a: {  	s8 =	sadd.s32 $0xFFFFE003, lr  }
0x1b: {  	s9 =	sadd.s32 $0xFFFFFEF7, lr;
	s5 =	simm.s32 $0xFFFFFFFF;
	p2 =	slt.u32 s8, $0xFFFFF086  }
0x1c: {  	p1 =	slt.u32 s9, $0xF7A;
	s5 =	simm.s32 @!p2 $0x0  }
0x1d: {  	s5 =	simm.s32 @p1 $0x1;
	p0 =	seq.s32 s7, s2  }
0x1e: {  	s7 =	smul.u32 @!p0 $0xF7A, s2;
	p2 =	seq.s32 @!p0 s5, $0x0  }
0x1f: {  	s9 =	smul.u32 $0xF7A, s1;
	s8 =	simm.s32 @!p0 $0x1BF5;
	p2 =	por !p2, p0  }
0x20: {  	[sflag:s8] =	ssyncset.s32 @!p0 $0xFFFFF086;
	s6 =	sadd.s32 @!p0 s3, s7;
	s7 =	simm.s32 @!p0 $0x108  }
0x21: {  	s3 =	sadd.s32 s3, s9;
	s6 =	sadd.s32 @!p0 $0x88, s6;
	s7 =	simm.s32 @p2 $0x1082  }
0x22: {  	[simem:s7], [sflag:s8] =	dma.local @!p0 [hbm:s6], $0xF7A  }
0x23: {  	s9 =	sor.u32 $0xD0000000, s2;
	s6 =	simm.s32 $0x108;
	_ =	swait.ge @!p0 [sflag:s8], $0x0  }
0x24: {  	s3 =	sadd.s32 $0x88, s3;
	s6 =	simm.s32 @!p1 $0x1082;
	[sflag:s4] =	ssyncset.s32 $0xFFFFF086  }
0x25: {  	[simem:s6], [sflag:s4] =	dma.local [hbm:s3], $0xF7A  }
0x26: {  	[smem:$0x3F8F] =	sst s1;
	(tag) =	ssettag s2;
	_ =	strace s9  }
0x27: {  	s1 =	sld [smem:$0x3F9F]  }
0x28: {  	s2 =	sld [smem:$0x3FA0]  }
0x29: {  	s4 =	sld [smem:$0x3FA2]  }
0x2a: {  	p0 =	seq.s32 s5, $0x0;
	s5 =	sld [smem:$0x3FA3]  }
0x2b: {  	s6 =	sld [smem:$0x3FA4]  }
0x2c: {  	s7 =	sld [smem:$0x3FA5]  }
0x2d: {  	s3 =	simm.s32 $0x108;
	s8 =	sld [smem:$0x3FA6]  }
0x2e: {  	s3 =	simm.s32 @!p0 $0x1082;
	s9 =	sld [smem:$0x3FA7]  }
0x2f: {  	lr =	sadd.s32 s0, s3;
	s0 =	sld [smem:$0x3F9E]  }
0x30: {  	s3 =	sld [smem:$0x3FA1]  }
0x31: {  	[smem:$0x3FAA] =	sst s10  }
0x32: {  	s10 =	sld [smem:$0x3FA8];
	_ =	sdelay $0x3  }
0x33: {  	p0 =	seq.s32 s10, $0x1;
	s10 =	sld [smem:$0x3FAA];
	_ =	sdelay $0x3  }
0x34: {  	[smem:$0x3FAA] =	sst s10  }
0x35: {  	s10 =	sld [smem:$0x3FA9];
	_ =	sdelay $0x3  }
0x36: {  	p1 =	seq.s32 s10, $0x1;
	s10 =	sld [smem:$0x3FAA];
	_ =	sdelay $0x3  }
0x37: {  	[smem:$0x3FAA] =	sst s10  }
0x38: {  	s10 =	sld [smem:$0x3FAB]  }
0x39: {  	_ = 	snop;
	(pc) =	sbr.ind lr, $3  }
0x3a: {  	_ = 	snop  }
0x3b: {  	_ = 	snop  }
0x3c: {  	p2 =	seq.s32 s10, $0x1;
	s10 =	sld [smem:$0x3FAA]  }
0x3d: {  	_ =	shalt  }
0x3e: {  	_ =	shalt  }
0x3f: {  	_ =	shalt  }
0x40: {  	_ =	shalt  }
0x41: {  	_ =	shalt  }
0x42: {  	_ =	shalt  }
0x43: {  	_ =	shalt  }
0x44: {  	_ =	shalt  }
0x45: {  	_ =	shalt  }
0x46: {  	_ =	shalt  }
0x47: {  	_ =	shalt  }
0x48: {  	_ =	shalt  }
0x49: {  	_ =	shalt  }
0x4a: {  	_ =	shalt  }
0x4b: {  	_ =	shalt  }
0x4c: {  	_ =	shalt  }
0x4d: {  	_ =	shalt  }
0x4e: {  	_ =	shalt  }
0x4f: {  	_ =	shalt  }
0x50: {  	_ =	shalt  }
0x51: {  	_ =	shalt  }
0x52: {  	_ =	shalt  }
0x53: {  	_ =	shalt  }
0x54: {  	_ =	shalt  }
0x55: {  	_ =	shalt  }
0x56: {  	_ =	shalt  }
0x57: {  	_ =	shalt  }
0x58: {  	_ =	shalt  }
0x59: {  	_ =	shalt  }
0x5a: {  	_ =	shalt  }
0x5b: {  	_ =	shalt  }
0x5c: {  	_ =	shalt  }
0x5d: {  	_ =	shalt  }
0x5e: {  	_ =	shalt  }
0x5f: {  	_ =	shalt  }
0x60: {  	_ =	shalt  }
0x61: {  	_ =	shalt  }
0x62: {  	_ =	shalt  }
0x63: {  	_ =	shalt  }
0x64: {  	_ =	shalt  }
0x65: {  	_ =	shalt  }
0x66: {  	_ =	shalt  }
0x67: {  	_ =	shalt  }
0x68: {  	_ =	shalt  }
0x69: {  	_ =	shalt  }
0x6a: {  	_ =	shalt  }
0x6b: {  	_ =	shalt  }
0x6c: {  	_ =	shalt  }
0x6d: {  	_ =	shalt  }
0x6e: {  	_ =	shalt  }
0x6f: {  	_ =	shalt  }
0x70: {  	_ =	shalt  }
0x71: {  	_ =	shalt  }
0x72: {  	_ =	shalt  }
0x73: {  	_ =	shalt  }
0x74: {  	_ =	shalt  }
0x75: {  	_ =	shalt  }
0x76: {  	_ =	shalt  }
0x77: {  	_ =	shalt  }
0x78: {  	_ =	shalt  }
0x79: {  	_ =	shalt  }
0x7a: {  	_ =	shalt  }
0x7b: {  	_ =	shalt  }
0x7c: {  	_ =	shalt  }
0x7d: {  	_ =	shalt  }
0x7e: {  	_ =	shalt  }
0x7f: {  	_ =	shalt  }
0x80: {  	_ =	shalt  }
0x81: {  	_ =	shalt  }
0x82: {  	_ =	shalt  }
0x83: {  	_ =	shalt  }
0x84: {  	_ =	shalt  }
0x85: {  	_ =	shalt  }
0x86: {  	_ =	shalt  }
0x87: {  	_ =	shalt  }
.Lfunc_end0:
.L_simem_size_0:
called_computation.2_lowered:
.L_overlay_start_0:
0x88: {  	s2 =	sld [smem:$0x3FD9]  }
0x89: {  	s3 =	sld [smem:$0x3FFE];
	_ =	sdelay $0x1  }
0x8a: {  	s1 =	srdreg.scid  }
0x8b: {  	s0 =	sand.u32 $0x1, s1  }
0x8c: {  	s16 =	sshll.u32 s0, $0xA;
	s2 =	sadd.s32 s3, s2  }
0x8d: {  	s2 =	sadd.s32 s2, s16  }
0x8e: {  	[smem:$0x3FB6] =	sst s2  }
0x8f: {  	_ = 	snop  }
0x90: {  	(tm) =	ssettm $0x1  }
0x91: {  	s17 =	sld [smem:$0x3FFB];
	_ =	sdelay $0x3  }
0x92: {  	_ =	strace s17  }
0x93: {  	s2 =	sld [smem:$0x3FFC];
	_ =	sdelay $0x3  }
0x94: {  	_ =	strace s2  }
0x95: {  	s2 =	sld [smem:$0x3FFD];
	_ =	sdelay $0x3  }
0x96: {  	_ =	strace s2  }
0x97: {  	_ =	strace $0x8FFFFFFF  }
0x98: {  	s18 =	sld [smem:$0x3FDB];
	_ =	sdelay $0x1  }
0x99: {  	s19 =	simm.s32 $_scs_section_size  }
0x9a: {  	s4 =	simm.s32 $_size__tile_overlayer_lowered;
	s5 =	simm.s32 $_tile_overlayer_lowered  }
0x9b: {  	s22 =	simm.s32 $0x1BFF;
	s21 =	sshll.u32 s5, $0x1;
	s2 =	sadd.s32 s19, s18  }
0x9c: {  	s6 =	simm.s32 $0x0;
	s20 =	sshll.u32 s4, $0x1;
	s4 =	sadd.s32 s21, s2  }
0x9d: {  	[timem:s6], [sflag:s22] =	dma.local [hbm:s4], s20  }
0x9e: {  	_ =	swait.ge [sflag:s22], s20  }
0x9f: {  	s3 =	ssub.s32 $0x0, s20;
	[sflag:s22] =	ssyncset.done $0x0  }
0xa0: {  	[sflag:s22] =	ssyncadd.s32 s3;
	_ =	sdelay $0x1  }
0xa1: {  	s23 =	simm.s32 $0x1B8B  }
0xa2: {  	_ =	swait.ge [sflag:s23], $0x1  }
0xa3: {  	[sflag:s23] =	ssyncset.done $0x0  }
0xa4: {  	s25 =	simm.s32 $0x1B8E;
	s24 =	sld [smem:$0x3FFE];
	[sflag:s23] =	ssyncadd.s32 $0xFFFFFFFF  }
0xa5: {  	s26 =	simm.s32 $execute0_lowered;
	[smem:$0x3FD2] =	sst s25  }
0xa6: {  	s4 =	sshll.u32 s26, $0x1;
	_ =	strace $0x8000004C;
	[dreg:$0x1] =	wrdreg $0xFFFFFFFF  }
0xa7: {  	s28 =	simm.s32 $_size_execute0_lowered;
	s2 =	sadd.s32 s2, s4;
	[dreg:$0x0] =	wrdreg $0x0  }
0xa8: {  	s4 =	sshll.u32 s28, $0x1;
	[dreg:$0x2] =	wrdreg s2  }
0xa9: {  	[dreg:$0x3] =	wrdreg s4  }
0xaa: {  	[dreg:$0x4] =	wrdreg $0xC0  }
0xab: {  	_ =	task [dreg:s6], $0x5FFFF  }
0xac: {  	[dreg:$0x1] =	wrdreg $0xFFFFFFFF  }
0xad: {  	[dreg:$0x0] =	wrdreg $0x60  }
0xae: {  	[dreg:$0x2] =	wrdreg s24  }
0xaf: {  	[dreg:$0x3] =	wrdreg $0x9  }
0xb0: {  	_ =	task.clear_ibuf [dreg:s6], $0x4FFFF;
	_ =	strace $0x9000004C  }
0xb1: {  	s29 =	simm.s32 $0x9;
	_ =	strace $0x8000004E  }
0xb2: {  	_ =	swait.ge [sflag:s29], $0x1  }
0xb3: {  	[sflag:s29] =	ssyncadd.s32 $0xFFFFFFFF  }
0xb4: {  	_ =	strace $0x9000004E  }
0xb5: {  	_ =	sfence  }
0xb6: {  	s30 =	sld [smem:$0x0];
	_ =	sdelay $0x2  }
0xb7: {  	s31 =	sshll.u32 s1, $0xD;
	s1 =	sshrl.u32 s1, $0x2  }
0xb8: {  	s3 =	sand.u32 $0x4000, s31;
	s1 =	sadd.s32 s1, s30  }
0xb9: {  	s0 =	sor.u32 s3, s0;
	s1 =	sshll.u32 s1, $0x11  }
0xba: {  	s0 =	sor.u32 s1, s0  }
0xbb: {  	s0 =	sadd.s32 $0x8F2B, s0  }
0xbc: {  	[sflag:s0] =	ssyncadd.remote.s32 $0x1  }
0xbd: {  	_ =	sfence.sel $0xFFFF  }
0xbe: {  	[dreg:$0x0] =	wrdreg $0xFFFFFFFF;
	(pc) =	sbr.abs _section_cstart, $3  }
0xbf: {  	[dreg:$0x1] =	wrdreg $0xFFFFFFFF  }
0xc0: {  	_ =	task.clear_ibuf [dreg:s6], $0x2FFFF;
	_ =	strace $0x9FFFFFFF  }
0xc1: {  	(tm) =	ssettm $0x7FFFFFFF  }
tec
execute0_lowered:
.L_overlay_start_1:
0x0: {  	(tag) =	ssettag $0x1  }
0x1: {  	s9 =	rddreg [dreg:$0x0]  }
0x2: {  	s1 =	srdreg.scid;
	s0 =	rddreg [dreg:$0x1];
	s2 =	simm.s32 $0x0  }
0x3: {  	s11 =	simm.s32 $0xD600;
	s12 =	simm.s32 $0x1;
	s13 =	simm.s32 $0xD080  }
0x4: {  	s15 =	simm.s32 $0x2;
	s3 =	sand.u32 $0x1, s1;
	s1 =	stileid.u32  }
0x5: {  	s16 =	simm.s32 $0x0;
	[smem:$0x7FF] =	sst s2;
	s4 =	smul.u32 $0x9C400, s3  }
0x6: {  	s5 =	smul.u32 $0x9C40, s1;
	_ =	strace $0x8000004D;
	s29 =	ssub.s32 $0x2, s3  }
0x7: {  	s6 =	smul.u32 $0x27100, s3;
	s3 =	sadd.s32 $0x3800, s9;
	s31 =	sshll.u32 s1, $0x2  }
0x8: {  	p0 =	slt.u32 s1, $0x8;
	s7 =	sshrl.u32 s29, $0x1;
	s14 =	sand.u32 $0x1C, s31  }
0x9: {  	s11 =	simm.s32 @!p0 $0xDC00;
	s4 =	sadd.s32 s5, s4;
	s10 =	ssub.s32 s29, s7  }
0xa: {  	s30 =	sshrl.u32 s6, $0x3;
	s5 =	sadd.s32 $0xC80, s6;
	s4 =	sshrl.u32 s4, $0x3  }
0xb: {  	s6 =	sadd.s32 $0x1900, s6;
	v0 =	vmov s14;
	s14 =	simm.s32 $0x2780;
	s8 =	sadd.s32 s4, s9  }
0xc: {  	s4 =	sadd.s32 s3, s30;
	s9 =	sadd.s32 s11, s9;
	s11 =	simm.s32 $0x3  }
0xd: {  	v1 =	vimm.f32 $0.0e+00;
	v2 =	vimm.f32 $1.000000000e+00;
	s7 =	sadd.s32 $0xE200, s8;
	s8 =	smax.u32 s10, $0x1;
	s10 =	simm.s32 $0xC400  }
.LBB2_1:
0xe: {  	[tilespmem:s10], [sflag:$0x1] =	stream.linear.gather [hbm4b:s4+s2], $0xC80, $0x38;
	[tilespmem:$0xDD00] =	vst v63  }
0xf: {  	_ = 	snop  }
0x10: {  	[tilespmem:s2], [sflag:$0x3] =	stream.linear.gather [hbm4b:s9+s2], $0x2780, $0x38;
	[tilespmem:$0xDD00] =	vst v63  }
0x11: {  	_ =	swait.ge [sflag:s11], $0x2780  }
0x12: {  	[sflag:s11] =	ssyncset.done $0x0  }
0x13: {  	s17 =	simm.s32 $0x40;
	s18 =	simm.s32 $0x0;
	[sflag:s11] =	ssyncadd.s32 $0xFFFFD880  }
.LBB2_2:
0x14: {  	p0 =	sne.s32 s17, $0x270C0;
	[tilespmem:s18+$0x2780] =	vst v1;
	s18 =	smov.u32 s17;
	s17 =	sadd.s32 $0x40, s17  }
.Ltmp0:
0x15: {  	(pc) =	sbr.rel @p0 .LBB2_2-.Ltmp0, $2  }
0x16: {  	_ =	sdelay $0x2  }
0x17: {  	s18 =	sshra.s32 s18, $0x2  }
0x18: {  	[tilespmem:s18+$0x2780] =	vst v1;
	s17 =	simm.s32 $0x0;
	s18 =	simm.s32 $0x0  }
.LBB2_4:
0x19: {  	s19 =	smul.u32 $0x1900, s18;
	_ =	sdelay $0x1  }
0x1a: {  	_ =	swait.ge [sflag:s12], $0xC80;
	s20 =	sadd.s32 s19, s5  }
0x1b: {  	[sflag:s12] =	ssyncset.done $0x0;
	s20 =	sshrl.u32 s20, $0x3  }
0x1c: {  	[sflag:s12] =	ssyncadd.s32 $0xFFFFF380;
	s20 =	sadd.s32 s3, s20  }
0x1d: {  	[tilespmem:s13], [sflag:$0x2] =	stream.linear.gather [hbm4b:s20+s17], $0xC80, $0x38;
	[tilespmem:$0xDD00] =	vst v63  }
0x1e: {  	s20 =	simm.s32 $0x0  }
.LBB2_5:
0x1f: {  	s21 =	sshra.s32 s20, $0x2  }
0x20: {  	v3 =	vld [tilespmem:s21+$0xC400];
	_ =	sdelay $0x3  }
0x21: {  	v4 =	vld [tilespmem:s21+$0xC410]  }
0x22: {  	v5 =	vand.u32 $0x3FFF, v3;
	_ =	sdelay $0x1  }
0x23: {  	v6 =	vld [tilespmem:s21+$0xC420];
	_ =	sdelay $0x1  }
0x24: {  	v7 =	vand.u32 $0x3FFF, v4  }
0x25: {  	v5 =	vld.idx.msk [tilespmem:v5+s2+$0x0], $0xffff  }
0x26: {  	v9 =	vld [tilespmem:s21+$0xC430]  }
0x27: {  	v8 =	vand.u32 $0x3FFF, v6;
	_ =	sdelay $0x1  }
0x28: {  	v7 =	vld.idx.msk [tilespmem:v7+s2+$0x0], $0xffff  }
0x29: {  	v3 =	vshrl.u32 v3, $0xE;
	v5 =	vshrl.u32 v5, v0  }
0x2a: {  	v11 =	vand.u32 $0x3FFF, v9;
	v4 =	vshrl.u32 v4, $0xE;
	v10 =	vand.u32 $0x1, v5  }
0x2b: {  	v6 =	vshrl.u32 v6, $0xE;
	v8 =	vld.idx.msk [tilespmem:v8+s2+$0x0], $0xffff;
	v43 =	vand.u32 $0x2, v5;
	vm0 =	veq.s32 v10, $0x1  }
0x2c: {  	v46 =	vadd.s32 $0x2710, v3;
	v44 =	vand.u32 $0x4, v5;
	vm1 =	vne.s32 v43, $0x0  }
0x2d: {  	v7 =	vshrl.u32 v7, v0;
	v5 =	vand.u32 $0x8, v5;
	vm2 =	vne.s32 v44, $0x0  }
0x2e: {  	v12 =	vadd.s32 $0x4E20, v3;
	v45 =	vand.u32 $0x1, v7;
	vm3 =	vne.s32 v5, $0x0  }
0x2f: {  	v13 =	vadd.s32 $0x7530, v3;
	v47 =	vand.u32 $0x2, v7;
	vm4 =	veq.s32 v45, $0x1  }
0x30: {  	v50 =	vld.idx.msk [tilespmem:v11+s2+$0x0], $0xffff;
	v49 =	vshrl.u32 v8, v0;
	v48 =	vand.u32 $0x4, v7;
	vm5 =	vne.s32 v47, $0x0  }
0x31: {  	v7 =	vand.u32 $0x8, v7;
	vm6 =	vne.s32 v48, $0x0;
	[tilespmem:v3+s14+$0x0] =	vst.idx.add.f32.msk vm0, v2;
	v3 =	vadd.s32 $0x2710, v4  }
0x32: {  	v52 =	vadd.s32 $0x4E20, v4;
	v51 =	vand.u32 $0x1, v49;
	vm15 =	vne.s32 v7, $0x0;
	[tilespmem:v46+s14+$0x0] =	vst.idx.add.f32.msk vm1, v2  }
0x33: {  	v55 =	vadd.s32 $0x7530, v4;
	v53 =	vand.u32 $0x2, v49;
	vm7 =	veq.s32 v51, $0x1;
	[tilespmem:v12+s14+$0x0] =	vst.idx.add.f32.msk vm2, v2  }
0x34: {  	v56 =	vadd.s32 $0x2710, v6;
	v54 =	vand.u32 $0x4, v49;
	vm9 =	vne.s32 v53, $0x0;
	[tilespmem:v13+s14+$0x0] =	vst.idx.add.f32.msk vm3, v2  }
0x35: {  	v8 =	vshrl.u32 v50, v0;
	vm10 =	vne.s32 v54, $0x0;
	v5 =	vand.u32 $0x8, v49;
	[tilespmem:v4+s14+$0x0] =	vst.idx.add.f32.msk vm4, v2  }
0x36: {  	v57 =	vand.u32 $0x1, v8;
	vm11 =	vne.s32 v5, $0x0;
	[tilespmem:v3+s14+$0x0] =	vst.idx.add.f32.msk vm5, v2;
	v3 =	vadd.s32 $0x4E20, v6  }
0x37: {  	v59 =	vadd.s32 $0x7530, v6;
	v58 =	vand.u32 $0x2, v8;
	vm12 =	veq.s32 v57, $0x1;
	[tilespmem:v52+s14+$0x0] =	vst.idx.add.f32.msk vm6, v2  }
0x38: {  	v60 =	vshrl.u32 v9, $0xE;
	v61 =	vand.u32 $0x4, v8;
	vm13 =	vne.s32 v58, $0x0;
	[tilespmem:v55+s14+$0x0] =	vst.idx.add.f32.msk vm15, v2  }
0x39: {  	v62 =	vadd.s32 $0x2710, v60;
	v8 =	vand.u32 $0x8, v8;
	vm14 =	vne.s32 v61, $0x0;
	[tilespmem:v6+s14+$0x0] =	vst.idx.add.f32.msk vm7, v2  }
0x3a: {  	v63 =	vadd.s32 $0x4E20, v60;
	vm15 =	vne.s32 v8, $0x0;
	[tilespmem:v56+s14+$0x0] =	vst.idx.add.f32.msk vm9, v2  }
0x3b: {  	p0 =	sne.s32 s20, $0x3100;
	[tilespmem:v3+s14+$0x0] =	vst.idx.add.f32.msk vm10, v2;
	v3 =	vadd.s32 $0x7530, v60  }
.Ltmp1:
0x3c: {  	[tilespmem:v59+s14+$0x0] =	vst.idx.add.f32.msk vm11, v2;
	(pc) =	sbr.rel @p0 .LBB2_5-.Ltmp1, $4  }
0x3d: {  	[tilespmem:v60+s14+$0x0] =	vst.idx.add.f32.msk vm12, v2  }
0x3e: {  	[tilespmem:v62+s14+$0x0] =	vst.idx.add.f32.msk vm13, v2  }
0x3f: {  	[tilespmem:v63+s14+$0x0] =	vst.idx.add.f32.msk vm14, v2  }
0x40: {  	s20 =	sadd.s32 $0x100, s20;
	[tilespmem:v3+s14+$0x0] =	vst.idx.add.f32.msk vm15, v2  }
0x41: {  	p0 =	seq.s32 s18, $0x18  }
0x42: {  	_ =	swait.ge [sflag:s15], $0xC80;
	s19 =	sadd.s32 @!p0 s19, s6  }
0x43: {  	[sflag:s15] =	ssyncset.done $0x0;
	s20 =	simm.s32 @!p0 $0x0;
	s19 =	sshrl.u32 @!p0 s19, $0x3  }
0x44: {  	s21 =	simm.s32 @!p0 $0xC400;
	[sflag:s15] =	ssyncadd.s32 $0xFFFFF380;
	s19 =	sadd.s32 @!p0 s3, s19  }
0x45: {  	[tilespmem:s21], [sflag:$0x1] =	stream.linear.gather @!p0 [hbm4b:s19+s20], $0xC80, $0x38;
	[tilespmem:$0xDD00] =	vst v63  }
0x46: {  	s19 =	simm.s32 $0x0  }
.LBB2_7:
0x47: {  	s20 =	sshra.s32 s19, $0x2  }
0x48: {  	v3 =	vld [tilespmem:s20+$0xD080];
	_ =	sdelay $0x3  }
0x49: {  	v4 =	vld [tilespmem:s20+$0xD090]  }
0x4a: {  	v5 =	vand.u32 $0x3FFF, v3;
	_ =	sdelay $0x1  }
0x4b: {  	v6 =	vld [tilespmem:s20+$0xD0A0];
	_ =	sdelay $0x1  }
0x4c: {  	v7 =	vand.u32 $0x3FFF, v4  }
0x4d: {  	v5 =	vld.idx.msk [tilespmem:v5+s2+$0x0], $0xffff  }
0x4e: {  	v9 =	vld [tilespmem:s20+$0xD0B0]  }
0x4f: {  	v8 =	vand.u32 $0x3FFF, v6;
	_ =	sdelay $0x1  }
0x50: {  	v7 =	vld.idx.msk [tilespmem:v7+s2+$0x0], $0xffff  }
0x51: {  	v3 =	vshrl.u32 v3, $0xE;
	v5 =	vshrl.u32 v5, v0  }
0x52: {  	v11 =	vand.u32 $0x3FFF, v9;
	v4 =	vshrl.u32 v4, $0xE;
	v10 =	vand.u32 $0x1, v5  }
0x53: {  	v6 =	vshrl.u32 v6, $0xE;
	v8 =	vld.idx.msk [tilespmem:v8+s2+$0x0], $0xffff;
	v43 =	vand.u32 $0x2, v5;
	vm0 =	veq.s32 v10, $0x1  }
0x54: {  	v46 =	vadd.s32 $0x2710, v3;
	v44 =	vand.u32 $0x4, v5;
	vm1 =	vne.s32 v43, $0x0  }
0x55: {  	v7 =	vshrl.u32 v7, v0;
	v5 =	vand.u32 $0x8, v5;
	vm2 =	vne.s32 v44, $0x0  }
0x56: {  	v12 =	vadd.s32 $0x4E20, v3;
	v45 =	vand.u32 $0x1, v7;
	vm3 =	vne.s32 v5, $0x0  }
0x57: {  	v13 =	vadd.s32 $0x7530, v3;
	v47 =	vand.u32 $0x2, v7;
	vm4 =	veq.s32 v45, $0x1  }
0x58: {  	v50 =	vld.idx.msk [tilespmem:v11+s2+$0x0], $0xffff;
	v49 =	vshrl.u32 v8, v0;
	v48 =	vand.u32 $0x4, v7;
	vm5 =	vne.s32 v47, $0x0  }
0x59: {  	v7 =	vand.u32 $0x8, v7;
	vm6 =	vne.s32 v48, $0x0;
	[tilespmem:v3+s14+$0x0] =	vst.idx.add.f32.msk vm0, v2;
	v3 =	vadd.s32 $0x2710, v4  }
0x5a: {  	v52 =	vadd.s32 $0x4E20, v4;
	v51 =	vand.u32 $0x1, v49;
	vm15 =	vne.s32 v7, $0x0;
	[tilespmem:v46+s14+$0x0] =	vst.idx.add.f32.msk vm1, v2  }
0x5b: {  	v55 =	vadd.s32 $0x7530, v4;
	v53 =	vand.u32 $0x2, v49;
	vm7 =	veq.s32 v51, $0x1;
	[tilespmem:v12+s14+$0x0] =	vst.idx.add.f32.msk vm2, v2  }
0x5c: {  	v56 =	vadd.s32 $0x2710, v6;
	v54 =	vand.u32 $0x4, v49;
	vm9 =	vne.s32 v53, $0x0;
	[tilespmem:v13+s14+$0x0] =	vst.idx.add.f32.msk vm3, v2  }
0x5d: {  	v8 =	vshrl.u32 v50, v0;
	vm10 =	vne.s32 v54, $0x0;
	v5 =	vand.u32 $0x8, v49;
	[tilespmem:v4+s14+$0x0] =	vst.idx.add.f32.msk vm4, v2  }
0x5e: {  	v57 =	vand.u32 $0x1, v8;
	vm11 =	vne.s32 v5, $0x0;
	[tilespmem:v3+s14+$0x0] =	vst.idx.add.f32.msk vm5, v2;
	v3 =	vadd.s32 $0x4E20, v6  }
0x5f: {  	v59 =	vadd.s32 $0x7530, v6;
	v58 =	vand.u32 $0x2, v8;
	vm12 =	veq.s32 v57, $0x1;
	[tilespmem:v52+s14+$0x0] =	vst.idx.add.f32.msk vm6, v2  }
0x60: {  	v60 =	vshrl.u32 v9, $0xE;
	v61 =	vand.u32 $0x4, v8;
	vm13 =	vne.s32 v58, $0x0;
	[tilespmem:v55+s14+$0x0] =	vst.idx.add.f32.msk vm15, v2  }
0x61: {  	v62 =	vadd.s32 $0x2710, v60;
	v8 =	vand.u32 $0x8, v8;
	vm14 =	vne.s32 v61, $0x0;
	[tilespmem:v6+s14+$0x0] =	vst.idx.add.f32.msk vm7, v2  }
0x62: {  	v63 =	vadd.s32 $0x4E20, v60;
	vm15 =	vne.s32 v8, $0x0;
	[tilespmem:v56+s14+$0x0] =	vst.idx.add.f32.msk vm9, v2  }
0x63: {  	p0 =	sne.s32 s19, $0x3100;
	[tilespmem:v3+s14+$0x0] =	vst.idx.add.f32.msk vm10, v2;
	v3 =	vadd.s32 $0x7530, v60  }
.Ltmp2:
0x64: {  	[tilespmem:v59+s14+$0x0] =	vst.idx.add.f32.msk vm11, v2;
	(pc) =	sbr.rel @p0 .LBB2_7-.Ltmp2, $4  }
0x65: {  	[tilespmem:v60+s14+$0x0] =	vst.idx.add.f32.msk vm12, v2  }
0x66: {  	[tilespmem:v62+s14+$0x0] =	vst.idx.add.f32.msk vm13, v2  }
0x67: {  	[tilespmem:v63+s14+$0x0] =	vst.idx.add.f32.msk vm14, v2  }
0x68: {  	s19 =	sadd.s32 $0x100, s19;
	[tilespmem:v3+s14+$0x0] =	vst.idx.add.f32.msk vm15, v2  }
0x69: {  	s18 =	sadd.s32 $0x1, s18  }
0x6a: {  	p0 =	sne.s32 s18, $0x19  }
.Ltmp3:
0x6b: {  	_ = 	snop;
	(pc) =	sbr.rel @p0 .LBB2_4-.Ltmp3, $1  }
0x6c: {  	_ =	sdelay $0x3  }
0x6d: {  	s16 =	sadd.s32 $0x1, s16  }
0x6e: {  	p0 =	sne.s32 s16, s8  }
.Ltmp4:
0x6f: {  	_ = 	snop;
	(pc) =	sbr.rel @p0 .LBB2_1-.Ltmp4, $4  }
0x70: {  	[hbm4b:s7+s2] =	stream.linear.scatter [tilespmem:s14], [sflag:$0x3], $0x9C40, $0x38;
	[tilespmem:$0xDD00] =	vst v63  }
0x71: {  	_ =	swait.ge [sflag:s11], $0x9C40  }
0x72: {  	[sflag:s11] =	ssyncset.done $0x0  }
0x73: {  	[sflag:s11] =	ssyncadd.s32 $0xFFFF63C0  }
0x74: {  	_ =	sfence.sel $0x180000  }
0x75: {  	[bflag:$0x0] =	sbarrier.arrive $0xFFFF  }
0x76: {  	p0 =	sne.s32 s1, $0x0;
	_ =	strace $0x9000004D  }
0x77: {  	s0 =	sadd.s32 @!p0 $0x100000, s0;
	[bflag:$0x2] =	sbarrier.arrive $0xFFFF  }
0x78: {  	[sflag:s0] =	ssyncadd.tile.s32 @!p0 $0x1;
	_ =	shalt  }
.Lfunc_end2:
_tile_overlayer_lowered:
.L_overlay_start_2:
0x79: {  	(tag) =	ssettag $0x2  }
0x7a: {  	s0 =	rddreg [dreg:$0x0];
	s2 =	stileid.u32  }
0x7b: {  	s1 =	rddreg [dreg:$0x1];
	p0 =	sne.s32 s2, $0x0  }
0x7c: {  	s3 =	rddreg [dreg:$0x2];
	[bflag:$0x3] =	sbarrier.arrive $0xFFFF;
	s2 =	simm.s32 @!p0 $0x1C03  }
0x7d: {  	[timem:s3], [sflag:s2] =	dma.local @!p0 [hbm:s0], s1  }
0x7e: {  	s0 =	simm.s32 @!p0 $0x3  }
0x7f: {  	_ =	swait.ge @!p0 [sflag:s0], s1  }
0x80: {  	s1 =	ssub.s32 @!p0 $0x0, s1;
	[sflag:s0] =	ssyncset.done @!p0 $0x0  }
0x81: {  	[sflag:s0] =	ssyncadd.s32 @!p0 s1  }
0x82: {  	[bflag:$0x3] =	sbarrier.arrive $0xFFFF  }
0x83: {  	_ =	shalt  }

// kernel: kernel.9.cloned.1.call-start
scs
__scs_entry_jumppad:
0x0: {  	(pc) =	sbr.rel $0x88, $3  }
0x1: {  	(tag) =	ssettag $0x0;
	lr =	simm.s32 $0x1  }
0x2: {  	[smem:$0x3F8F] =	sst lr;
	_ =	strace $0xD0000000  }
0x3: {  	_ = 	snop  }
0x4: {  	_ = 	snop  }
0x5: {  	_ = 	snop  }
0x6: {  	_ = 	snop  }
0x7: {  	_ = 	snop  }
__scs_overlays_trampoline_lowered:
0x8: {  	[smem:$0x3F9E] =	sst s0  }
0x9: {  	[smem:$0x3F9F] =	sst s1  }
0xa: {  	[smem:$0x3FA0] =	sst s2  }
0xb: {  	[smem:$0x3FA1] =	sst s3  }
0xc: {  	[smem:$0x3FA2] =	sst s4  }
0xd: {  	[smem:$0x3FA3] =	sst s5  }
0xe: {  	[smem:$0x3FA4] =	sst s6  }
0xf: {  	[smem:$0x3FA5] =	sst s7  }
0x10: {  	[smem:$0x3FA6] =	sst s8  }
0x11: {  	[smem:$0x3FA7] =	sst s9;
	s0 =	simm.s32 @!p0 $0x0  }
0x12: {  	s1 =	sld [smem:$0x3F8D];
	s0 =	simm.s32 @p0 $0x1  }
0x13: {  	[smem:$0x3FA8] =	sst s0;
	s0 =	simm.s32 @!p1 $0x0  }
0x14: {  	s2 =	sld [smem:$0x3F8C];
	s0 =	simm.s32 @p1 $0x1  }
0x15: {  	[smem:$0x3FA9] =	sst s0;
	s0 =	simm.s32 @!p2 $0x0  }
0x16: {  	s3 =	sld [smem:$0x3FDB];
	s0 =	simm.s32 @p2 $0x1  }
0x17: {  	s4 =	simm.s32 $0x1BF5;
	[smem:$0x3FAB] =	sst s0  }
0x18: {  	s0 =	sld [smem:$0x3F8E];
	_ =	swait.ge [sflag:s4], $0x0  }
0x19: {  	s7 =	sld [smem:$0x3F8F]  }
0x1a: {  	s8 =	sadd.s32 $0xFFFFE003, lr  }
0x1b: {  	s9 =	sadd.s32 $0xFFFFFEF7, lr;
	s5 =	simm.s32 $0xFFFFFFFF;
	p2 =	slt.u32 s8, $0xFFFFF086  }
0x1c: {  	p1 =	slt.u32 s9, $0xF7A;
	s5 =	simm.s32 @!p2 $0x0  }
0x1d: {  	s5 =	simm.s32 @p1 $0x1;
	p0 =	seq.s32 s7, s2  }
0x1e: {  	s7 =	smul.u32 @!p0 $0xF7A, s2;
	p2 =	seq.s32 @!p0 s5, $0x0  }
0x1f: {  	s9 =	smul.u32 $0xF7A, s1;
	s8 =	simm.s32 @!p0 $0x1BF5;
	p2 =	por !p2, p0  }
0x20: {  	[sflag:s8] =	ssyncset.s32 @!p0 $0xFFFFF086;
	s6 =	sadd.s32 @!p0 s3, s7;
	s7 =	simm.s32 @!p0 $0x108  }
0x21: {  	s3 =	sadd.s32 s3, s9;
	s6 =	sadd.s32 @!p0 $0x88, s6;
	s7 =	simm.s32 @p2 $0x1082  }
0x22: {  	[simem:s7], [sflag:s8] =	dma.local @!p0 [hbm:s6], $0xF7A  }
0x23: {  	s9 =	sor.u32 $0xD0000000, s2;
	s6 =	simm.s32 $0x108;
	_ =	swait.ge @!p0 [sflag:s8], $0x0  }
0x24: {  	s3 =	sadd.s32 $0x88, s3;
	s6 =	simm.s32 @!p1 $0x1082;
	[sflag:s4] =	ssyncset.s32 $0xFFFFF086  }
0x25: {  	[simem:s6], [sflag:s4] =	dma.local [hbm:s3], $0xF7A  }
0x26: {  	[smem:$0x3F8F] =	sst s1;
	(tag) =	ssettag s2;
	_ =	strace s9  }
0x27: {  	s1 =	sld [smem:$0x3F9F]  }
0x28: {  	s2 =	sld [smem:$0x3FA0]  }
0x29: {  	s4 =	sld [smem:$0x3FA2]  }
0x2a: {  	p0 =	seq.s32 s5, $0x0;
	s5 =	sld [smem:$0x3FA3]  }
0x2b: {  	s6 =	sld [smem:$0x3FA4]  }
0x2c: {  	s7 =	sld [smem:$0x3FA5]  }
0x2d: {  	s3 =	simm.s32 $0x108;
	s8 =	sld [smem:$0x3FA6]  }
0x2e: {  	s3 =	simm.s32 @!p0 $0x1082;
	s9 =	sld [smem:$0x3FA7]  }
0x2f: {  	lr =	sadd.s32 s0, s3;
	s0 =	sld [smem:$0x3F9E]  }
0x30: {  	s3 =	sld [smem:$0x3FA1]  }
0x31: {  	[smem:$0x3FAA] =	sst s10  }
0x32: {  	s10 =	sld [smem:$0x3FA8];
	_ =	sdelay $0x3  }
0x33: {  	p0 =	seq.s32 s10, $0x1;
	s10 =	sld [smem:$0x3FAA];
	_ =	sdelay $0x3  }
0x34: {  	[smem:$0x3FAA] =	sst s10  }
0x35: {  	s10 =	sld [smem:$0x3FA9];
	_ =	sdelay $0x3  }
0x36: {  	p1 =	seq.s32 s10, $0x1;
	s10 =	sld [smem:$0x3FAA];
	_ =	sdelay $0x3  }
0x37: {  	[smem:$0x3FAA] =	sst s10  }
0x38: {  	s10 =	sld [smem:$0x3FAB]  }
0x39: {  	_ = 	snop;
	(pc) =	sbr.ind lr, $3  }
0x3a: {  	_ = 	snop  }
0x3b: {  	_ = 	snop  }
0x3c: {  	p2 =	seq.s32 s10, $0x1;
	s10 =	sld [smem:$0x3FAA]  }
0x3d: {  	_ =	shalt  }
0x3e: {  	_ =	shalt  }
0x3f: {  	_ =	shalt  }
0x40: {  	_ =	shalt  }
0x41: {  	_ =	shalt  }
0x42: {  	_ =	shalt  }
0x43: {  	_ =	shalt  }
0x44: {  	_ =	shalt  }
0x45: {  	_ =	shalt  }
0x46: {  	_ =	shalt  }
0x47: {  	_ =	shalt  }
0x48: {  	_ =	shalt  }
0x49: {  	_ =	shalt  }
0x4a: {  	_ =	shalt  }
0x4b: {  	_ =	shalt  }
0x4c: {  	_ =	shalt  }
0x4d: {  	_ =	shalt  }
0x4e: {  	_ =	shalt  }
0x4f: {  	_ =	shalt  }
0x50: {  	_ =	shalt  }
0x51: {  	_ =	shalt  }
0x52: {  	_ =	shalt  }
0x53: {  	_ =	shalt  }
0x54: {  	_ =	shalt  }
0x55: {  	_ =	shalt  }
0x56: {  	_ =	shalt  }
0x57: {  	_ =	shalt  }
0x58: {  	_ =	shalt  }
0x59: {  	_ =	shalt  }
0x5a: {  	_ =	shalt  }
0x5b: {  	_ =	shalt  }
0x5c: {  	_ =	shalt  }
0x5d: {  	_ =	shalt  }
0x5e: {  	_ =	shalt  }
0x5f: {  	_ =	shalt  }
0x60: {  	_ =	shalt  }
0x61: {  	_ =	shalt  }
0x62: {  	_ =	shalt  }
0x63: {  	_ =	shalt  }
0x64: {  	_ =	shalt  }
0x65: {  	_ =	shalt  }
0x66: {  	_ =	shalt  }
0x67: {  	_ =	shalt  }
0x68: {  	_ =	shalt  }
0x69: {  	_ =	shalt  }
0x6a: {  	_ =	shalt  }
0x6b: {  	_ =	shalt  }
0x6c: {  	_ =	shalt  }
0x6d: {  	_ =	shalt  }
0x6e: {  	_ =	shalt  }
0x6f: {  	_ =	shalt  }
0x70: {  	_ =	shalt  }
0x71: {  	_ =	shalt  }
0x72: {  	_ =	shalt  }
0x73: {  	_ =	shalt  }
0x74: {  	_ =	shalt  }
0x75: {  	_ =	shalt  }
0x76: {  	_ =	shalt  }
0x77: {  	_ =	shalt  }
0x78: {  	_ =	shalt  }
0x79: {  	_ =	shalt  }
0x7a: {  	_ =	shalt  }
0x7b: {  	_ =	shalt  }
0x7c: {  	_ =	shalt  }
0x7d: {  	_ =	shalt  }
0x7e: {  	_ =	shalt  }
0x7f: {  	_ =	shalt  }
0x80: {  	_ =	shalt  }
0x81: {  	_ =	shalt  }
0x82: {  	_ =	shalt  }
0x83: {  	_ =	shalt  }
0x84: {  	_ =	shalt  }
0x85: {  	_ =	shalt  }
0x86: {  	_ =	shalt  }
0x87: {  	_ =	shalt  }
.Lfunc_end0:
.L_simem_size_0:
called_computation_lowered:
.L_overlay_start_0:
0x88: {  	s2 =	sld [smem:$0x3FD9]  }
0x89: {  	s3 =	sld [smem:$0x3FFE];
	_ =	sdelay $0x1  }
0x8a: {  	s1 =	srdreg.scid  }
0x8b: {  	s0 =	sand.u32 $0x1, s1  }
0x8c: {  	s16 =	sshll.u32 s0, $0xA;
	s2 =	sadd.s32 s3, s2  }
0x8d: {  	s2 =	sadd.s32 s2, s16  }
0x8e: {  	[smem:$0x3FB6] =	sst s2  }
0x8f: {  	_ = 	snop  }
0x90: {  	(tm) =	ssettm $0x1  }
0x91: {  	s17 =	sld [smem:$0x3FFB];
	_ =	sdelay $0x3  }
0x92: {  	_ =	strace s17  }
0x93: {  	s2 =	sld [smem:$0x3FFC];
	_ =	sdelay $0x3  }
0x94: {  	_ =	strace s2  }
0x95: {  	s2 =	sld [smem:$0x3FFD];
	_ =	sdelay $0x3  }
0x96: {  	_ =	strace s2  }
0x97: {  	_ =	strace $0x8FFFFFFF  }
0x98: {  	s18 =	sld [smem:$0x3FDB];
	_ =	sdelay $0x1  }
0x99: {  	s19 =	simm.s32 $_scs_section_size  }
0x9a: {  	s4 =	simm.s32 $_size__tile_overlayer_lowered;
	s5 =	simm.s32 $_tile_overlayer_lowered  }
0x9b: {  	s22 =	simm.s32 $0x1BFF;
	s21 =	sshll.u32 s5, $0x1;
	s2 =	sadd.s32 s19, s18  }
0x9c: {  	s6 =	simm.s32 $0x0;
	s20 =	sshll.u32 s4, $0x1;
	s4 =	sadd.s32 s21, s2  }
0x9d: {  	[timem:s6], [sflag:s22] =	dma.local [hbm:s4], s20  }
0x9e: {  	_ =	swait.ge [sflag:s22], s20  }
0x9f: {  	s3 =	ssub.s32 $0x0, s20;
	[sflag:s22] =	ssyncset.done $0x0  }
0xa0: {  	[sflag:s22] =	ssyncadd.s32 s3;
	_ =	sdelay $0x1  }
0xa1: {  	s23 =	simm.s32 $0x1B8B  }
0xa2: {  	_ =	swait.ge [sflag:s23], $0x1  }
0xa3: {  	[sflag:s23] =	ssyncset.done $0x0  }
0xa4: {  	s25 =	simm.s32 $0x1B8E;
	s24 =	sld [smem:$0x3FFE];
	[sflag:s23] =	ssyncadd.s32 $0xFFFFFFFF  }
0xa5: {  	s26 =	simm.s32 $execute0_lowered;
	[smem:$0x3FD2] =	sst s25  }
0xa6: {  	s4 =	sshll.u32 s26, $0x1;
	_ =	strace $0x80000046;
	[dreg:$0x1] =	wrdreg $0xFFFFFFFF  }
0xa7: {  	s28 =	simm.s32 $_size_execute0_lowered;
	s2 =	sadd.s32 s2, s4;
	[dreg:$0x0] =	wrdreg $0x0  }
0xa8: {  	s4 =	sshll.u32 s28, $0x1;
	[dreg:$0x2] =	wrdreg s2  }
0xa9: {  	[dreg:$0x3] =	wrdreg s4  }
0xaa: {  	[dreg:$0x4] =	wrdreg $0xC0  }
0xab: {  	_ =	task [dreg:s6], $0x5FFFF  }
0xac: {  	[dreg:$0x1] =	wrdreg $0xFFFFFFFF  }
0xad: {  	[dreg:$0x0] =	wrdreg $0x60  }
0xae: {  	[dreg:$0x2] =	wrdreg s24  }
0xaf: {  	[dreg:$0x3] =	wrdreg $0x9  }
0xb0: {  	_ =	task.clear_ibuf [dreg:s6], $0x4FFFF;
	_ =	strace $0x90000046  }
0xb1: {  	s29 =	simm.s32 $0x9;
	_ =	strace $0x80000048  }
0xb2: {  	_ =	swait.ge [sflag:s29], $0x1  }
0xb3: {  	[sflag:s29] =	ssyncadd.s32 $0xFFFFFFFF  }
0xb4: {  	_ =	strace $0x90000048  }
0xb5: {  	_ =	sfence  }
0xb6: {  	s30 =	sld [smem:$0x0];
	_ =	sdelay $0x2  }
0xb7: {  	s31 =	sshll.u32 s1, $0xD;
	s1 =	sshrl.u32 s1, $0x2  }
0xb8: {  	s3 =	sand.u32 $0x4000, s31;
	s1 =	sadd.s32 s1, s30  }
0xb9: {  	s0 =	sor.u32 s3, s0;
	s1 =	sshll.u32 s1, $0x11  }
0xba: {  	s0 =	sor.u32 s1, s0  }
0xbb: {  	s0 =	sadd.s32 $0x8F2B, s0  }
0xbc: {  	[sflag:s0] =	ssyncadd.remote.s32 $0x1  }
0xbd: {  	_ =	sfence.sel $0xFFFF  }
0xbe: {  	[dreg:$0x0] =	wrdreg $0xFFFFFFFF;
	(pc) =	sbr.abs _section_cstart, $3  }
0xbf: {  	[dreg:$0x1] =	wrdreg $0xFFFFFFFF  }
0xc0: {  	_ =	task.clear_ibuf [dreg:s6], $0x2FFFF;
	_ =	strace $0x9FFFFFFF  }
0xc1: {  	(tm) =	ssettm $0x7FFFFFFF  }
tec
execute0_lowered:
.L_overlay_start_1:
0x0: {  	(tag) =	ssettag $0x1  }
0x1: {  	s1 =	srdreg.scid;
	s0 =	stileid.u32  }
0x2: {  	s4 =	rddreg [dreg:$0x0];
	s2 =	simm.s32 $0x0;
	s8 =	simm.s32 $0x13900  }
0x3: {  	s9 =	simm.s32 $0x1;
	s10 =	simm.s32 $0x14580;
	s11 =	simm.s32 $0x9C80  }
0x4: {  	s12 =	simm.s32 $0x2;
	s3 =	sand.u32 $0x1, s1;
	s31 =	sshll.u32 s0, $0x1  }
0x5: {  	s13 =	simm.s32 $0x0;
	s1 =	rddreg [dreg:$0x1];
	s5 =	sor.u32 s3, s31  }
0x6: {  	[smem:$0x7FF] =	sst s2;
	s6 =	ssub.s32 $0x2, s3;
	s5 =	smul.u32 $0x1388, s5  }
0x7: {  	_ =	strace $0x80000047;
	s3 =	sadd.s32 $0x3800, s4;
	s7 =	sshrl.u32 s6, $0x1  }
0x8: {  	s6 =	ssub.s32 s6, s7;
	s7 =	simm.s32 $0x3;
	s5 =	sadd.s32 s5, s4  }
0x9: {  	v0 =	vimm.f32 $0.0e+00;
	s6 =	smax.u32 s6, $0x1;
	s4 =	sadd.s32 $0xD600, s5;
	s5 =	sadd.s32 $0x34800, s5  }
.LBB2_1:
0xa: {  	[tilespmem:s2], [sflag:$0x3] =	stream.linear.gather [hbm4b:s4+s2], $0x9C40, $0x38;
	[tilespmem:$0x15200] =	vst v63  }
0xb: {  	_ =	swait.ge [sflag:s7], $0x9C40  }
0xc: {  	[sflag:s7] =	ssyncset.done $0x0  }
0xd: {  	s14 =	simm.s32 $0x40;
	s15 =	simm.s32 $0x0;
	[sflag:s7] =	ssyncadd.s32 $0xFFFF63C0  }
0xe: {  	[tilespmem:s8], [sflag:$0x1] =	stream.linear.gather [hbm4b:s3+s2], $0xC80, $0x38;
	[tilespmem:$0x15200] =	vst v63  }
.LBB2_2:
0xf: {  	p0 =	sne.s32 s14, $0x270C0;
	[tilespmem:s15+$0x9C80] =	vst v0;
	s15 =	smov.u32 s14;
	s14 =	sadd.s32 $0x40, s14  }
.Ltmp0:
0x10: {  	(pc) =	sbr.rel @p0 .LBB2_2-.Ltmp0, $2  }
0x11: {  	_ =	sdelay $0x2  }
0x12: {  	s15 =	sshra.s32 s15, $0x2  }
0x13: {  	[tilespmem:s15+$0x9C80] =	vst v0;
	s14 =	simm.s32 $0x0;
	s15 =	simm.s32 $0x0  }
.LBB2_4:
0x14: {  	s16 =	smul.u32 $0x1900, s15;
	_ =	sdelay $0x1  }
0x15: {  	_ =	swait.ge [sflag:s9], $0xC80;
	s17 =	sshrl.u32 s16, $0x3  }
0x16: {  	[sflag:s9] =	ssyncset.done $0x0;
	s17 =	sadd.s32 s3, s17  }
0x17: {  	[sflag:s9] =	ssyncadd.s32 $0xFFFFF380;
	s17 =	sadd.s32 $0x190, s17  }
0x18: {  	[tilespmem:s10], [sflag:$0x2] =	stream.linear.gather [hbm4b:s17+s14], $0xC80, $0x38;
	[tilespmem:$0x15200] =	vst v63  }
0x19: {  	s17 =	simm.s32 $0x0  }
.LBB2_5:
0x1a: {  	s18 =	sshra.s32 s17, $0x2  }
0x1b: {  	v1 =	vld [tilespmem:s18+$0x13900]  }
0x1c: {  	v3 =	vld [tilespmem:s18+$0x13910]  }
0x1d: {  	v7 =	vld [tilespmem:s18+$0x13920]  }
0x1e: {  	v13 =	vld [tilespmem:s18+$0x13930]  }
0x1f: {  	v18 =	vld [tilespmem:s18+$0x13940]  }
0x20: {  	v23 =	vld [tilespmem:s18+$0x13950]  }
0x21: {  	v27 =	vld [tilespmem:s18+$0x13960]  }
0x22: {  	v32 =	vld [tilespmem:s18+$0x13970]  }
0x23: {  	v2 =	vand.u32 $0x3FFF, v1  }
0x24: {  	v8 =	vand.u32 $0x3FFF, v3  }
0x25: {  	v12 =	vand.u32 $0x3FFF, v7  }
0x26: {  	v17 =	vand.u32 $0x3FFF, v13;
	v22 =	vand.u32 $0x3FFF, v18  }
0x27: {  	v28 =	vand.u32 $0x3FFF, v23;
	v33 =	vand.u32 $0x3FFF, v27;
	v37 =	vand.u32 $0x3FFF, v32  }
0x28: {  	v4 =	vadd.s32 $0x2710, v2;
	v5 =	vadd.s32 $0x4E20, v2;
	v6 =	vadd.s32 $0x7530, v2;
	v2 =	vld.idx.msk [tilespmem:v2+s2+$0x0], $0xffff  }
0x29: {  	v9 =	vadd.s32 $0x2710, v8;
	v10 =	vadd.s32 $0x4E20, v8;
	v11 =	vadd.s32 $0x7530, v8;
	v8 =	vld.idx.msk [tilespmem:v8+s2+$0x0], $0xffff  }
0x2a: {  	v14 =	vadd.s32 $0x2710, v12;
	v15 =	vadd.s32 $0x4E20, v12;
	v16 =	vadd.s32 $0x7530, v12;
	v12 =	vld.idx.msk [tilespmem:v12+s2+$0x0], $0xffff  }
0x2b: {  	v19 =	vadd.s32 $0x2710, v17;
	v20 =	vadd.s32 $0x4E20, v17;
	v21 =	vadd.s32 $0x7530, v17;
	v17 =	vld.idx.msk [tilespmem:v17+s2+$0x0], $0xffff  }
0x2c: {  	v24 =	vadd.s32 $0x2710, v22;
	v25 =	vadd.s32 $0x4E20, v22;
	v26 =	vadd.s32 $0x7530, v22;
	v22 =	vld.idx.msk [tilespmem:v22+s2+$0x0], $0xffff  }
0x2d: {  	v29 =	vadd.s32 $0x2710, v28;
	v30 =	vadd.s32 $0x4E20, v28;
	v31 =	vadd.s32 $0x7530, v28;
	v28 =	vld.idx.msk [tilespmem:v28+s2+$0x0], $0xffff  }
0x2e: {  	v34 =	vadd.s32 $0x2710, v33;
	v35 =	vadd.s32 $0x4E20, v33;
	v36 =	vadd.s32 $0x7530, v33;
	v33 =	vld.idx.msk [tilespmem:v33+s2+$0x0], $0xffff  }
0x2f: {  	v38 =	vadd.s32 $0x2710, v37;
	v39 =	vadd.s32 $0x4E20, v37;
	v40 =	vadd.s32 $0x7530, v37;
	v37 =	vld.idx.msk [tilespmem:v37+s2+$0x0], $0xffff  }
0x30: {  	v4 =	vld.idx.msk [tilespmem:v4+s2+$0x0], $0xffff  }
0x31: {  	v5 =	vld.idx.msk [tilespmem:v5+s2+$0x0], $0xffff  }
0x32: {  	v6 =	vld.idx.msk [tilespmem:v6+s2+$0x0], $0xffff  }
0x33: {  	v9 =	vld.idx.msk [tilespmem:v9+s2+$0x0], $0xffff  }
0x34: {  	v10 =	vld.idx.msk [tilespmem:v10+s2+$0x0], $0xffff  }
0x35: {  	v11 =	vld.idx.msk [tilespmem:v11+s2+$0x0], $0xffff  }
0x36: {  	v14 =	vld.idx.msk [tilespmem:v14+s2+$0x0], $0xffff  }
0x37: {  	v15 =	vld.idx.msk [tilespmem:v15+s2+$0x0], $0xffff  }
0x38: {  	v16 =	vld.idx.msk [tilespmem:v16+s2+$0x0], $0xffff  }
0x39: {  	v19 =	vld.idx.msk [tilespmem:v19+s2+$0x0], $0xffff  }
0x3a: {  	v20 =	vld.idx.msk [tilespmem:v20+s2+$0x0], $0xffff  }
0x3b: {  	v21 =	vld.idx.msk [tilespmem:v21+s2+$0x0], $0xffff  }
0x3c: {  	v24 =	vld.idx.msk [tilespmem:v24+s2+$0x0], $0xffff  }
0x3d: {  	v25 =	vld.idx.msk [tilespmem:v25+s2+$0x0], $0xffff  }
0x3e: {  	v26 =	vld.idx.msk [tilespmem:v26+s2+$0x0], $0xffff  }
0x3f: {  	v29 =	vld.idx.msk [tilespmem:v29+s2+$0x0], $0xffff  }
0x40: {  	v30 =	vld.idx.msk [tilespmem:v30+s2+$0x0], $0xffff  }
0x41: {  	v31 =	vld.idx.msk [tilespmem:v31+s2+$0x0], $0xffff  }
0x42: {  	v34 =	vld.idx.msk [tilespmem:v34+s2+$0x0], $0xffff  }
0x43: {  	v1 =	vshrl.u32 v1, $0xE;
	v35 =	vld.idx.msk [tilespmem:v35+s2+$0x0], $0xffff  }
0x44: {  	v41 =	vadd.s32 $0x2710, v1;
	v36 =	vld.idx.msk [tilespmem:v36+s2+$0x0], $0xffff  }
0x45: {  	v42 =	vadd.s32 $0x4E20, v1;
	v38 =	vld.idx.msk [tilespmem:v38+s2+$0x0], $0xffff  }
0x46: {  	v43 =	vadd.s32 $0x7530, v1;
	v39 =	vld.idx.msk [tilespmem:v39+s2+$0x0], $0xffff  }
0x47: {  	v3 =	vshrl.u32 v3, $0xE;
	v40 =	vld.idx.msk [tilespmem:v40+s2+$0x0], $0xffff  }
0x48: {  	[tilespmem:v1+s11+$0x0] =	vst.idx.add.f32.msk $0xffff, v2;
	v1 =	vadd.s32 $0x2710, v3  }
0x49: {  	v2 =	vadd.s32 $0x4E20, v3;
	[tilespmem:v41+s11+$0x0] =	vst.idx.add.f32.msk $0xffff, v4  }
0x4a: {  	v53 =	vadd.s32 $0x7530, v3;
	[tilespmem:v42+s11+$0x0] =	vst.idx.add.f32.msk $0xffff, v5  }
0x4b: {  	v54 =	vshrl.u32 v7, $0xE;
	[tilespmem:v43+s11+$0x0] =	vst.idx.add.f32.msk $0xffff, v6  }
0x4c: {  	[tilespmem:v3+s11+$0x0] =	vst.idx.add.f32.msk $0xffff, v8;
	v3 =	vadd.s32 $0x2710, v54  }
0x4d: {  	[tilespmem:v1+s11+$0x0] =	vst.idx.add.f32.msk $0xffff, v9;
	v1 =	vadd.s32 $0x4E20, v54  }
0x4e: {  	[tilespmem:v2+s11+$0x0] =	vst.idx.add.f32.msk $0xffff, v10;
	v2 =	vadd.s32 $0x7530, v54  }
0x4f: {  	v55 =	vshrl.u32 v13, $0xE;
	[tilespmem:v53+s11+$0x0] =	vst.idx.add.f32.msk $0xffff, v11  }
0x50: {  	v56 =	vadd.s32 $0x2710, v55;
	[tilespmem:v54+s11+$0x0] =	vst.idx.add.f32.msk $0xffff, v12  }
0x51: {  	[tilespmem:v3+s11+$0x0] =	vst.idx.add.f32.msk $0xffff, v14;
	v3 =	vadd.s32 $0x4E20, v55  }
0x52: {  	[tilespmem:v1+s11+$0x0] =	vst.idx.add.f32.msk $0xffff, v15;
	v1 =	vadd.s32 $0x7530, v55  }
0x53: {  	v57 =	vshrl.u32 v18, $0xE;
	[tilespmem:v2+s11+$0x0] =	vst.idx.add.f32.msk $0xffff, v16  }
0x54: {  	v2 =	vadd.s32 $0x2710, v57;
	[tilespmem:v55+s11+$0x0] =	vst.idx.add.f32.msk $0xffff, v17  }
0x55: {  	v58 =	vadd.s32 $0x4E20, v57;
	[tilespmem:v56+s11+$0x0] =	vst.idx.add.f32.msk $0xffff, v19  }
0x56: {  	[tilespmem:v3+s11+$0x0] =	vst.idx.add.f32.msk $0xffff, v20;
	v3 =	vadd.s32 $0x7530, v57  }
0x57: {  	v59 =	vshrl.u32 v23, $0xE;
	[tilespmem:v1+s11+$0x0] =	vst.idx.add.f32.msk $0xffff, v21  }
0x58: {  	v1 =	vadd.s32 $0x2710, v59;
	[tilespmem:v57+s11+$0x0] =	vst.idx.add.f32.msk $0xffff, v22  }
0x59: {  	[tilespmem:v2+s11+$0x0] =	vst.idx.add.f32.msk $0xffff, v24;
	v2 =	vadd.s32 $0x4E20, v59  }
0x5a: {  	v60 =	vadd.s32 $0x7530, v59;
	[tilespmem:v58+s11+$0x0] =	vst.idx.add.f32.msk $0xffff, v25  }
0x5b: {  	v61 =	vshrl.u32 v27, $0xE;
	[tilespmem:v3+s11+$0x0] =	vst.idx.add.f32.msk $0xffff, v26  }
0x5c: {  	v3 =	vadd.s32 $0x2710, v61;
	[tilespmem:v59+s11+$0x0] =	vst.idx.add.f32.msk $0xffff, v28  }
0x5d: {  	[tilespmem:v1+s11+$0x0] =	vst.idx.add.f32.msk $0xffff, v29;
	v1 =	vadd.s32 $0x4E20, v61  }
0x5e: {  	[tilespmem:v2+s11+$0x0] =	vst.idx.add.f32.msk $0xffff, v30;
	v2 =	vadd.s32 $0x7530, v61  }
0x5f: {  	v62 =	vshrl.u32 v32, $0xE;
	[tilespmem:v60+s11+$0x0] =	vst.idx.add.f32.msk $0xffff, v31  }
0x60: {  	v63 =	vadd.s32 $0x2710, v62;
	[tilespmem:v61+s11+$0x0] =	vst.idx.add.f32.msk $0xffff, v33  }
0x61: {  	[tilespmem:v3+s11+$0x0] =	vst.idx.add.f32.msk $0xffff, v34;
	v3 =	vadd.s32 $0x4E20, v62  }
0x62: {  	p0 =	sne.s32 s17, $0x3000;
	[tilespmem:v1+s11+$0x0] =	vst.idx.add.f32.msk $0xffff, v35;
	v1 =	vadd.s32 $0x7530, v62  }
.Ltmp1:
0x63: {  	[tilespmem:v2+s11+$0x0] =	vst.idx.add.f32.msk $0xffff, v36;
	(pc) =	sbr.rel @p0 .LBB2_5-.Ltmp1, $4  }
0x64: {  	[tilespmem:v62+s11+$0x0] =	vst.idx.add.f32.msk $0xffff, v37  }
0x65: {  	[tilespmem:v63+s11+$0x0] =	vst.idx.add.f32.msk $0xffff, v38  }
0x66: {  	[tilespmem:v3+s11+$0x0] =	vst.idx.add.f32.msk $0xffff, v39  }
0x67: {  	s17 =	sadd.s32 $0x200, s17;
	[tilespmem:v1+s11+$0x0] =	vst.idx.add.f32.msk $0xffff, v40  }
0x68: {  	p0 =	seq.s32 s15, $0x31  }
0x69: {  	_ =	swait.ge [sflag:s12], $0xC80;
	s16 =	sshrl.u32 @!p0 s16, $0x3  }
0x6a: {  	[sflag:s12] =	ssyncset.done $0x0;
	s17 =	simm.s32 @!p0 $0x0;
	s16 =	sadd.s32 @!p0 s3, s16  }
0x6b: {  	s18 =	simm.s32 @!p0 $0x13900;
	[sflag:s12] =	ssyncadd.s32 $0xFFFFF380;
	s16 =	sadd.s32 @!p0 $0x320, s16  }
0x6c: {  	[tilespmem:s18], [sflag:$0x1] =	stream.linear.gather @!p0 [hbm4b:s16+s17], $0xC80, $0x38;
	[tilespmem:$0x15200] =	vst v63  }
0x6d: {  	s16 =	simm.s32 $0x0  }
.LBB2_7:
0x6e: {  	s17 =	sshra.s32 s16, $0x2  }
0x6f: {  	v1 =	vld [tilespmem:s17+$0x14580]  }
0x70: {  	v3 =	vld [tilespmem:s17+$0x14590]  }
0x71: {  	v7 =	vld [tilespmem:s17+$0x145A0]  }
0x72: {  	v13 =	vld [tilespmem:s17+$0x145B0]  }
0x73: {  	v18 =	vld [tilespmem:s17+$0x145C0]  }
0x74: {  	v23 =	vld [tilespmem:s17+$0x145D0]  }
0x75: {  	v27 =	vld [tilespmem:s17+$0x145E0]  }
0x76: {  	v32 =	vld [tilespmem:s17+$0x145F0]  }
0x77: {  	v2 =	vand.u32 $0x3FFF, v1  }
0x78: {  	v8 =	vand.u32 $0x3FFF, v3  }
0x79: {  	v12 =	vand.u32 $0x3FFF, v7  }
0x7a: {  	v17 =	vand.u32 $0x3FFF, v13;
	v22 =	vand.u32 $0x3FFF, v18  }
0x7b: {  	v28 =	vand.u32 $0x3FFF, v23;
	v33 =	vand.u32 $0x3FFF, v27;
	v37 =	vand.u32 $0x3FFF, v32  }
0x7c: {  	v4 =	vadd.s32 $0x2710, v2;
	v5 =	vadd.s32 $0x4E20, v2;
	v6 =	vadd.s32 $0x7530, v2;
	v2 =	vld.idx.msk [tilespmem:v2+s2+$0x0], $0xffff  }
0x7d: {  	v9 =	vadd.s32 $0x2710, v8;
	v10 =	vadd.s32 $0x4E20, v8;
	v11 =	vadd.s32 $0x7530, v8;
	v8 =	vld.idx.msk [tilespmem:v8+s2+$0x0], $0xffff  }
0x7e: {  	v14 =	vadd.s32 $0x2710, v12;
	v15 =	vadd.s32 $0x4E20, v12;
	v16 =	vadd.s32 $0x7530, v12;
	v12 =	vld.idx.msk [tilespmem:v12+s2+$0x0], $0xffff  }
0x7f: {  	v19 =	vadd.s32 $0x2710, v17;
	v20 =	vadd.s32 $0x4E20, v17;
	v21 =	vadd.s32 $0x7530, v17;
	v17 =	vld.idx.msk [tilespmem:v17+s2+$0x0], $0xffff  }
0x80: {  	v24 =	vadd.s32 $0x2710, v22;
	v25 =	vadd.s32 $0x4E20, v22;
	v26 =	vadd.s32 $0x7530, v22;
	v22 =	vld.idx.msk [tilespmem:v22+s2+$0x0], $0xffff  }
0x81: {  	v29 =	vadd.s32 $0x2710, v28;
	v30 =	vadd.s32 $0x4E20, v28;
	v31 =	vadd.s32 $0x7530, v28;
	v28 =	vld.idx.msk [tilespmem:v28+s2+$0x0], $0xffff  }
0x82: {  	v34 =	vadd.s32 $0x2710, v33;
	v35 =	vadd.s32 $0x4E20, v33;
	v36 =	vadd.s32 $0x7530, v33;
	v33 =	vld.idx.msk [tilespmem:v33+s2+$0x0], $0xffff  }
0x83: {  	v38 =	vadd.s32 $0x2710, v37;
	v39 =	vadd.s32 $0x4E20, v37;
	v40 =	vadd.s32 $0x7530, v37;
	v37 =	vld.idx.msk [tilespmem:v37+s2+$0x0], $0xffff  }
0x84: {  	v4 =	vld.idx.msk [tilespmem:v4+s2+$0x0], $0xffff  }
0x85: {  	v5 =	vld.idx.msk [tilespmem:v5+s2+$0x0], $0xffff  }
0x86: {  	v6 =	vld.idx.msk [tilespmem:v6+s2+$0x0], $0xffff  }
0x87: {  	v9 =	vld.idx.msk [tilespmem:v9+s2+$0x0], $0xffff  }
0x88: {  	v10 =	vld.idx.msk [tilespmem:v10+s2+$0x0], $0xffff  }
0x89: {  	v11 =	vld.idx.msk [tilespmem:v11+s2+$0x0], $0xffff  }
0x8a: {  	v14 =	vld.idx.msk [tilespmem:v14+s2+$0x0], $0xffff  }
0x8b: {  	v15 =	vld.idx.msk [tilespmem:v15+s2+$0x0], $0xffff  }
0x8c: {  	v16 =	vld.idx.msk [tilespmem:v16+s2+$0x0], $0xffff  }
0x8d: {  	v19 =	vld.idx.msk [tilespmem:v19+s2+$0x0], $0xffff  }
0x8e: {  	v20 =	vld.idx.msk [tilespmem:v20+s2+$0x0], $0xffff  }
0x8f: {  	v21 =	vld.idx.msk [tilespmem:v21+s2+$0x0], $0xffff  }
0x90: {  	v24 =	vld.idx.msk [tilespmem:v24+s2+$0x0], $0xffff  }
0x91: {  	v25 =	vld.idx.msk [tilespmem:v25+s2+$0x0], $0xffff  }
0x92: {  	v26 =	vld.idx.msk [tilespmem:v26+s2+$0x0], $0xffff  }
0x93: {  	v29 =	vld.idx.msk [tilespmem:v29+s2+$0x0], $0xffff  }
0x94: {  	v30 =	vld.idx.msk [tilespmem:v30+s2+$0x0], $0xffff  }
0x95: {  	v31 =	vld.idx.msk [tilespmem:v31+s2+$0x0], $0xffff  }
0x96: {  	v34 =	vld.idx.msk [tilespmem:v34+s2+$0x0], $0xffff  }
0x97: {  	v1 =	vshrl.u32 v1, $0xE;
	v35 =	vld.idx.msk [tilespmem:v35+s2+$0x0], $0xffff  }
0x98: {  	v41 =	vadd.s32 $0x2710, v1;
	v36 =	vld.idx.msk [tilespmem:v36+s2+$0x0], $0xffff  }
0x99: {  	v42 =	vadd.s32 $0x4E20, v1;
	v38 =	vld.idx.msk [tilespmem:v38+s2+$0x0], $0xffff  }
0x9a: {  	v43 =	vadd.s32 $0x7530, v1;
	v39 =	vld.idx.msk [tilespmem:v39+s2+$0x0], $0xffff  }
0x9b: {  	v3 =	vshrl.u32 v3, $0xE;
	v40 =	vld.idx.msk [tilespmem:v40+s2+$0x0], $0xffff  }
0x9c: {  	[tilespmem:v1+s11+$0x0] =	vst.idx.add.f32.msk $0xffff, v2;
	v1 =	vadd.s32 $0x2710, v3  }
0x9d: {  	v2 =	vadd.s32 $0x4E20, v3;
	[tilespmem:v41+s11+$0x0] =	vst.idx.add.f32.msk $0xffff, v4  }
0x9e: {  	v53 =	vadd.s32 $0x7530, v3;
	[tilespmem:v42+s11+$0x0] =	vst.idx.add.f32.msk $0xffff, v5  }
0x9f: {  	v54 =	vshrl.u32 v7, $0xE;
	[tilespmem:v43+s11+$0x0] =	vst.idx.add.f32.msk $0xffff, v6  }
0xa0: {  	[tilespmem:v3+s11+$0x0] =	vst.idx.add.f32.msk $0xffff, v8;
	v3 =	vadd.s32 $0x2710, v54  }
0xa1: {  	[tilespmem:v1+s11+$0x0] =	vst.idx.add.f32.msk $0xffff, v9;
	v1 =	vadd.s32 $0x4E20, v54  }
0xa2: {  	[tilespmem:v2+s11+$0x0] =	vst.idx.add.f32.msk $0xffff, v10;
	v2 =	vadd.s32 $0x7530, v54  }
0xa3: {  	v55 =	vshrl.u32 v13, $0xE;
	[tilespmem:v53+s11+$0x0] =	vst.idx.add.f32.msk $0xffff, v11  }
0xa4: {  	v56 =	vadd.s32 $0x2710, v55;
	[tilespmem:v54+s11+$0x0] =	vst.idx.add.f32.msk $0xffff, v12  }
0xa5: {  	[tilespmem:v3+s11+$0x0] =	vst.idx.add.f32.msk $0xffff, v14;
	v3 =	vadd.s32 $0x4E20, v55  }
0xa6: {  	[tilespmem:v1+s11+$0x0] =	vst.idx.add.f32.msk $0xffff, v15;
	v1 =	vadd.s32 $0x7530, v55  }
0xa7: {  	v57 =	vshrl.u32 v18, $0xE;
	[tilespmem:v2+s11+$0x0] =	vst.idx.add.f32.msk $0xffff, v16  }
0xa8: {  	v2 =	vadd.s32 $0x2710, v57;
	[tilespmem:v55+s11+$0x0] =	vst.idx.add.f32.msk $0xffff, v17  }
0xa9: {  	v58 =	vadd.s32 $0x4E20, v57;
	[tilespmem:v56+s11+$0x0] =	vst.idx.add.f32.msk $0xffff, v19  }
0xaa: {  	[tilespmem:v3+s11+$0x0] =	vst.idx.add.f32.msk $0xffff, v20;
	v3 =	vadd.s32 $0x7530, v57  }
0xab: {  	v59 =	vshrl.u32 v23, $0xE;
	[tilespmem:v1+s11+$0x0] =	vst.idx.add.f32.msk $0xffff, v21  }
0xac: {  	v1 =	vadd.s32 $0x2710, v59;
	[tilespmem:v57+s11+$0x0] =	vst.idx.add.f32.msk $0xffff, v22  }
0xad: {  	[tilespmem:v2+s11+$0x0] =	vst.idx.add.f32.msk $0xffff, v24;
	v2 =	vadd.s32 $0x4E20, v59  }
0xae: {  	v60 =	vadd.s32 $0x7530, v59;
	[tilespmem:v58+s11+$0x0] =	vst.idx.add.f32.msk $0xffff, v25  }
0xaf: {  	v61 =	vshrl.u32 v27, $0xE;
	[tilespmem:v3+s11+$0x0] =	vst.idx.add.f32.msk $0xffff, v26  }
0xb0: {  	v3 =	vadd.s32 $0x2710, v61;
	[tilespmem:v59+s11+$0x0] =	vst.idx.add.f32.msk $0xffff, v28  }
0xb1: {  	[tilespmem:v1+s11+$0x0] =	vst.idx.add.f32.msk $0xffff, v29;
	v1 =	vadd.s32 $0x4E20, v61  }
0xb2: {  	[tilespmem:v2+s11+$0x0] =	vst.idx.add.f32.msk $0xffff, v30;
	v2 =	vadd.s32 $0x7530, v61  }
0xb3: {  	v62 =	vshrl.u32 v32, $0xE;
	[tilespmem:v60+s11+$0x0] =	vst.idx.add.f32.msk $0xffff, v31  }
0xb4: {  	v63 =	vadd.s32 $0x2710, v62;
	[tilespmem:v61+s11+$0x0] =	vst.idx.add.f32.msk $0xffff, v33  }
0xb5: {  	[tilespmem:v3+s11+$0x0] =	vst.idx.add.f32.msk $0xffff, v34;
	v3 =	vadd.s32 $0x4E20, v62  }
0xb6: {  	p0 =	sne.s32 s16, $0x3000;
	[tilespmem:v1+s11+$0x0] =	vst.idx.add.f32.msk $0xffff, v35;
	v1 =	vadd.s32 $0x7530, v62  }
.Ltmp2:
0xb7: {  	[tilespmem:v2+s11+$0x0] =	vst.idx.add.f32.msk $0xffff, v36;
	(pc) =	sbr.rel @p0 .LBB2_7-.Ltmp2, $4  }
0xb8: {  	[tilespmem:v62+s11+$0x0] =	vst.idx.add.f32.msk $0xffff, v37  }
0xb9: {  	[tilespmem:v63+s11+$0x0] =	vst.idx.add.f32.msk $0xffff, v38  }
0xba: {  	[tilespmem:v3+s11+$0x0] =	vst.idx.add.f32.msk $0xffff, v39  }
0xbb: {  	s16 =	sadd.s32 $0x200, s16;
	[tilespmem:v1+s11+$0x0] =	vst.idx.add.f32.msk $0xffff, v40  }
0xbc: {  	s15 =	sadd.s32 $0x1, s15  }
0xbd: {  	p0 =	sne.s32 s15, $0x32  }
.Ltmp3:
0xbe: {  	_ = 	snop;
	(pc) =	sbr.rel @p0 .LBB2_4-.Ltmp3, $1  }
0xbf: {  	_ =	sdelay $0x3  }
0xc0: {  	s13 =	sadd.s32 $0x1, s13  }
0xc1: {  	p0 =	sne.s32 s13, s6  }
.Ltmp4:
0xc2: {  	_ = 	snop;
	(pc) =	sbr.rel @p0 .LBB2_1-.Ltmp4, $4  }
0xc3: {  	[hbm4b:s5+s2] =	stream.linear.scatter [tilespmem:s11], [sflag:$0x3], $0x9C40, $0x38;
	[tilespmem:$0x15200] =	vst v63  }
0xc4: {  	_ =	swait.ge [sflag:s7], $0x9C40  }
0xc5: {  	[sflag:s7] =	ssyncset.done $0x0  }
0xc6: {  	[sflag:s7] =	ssyncadd.s32 $0xFFFF63C0  }
0xc7: {  	_ =	sfence.sel $0x180000  }
0xc8: {  	[bflag:$0x0] =	sbarrier.arrive $0xFFFF  }
0xc9: {  	p0 =	sne.s32 s0, $0x0;
	_ =	strace $0x90000047  }
0xca: {  	s0 =	sadd.s32 @!p0 $0x100000, s1;
	[bflag:$0x2] =	sbarrier.arrive $0xFFFF  }
0xcb: {  	[sflag:s0] =	ssyncadd.tile.s32 @!p0 $0x1;
	_ =	shalt  }
.Lfunc_end2:
_tile_overlayer_lowered:
.L_overlay_start_2:
0xcc: {  	(tag) =	ssettag $0x2  }
0xcd: {  	s0 =	rddreg [dreg:$0x0];
	s2 =	stileid.u32  }
0xce: {  	s1 =	rddreg [dreg:$0x1];
	p0 =	sne.s32 s2, $0x0  }
0xcf: {  	s3 =	rddreg [dreg:$0x2];
	[bflag:$0x3] =	sbarrier.arrive $0xFFFF;
	s2 =	simm.s32 @!p0 $0x1C03  }
0xd0: {  	[timem:s3], [sflag:s2] =	dma.local @!p0 [hbm:s0], s1  }
0xd1: {  	s0 =	simm.s32 @!p0 $0x3  }
0xd2: {  	_ =	swait.ge @!p0 [sflag:s0], s1  }
0xd3: {  	s1 =	ssub.s32 @!p0 $0x0, s1;
	[sflag:s0] =	ssyncset.done @!p0 $0x0  }
0xd4: {  	[sflag:s0] =	ssyncadd.s32 @!p0 s1  }
0xd5: {  	[bflag:$0x3] =	sbarrier.arrive $0xFFFF  }
0xd6: {  	_ =	shalt  }

</sc_bundles>
